<compile_context>
chip_gen: v7x
topology: tpu7x:2x2x1
jax: 0.10.2.dev20260603
libtpu: 0.0.44.dev20260713+nightly
codegen_flags: <defaults>
</compile_context>

<pallas_src>
import functools

import jax
import jax.numpy as jnp
import numpy as np
from jax.experimental import pallas as pl
from jax.experimental.pallas import tpu as pltpu
from jax.experimental.pallas import tpu_sc as plsc

_N = 10000
_E = 320000
_DN = 128
_DE = 16
_H = 2
_DH = 64
_NP = 10240



def _xpre_body(x_ref, w_ref, b_ref, o_ref):
    o_ref[...] = (
        jnp.dot(x_ref[...], w_ref[...], preferred_element_type=jnp.float32)
        + b_ref[...]
    )


def _x_pre(xp, w_t, b_row, interpret=False):
    br = 1024
    return pl.pallas_call(
        _xpre_body,
        grid=(_NP // br,),
        in_specs=[
            pl.BlockSpec((br, _DN), lambda i: (i, 0)),
            pl.BlockSpec((_DN, 416), lambda i: (0, 0)),
            pl.BlockSpec((1, 416), lambda i: (0, 0)),
        ],
        out_specs=pl.BlockSpec((br, 416), lambda i: (i, 0)),
        out_shape=jax.ShapeDtypeStruct((_NP, 416), jnp.float32),
        interpret=interpret,
    )(xp, w_t, b_row)


def _attn_body(q_ref, k_ref, v_ref, o_ref):
    q = q_ref[...]
    k = k_ref[...]
    v = v_ref[...]
    kidx = jax.lax.broadcasted_iota(jnp.int32, (q.shape[0], _NP), 1)
    outs = []
    for h in range(_H):
        qh = q[:, h * _DH:(h + 1) * _DH]
        kh = k[:, h * _DH:(h + 1) * _DH]
        vh = v[:, h * _DH:(h + 1) * _DH]
        s = jax.lax.dot_general(
            qh, kh, (((1,), (1,)), ((), ())),
            preferred_element_type=jnp.float32,
        ) * np.float32(1.0 / 8.0)
        s = jnp.where(kidx < _N, s, -1e30)
        m = jnp.max(s, axis=1, keepdims=True)
        p = jnp.exp(s - m)
        l = jnp.sum(p, axis=1, keepdims=True)
        o = jax.lax.dot_general(
            p, vh, (((1,), (0,)), ((), ())),
            preferred_element_type=jnp.float32,
        )
        outs.append(o / l)
    o_ref[...] = jnp.concatenate(outs, axis=1)


def _attention(qkv, interpret=False):
    bq = 256
    return pl.pallas_call(
        _attn_body,
        grid=(_NP // bq,),
        in_specs=[
            pl.BlockSpec((bq, _DN), lambda qi: (qi, 0)),
            pl.BlockSpec((_NP, _DN), lambda qi: (0, 1)),
            pl.BlockSpec((_NP, _DN), lambda qi: (0, 2)),
        ],
        out_specs=pl.BlockSpec((bq, _DN), lambda qi: (qi, 0)),
        out_shape=jax.ShapeDtypeStruct((_NP, _DN), jnp.float32),
        interpret=interpret,
    )(qkv, qkv, qkv)


def _epre_body(e_ref, w_ref, b_ref, o_ref):
    o = (
        jnp.dot(e_ref[...], w_ref[...], preferred_element_type=jnp.float32)
        + b_ref[...]
    )
    col = jax.lax.broadcasted_iota(jnp.int32, o.shape, 1)
    o_ref[...] = jnp.where(col % 48 >= 32, jnp.maximum(o, 0.0), o)


def _edge_pre(ef8, wbd, b_row, interpret=False):
    br = 2000
    g = _E // 8
    return pl.pallas_call(
        _epre_body,
        grid=(g // br,),
        in_specs=[
            pl.BlockSpec((br, _DN), lambda i: (i, 0)),
            pl.BlockSpec((_DN, 384), lambda i: (0, 0)),
            pl.BlockSpec((1, 384), lambda i: (0, 0)),
        ],
        out_specs=pl.BlockSpec((br, 384), lambda i: (i, 0)),
        out_shape=jax.ShapeDtypeStruct((g, 384), jnp.float32),
        interpret=interpret,
    )(ef8, wbd, b_row)


def _node_body(ao_ref, tw_ref, wo_ref, bo_ref, w1_ref, w2_ref, bn_ref, o_ref):
    xup = (
        jnp.dot(ao_ref[...], wo_ref[...], preferred_element_type=jnp.float32)
        + bo_ref[...]
    )
    o = (
        jnp.dot(xup, w1_ref[...], preferred_element_type=jnp.float32)
        + jnp.dot(tw_ref[...], w2_ref[...], preferred_element_type=jnp.float32)
        + bn_ref[...]
    )
    o_ref[...] = jnp.maximum(o, 0.0)


def _node_mlp(ao, twin, wo_t, bo_row, w1_t, w2_t, bn_row, interpret=False):
    br = 1024
    return pl.pallas_call(
        _node_body,
        grid=(_NP // br,),
        in_specs=[
            pl.BlockSpec((br, _DN), lambda i: (i, 0)),
            pl.BlockSpec((br, _DE), lambda i: (i, 0)),
            pl.BlockSpec((_DN, _DN), lambda i: (0, 0)),
            pl.BlockSpec((1, _DN), lambda i: (0, 0)),
            pl.BlockSpec((_DN, _DN), lambda i: (0, 0)),
            pl.BlockSpec((_DE, _DN), lambda i: (0, 0)),
            pl.BlockSpec((1, _DN), lambda i: (0, 0)),
        ],
        out_specs=pl.BlockSpec((br, _DN), lambda i: (i, 0)),
        out_shape=jax.ShapeDtypeStruct((_NP, _DN), jnp.float32),
        interpret=interpret,
    )(ao, twin, wo_t, bo_row, w1_t, w2_t, bn_row)



_C = 512
_CA = 400
_NW = 32
_NPT = _NP // _NW
_EP = _E // _NW


def _segmax_body(tr_h, o1_h, k1_h, o2_h, k2_h, bnd_h, out_h,
                 acc_s, acc_o, idx_v, rows_v, key_v, bnd_v, obuf, sem):
    wid = jax.lax.axis_index("s") * 2 + jax.lax.axis_index("c")
    nbase = wid * _NPT
    pltpu.sync_copy(bnd_h, bnd_v)

    def one_pass(o_h, k_h, lo, hi, acc):
        def zero(i, _):
            acc[i] = jnp.zeros((16,), jnp.float32)
            return 0
        jax.lax.fori_loop(0, _NPT, zero, 0)
        la = (lo // 8) * 8
        nch = (hi - la + _C - 1) // _C

        def chunk(c, _):
            e0 = la + c * _C
            pltpu.sync_copy(o_h.at[pl.ds(e0, _C)], idx_v)
            pltpu.async_copy(tr_h.at[idx_v], rows_v, sem).wait()
            pltpu.sync_copy(k_h.at[pl.ds(e0, _C)], key_v.at[pl.ds(0, _C)])
            s_i = jnp.maximum(lo - e0, 0)
            e_i = jnp.minimum(hi - e0, _C)

            def upd(i, _):
                kv = key_v[pl.ds(i, 16)]
                n = kv[0] // _N - nbase
                acc[n] = jnp.maximum(acc[n], rows_v[i])
                return 0
            jax.lax.fori_loop(s_i, e_i, upd, 0)
            return 0
        jax.lax.fori_loop(0, nch, chunk, 0)

    bv1 = bnd_v[pl.ds(wid, 16)]
    one_pass(o1_h, k1_h, bv1[0], bv1[1], acc_s)
    bv2 = bnd_v[pl.ds(36 + wid, 16)]
    one_pass(o2_h, k2_h, bv2[0], bv2[1], acc_o)

    def comb(i, _):
        obuf[i] = acc_s[i] + acc_o[i]
        return 0
    jax.lax.fori_loop(0, _NPT, comb, 0)
    pltpu.sync_copy(obuf, out_h.at[pl.ds(nbase, _NPT)])


def _segmax(tr, o1p, k1p, o2p, k2p, bnd_all, interpret=False):
    mesh = plsc.VectorSubcoreMesh(core_axis_name="c", subcore_axis_name="s", num_cores=2, num_subcores=16)
    f = pl.kernel(
        _segmax_body,
        out_type=jax.ShapeDtypeStruct((_NP, _DE), jnp.float32),
        mesh=mesh,
        scratch_types=[
            pltpu.VMEM((_NPT, _DE), jnp.float32),
            pltpu.VMEM((_NPT, _DE), jnp.float32),
            pltpu.VMEM((_C,), jnp.int32),
            pltpu.VMEM((_C, _DE), jnp.float32),
            pltpu.VMEM((_C + 16,), jnp.int32),
            pltpu.VMEM((88,), jnp.int32),
            pltpu.VMEM((_NPT, _DE), jnp.float32),
            pltpu.SemaphoreType.DMA,
        ],
        compiler_params=pltpu.CompilerParams(use_tc_tiling_on_sc=False),
        interpret=interpret,
    )
    return f(tr, o1p, k1p, o2p, k2p, bnd_all)


_S = _E // 16
_CS = 400


def _revsearch_body(q_h, sub_h, skw_h, ow_h, out_h,
                    sub_v, q_v, rix_v, wink_v, wino_v, g_v, sem, sem2):
    wid = jax.lax.axis_index("s") * 2 + jax.lax.axis_index("c")
    ebase = wid * _EP
    pltpu.sync_copy(sub_h, sub_v)
    pltpu.sync_copy(q_h.at[pl.ds(ebase, _EP)], q_v)
    lanes = jax.lax.iota(jnp.int32, 16)

    def chunk(c, _):
        c0 = c * _CS

        def search(v, _):
            gidx = c0 + v * 16 + lanes
            q16 = q_v[pl.ds(c0 + v * 16, 16)]
            lo = jnp.zeros((16,), jnp.int32)
            hi = jnp.full((16,), _S, jnp.int32)

            def step(t, carry):
                lo, hi = carry
                mid = (lo + hi) >> 1
                val = plsc.load_gather(sub_v, [mid])
                pred = val < q16
                return (jnp.where(pred, mid + 1, lo),
                        jnp.where(pred, hi, mid))
            lo, hi = jax.lax.fori_loop(0, 15, step, (lo, hi))
            r = jnp.minimum(jnp.maximum(lo - 1, 0), _S - 2)
            loc2 = (v * 16 + lanes) * 2
            plsc.store_scatter(rix_v, [loc2], r)
            plsc.store_scatter(rix_v, [loc2 + 1], r + 1)
            return 0
        jax.lax.fori_loop(0, _CS // 16, search, 0)
        cpk = pltpu.async_copy(skw_h.at[rix_v], wink_v, sem)
        cpo = pltpu.async_copy(ow_h.at[rix_v], wino_v, sem2)
        cpk.wait()
        cpo.wait()

        def refine(v, _):
            q16 = q_v[pl.ds(c0 + v * 16, 16)]
            row0 = (v * 16 + lanes) * 2
            lo2 = jnp.zeros((16,), jnp.int32)
            hi2 = jnp.full((16,), 32, jnp.int32)

            def step2(t, carry):
                lo2, hi2 = carry
                mid = (lo2 + hi2) >> 1
                val = plsc.load_gather(
                    wink_v, [row0 + (mid >> 4), mid & 15]
                )
                pred = val < q16
                return (jnp.where(pred, mid + 1, lo2),
                        jnp.where(pred, hi2, mid))
            lo2, hi2 = jax.lax.fori_loop(0, 5, step2, (lo2, hi2))
            relc = jnp.minimum(lo2, 31)
            keyat = plsc.load_gather(
                wink_v, [row0 + (relc >> 4), relc & 15]
            )
            gval = plsc.load_gather(
                wino_v, [row0 + (relc >> 4), relc & 15]
            )
            found = jnp.logical_and(lo2 < 32, keyat == q16)
            g_v[pl.ds(v * 16, 16)] = jnp.where(found, gval, _E)
            return 0
        jax.lax.fori_loop(0, _CS // 16, refine, 0)
        pltpu.sync_copy(g_v, out_h.at[pl.ds(ebase + c0, _CS)])
        return 0
    jax.lax.fori_loop(0, _EP // _CS, chunk, 0)


def _revsearch(keys2, sub, skw, ow, interpret=False):
    mesh = plsc.VectorSubcoreMesh(core_axis_name="c", subcore_axis_name="s",
                                  num_cores=2, num_subcores=16)
    f = pl.kernel(
        _revsearch_body,
        out_type=jax.ShapeDtypeStruct((_E,), jnp.int32),
        mesh=mesh,
        scratch_types=[
            pltpu.VMEM((_S,), jnp.int32),
            pltpu.VMEM((_EP,), jnp.int32),
            pltpu.VMEM((2 * _CS,), jnp.int32),
            pltpu.VMEM((2 * _CS, 16), jnp.int32),
            pltpu.VMEM((2 * _CS, 16), jnp.int32),
            pltpu.VMEM((_CS,), jnp.int32),
            pltpu.SemaphoreType.DMA,
            pltpu.SemaphoreType.DMA,
        ],
        compiler_params=pltpu.CompilerParams(use_tc_tiling_on_sc=False),
        interpret=interpret,
    )
    return f(keys2, sub, skw, ow)


def _assemble_body(src_h, dst_h, g_h, p1_h, p4_h, ef2_h, ef3_h, b_h, out_h,
                   i1_v, i4_v, i3_v, a1_v, a4_v, a3_v, a2_v, o_v, b_v,
                   s1, s2, s3, s4):
    wid = jax.lax.axis_index("s") * 2 + jax.lax.axis_index("c")
    ebase = wid * _EP
    pltpu.sync_copy(b_h, b_v)
    bias = b_v[...]

    def chunk(c, _):
        e0 = ebase + c * _CA
        pltpu.sync_copy(src_h.at[pl.ds(e0, _CA)], i1_v)
        pltpu.sync_copy(dst_h.at[pl.ds(e0, _CA)], i4_v)
        pltpu.sync_copy(g_h.at[pl.ds(e0, _CA)], i3_v)
        cp1 = pltpu.async_copy(p1_h.at[i1_v], a1_v, s1)
        cp4 = pltpu.async_copy(p4_h.at[i4_v], a4_v, s2)
        cp3 = pltpu.async_copy(ef3_h.at[i3_v], a3_v, s3)
        cp2 = pltpu.async_copy(ef2_h.at[pl.ds(e0, _CA)], a2_v, s4)
        cp1.wait()
        cp4.wait()
        cp3.wait()
        cp2.wait()

        def rowf(i, _):
            o_v[i] = jnp.maximum(
                a1_v[i] + a2_v[i] + a3_v[i] + a4_v[i] + bias, 0.0
            )
            return 0
        jax.lax.fori_loop(0, _CA, rowf, 0)
        pltpu.sync_copy(o_v, out_h.at[pl.ds(e0, _CA)])
        return 0
    jax.lax.fori_loop(0, _EP // _CA, chunk, 0)


def _assemble(srcv, dstv, g, p1, p4, ef2, ef3p, bias, interpret=False):
    mesh = plsc.VectorSubcoreMesh(core_axis_name="c", subcore_axis_name="s", num_cores=2, num_subcores=16)
    f = pl.kernel(
        _assemble_body,
        out_type=jax.ShapeDtypeStruct((_E, _DE), jnp.float32),
        mesh=mesh,
        scratch_types=[
            pltpu.VMEM((_CA,), jnp.int32),
            pltpu.VMEM((_CA,), jnp.int32),
            pltpu.VMEM((_CA,), jnp.int32),
            pltpu.VMEM((_CA, _DE), jnp.float32),
            pltpu.VMEM((_CA, _DE), jnp.float32),
            pltpu.VMEM((_CA, _DE), jnp.float32),
            pltpu.VMEM((_CA, _DE), jnp.float32),
            pltpu.VMEM((_CA, _DE), jnp.float32),
            pltpu.VMEM((_DE,), jnp.float32),
            pltpu.SemaphoreType.DMA,
            pltpu.SemaphoreType.DMA,
            pltpu.SemaphoreType.DMA,
            pltpu.SemaphoreType.DMA,
        ],
        compiler_params=pltpu.CompilerParams(use_tc_tiling_on_sc=False),
        interpret=interpret,
    )
    return f(srcv, dstv, g, p1, p4, ef2, ef3p, bias)



def _run(x, edge_feature, edge_index, in_proj_w, in_proj_b, out_proj_w,
         out_proj_b, et_w, et_b, un_w, un_b, ue_w, ue_b, interpret=False):
    f32 = jnp.float32
    src = edge_index[0]
    dst = edge_index[1]

    w_all = jnp.concatenate(
        [in_proj_w, ue_w[:, :_DN], ue_w[:, _DN + 2 * _DE:]], axis=0
    )
    b_all = jnp.concatenate([in_proj_b, jnp.zeros((32,), f32)])
    xp = jnp.pad(x, ((0, _NP - _N), (0, 0)))
    xpre = _x_pre(xp, w_all.T, b_all[None, :], interpret)
    qkv = xpre[:, :384]
    p1 = xpre[:, 384:400]
    p4 = xpre[:, 400:416]

    ao = _attention(qkv, interpret)

    wc = jnp.concatenate(
        [ue_w[:, _DN:_DN + _DE], ue_w[:, _DN + _DE:_DN + 2 * _DE], et_w],
        axis=0,
    )
    wbd = jnp.kron(jnp.eye(8, dtype=f32), wc.T)
    bc = jnp.tile(
        jnp.concatenate([jnp.zeros((32,), f32), et_b]), (8,)
    )
    eout = _edge_pre(
        edge_feature.reshape(_E // 8, _DN), wbd, bc[None, :], interpret
    ).reshape(_E, 48)
    ef2 = eout[:, :16]
    ef3 = eout[:, 16:32]
    tr = eout[:, 32:48]

    iota = jnp.arange(_E, dtype=jnp.int32)
    keys1 = src * _N + dst
    keys2 = dst * _N + src
    sk1, order1 = jax.lax.sort((keys1, iota), num_keys=1, is_stable=True)
    sk2, order2 = jax.lax.sort((keys2, iota), num_keys=1, is_stable=True)
    pos = jnp.clip(jnp.searchsorted(sk1, keys2), 0, _E - 1)
    found = sk1[pos] == keys2
    g = jnp.where(found, order1[pos], _E).astype(jnp.int32)

    ef3p = jnp.concatenate([ef3, jnp.zeros((8, _DE), f32)], axis=0)
    ue = _assemble(src, dst, g, p1, p4, ef2, ef3p, ue_b, interpret)

    nodespan = jnp.arange(33, dtype=jnp.int32) * (_NPT * _N)
    bnd1 = jnp.searchsorted(sk1, nodespan).astype(jnp.int32)
    bnd2 = jnp.searchsorted(sk2, nodespan).astype(jnp.int32)
    zpad3 = jnp.zeros((3,), jnp.int32)
    bnd_all = jnp.concatenate(
        [bnd1, zpad3, bnd2, zpad3, jnp.zeros((16,), jnp.int32)]
    )
    twin = _segmax(
        tr,
        jnp.pad(order1, (0, _C)), jnp.pad(sk1, (0, _C)),
        jnp.pad(order2, (0, _C)), jnp.pad(sk2, (0, _C)),
        bnd_all, interpret,
    )

    node = _node_mlp(
        ao, twin, out_proj_w.T, out_proj_b[None, :],
        un_w[:, :_DN].T, un_w[:, _DN:].T, un_b[None, :], interpret
    )
    return node[:_N], ue


def kernel(x, edge_feature, edge_index, in_proj_w, in_proj_b, out_proj_w,
           out_proj_b, et_w, et_b, un_w, un_b, ue_w, ue_b):
    return _run(x, edge_feature, edge_index, in_proj_w, in_proj_b,
                out_proj_w, out_proj_b, et_w, et_b, un_w, un_b, ue_w, ue_b)

# --- scband reference (transcript-rebuilt; emitter-appended) ---
"""Pipeline reference for scband-bidirectional-edge-graph-network-70420283785781 (READ-ONLY COPY).

The authoritative reference and input builder live on the scoring server;
editing this copy changes nothing except your own understanding.
"""

import jax, jax.numpy as jnp
import numpy as np

N = 10000
E = 320000
DN = 128
DE = 16
H = 2
DH = DN // H


def _lin_init(key, fan_out, fan_in):
    b = 1.0 / np.sqrt(fan_in)
    kw, kb = jax.random.split(key)
    w = jax.random.uniform(kw, (fan_out, fan_in), minval=-b, maxval=b, dtype=jnp.float32)
    bias = jax.random.uniform(kb, (fan_out,), minval=-b, maxval=b, dtype=jnp.float32)
    return w, bias


def setup_inputs(seed: int = 0) -> dict:
    key = jax.random.key(seed)
    ks = jax.random.split(key, 9)
    inp = {}
    inp["x"] = jax.random.normal(ks[0], (N, DN), dtype=jnp.float32)
    inp["edge_feature"] = jax.random.normal(ks[1], (E, DE), dtype=jnp.float32)
    inp["edge_index"] = jax.random.randint(ks[2], (2, E), 0, N, dtype=jnp.int32)
    inp["in_proj_w"], inp["in_proj_b"] = _lin_init(ks[3], 3 * DN, DN)
    inp["out_proj_w"], inp["out_proj_b"] = _lin_init(ks[4], DN, DN)
    inp["et_w"], inp["et_b"] = _lin_init(ks[5], DE, DE)
    inp["un_w"], inp["un_b"] = _lin_init(ks[6], DN, DN + DE)
    inp["ue_w"], inp["ue_b"] = _lin_init(ks[7], DE, 2 * DN + 2 * DE)
    return inp


def _mha(x, wi, bi, wo, bo):
    # torch nn.MultiheadAttention with q=k=v=x.unsqueeze(1): seq_len=N, batch=1
    qkv = x @ wi.T + bi
    q, k, v = jnp.split(qkv, 3, axis=-1)
    q = q.reshape(N, H, DH).transpose(1, 0, 2)
    k = k.reshape(N, H, DH).transpose(1, 0, 2)
    v = v.reshape(N, H, DH).transpose(1, 0, 2)
    scores = jnp.einsum('hqd,hkd->hqk', q, k) / np.float32(np.sqrt(DH))
    attn = jax.nn.softmax(scores, axis=-1)
    out = jnp.einsum('hqk,hkd->hqd', attn, v)
    out = out.transpose(1, 0, 2).reshape(N, DN)
    return out @ wo.T + bo


def reference(x, edge_feature, edge_index, in_proj_w, in_proj_b, out_proj_w, out_proj_b, et_w, et_b, un_w, un_b, ue_w, ue_b):
    src = edge_index[0]
    dst = edge_index[1]
    # reverse-edge feature lookup: find edge (dst, src) for each edge (src, dst)
    keys = src * N + dst
    order = jnp.argsort(keys)
    sk = keys[order]
    rkeys = dst * N + src
    pos = jnp.clip(jnp.searchsorted(sk, rkeys), 0, E - 1)
    found = sk[pos] == rkeys
    rev = jnp.where(found[:, None], edge_feature[order[pos]], 0.0)
    # node self-attention over all N nodes (no distance mask: node_pos is None)
    x_up = _mha(x, in_proj_w, in_proj_b, out_proj_w, out_proj_b)
    # message: per-edge edge update (flow=target_to_source: x_i = x[src], x_j = x[dst])
    x_i = x[src]
    x_j = x[dst]
    updated_edge = jnp.concatenate([x_i, edge_feature, rev, x_j], axis=1) @ ue_w.T + ue_b
    transformed = jax.nn.relu(edge_feature @ et_w.T + et_b)
    # aggregate: scatter-max to src and dst nodes (torch_scatter max with zero-init out)
    subj = jnp.maximum(jax.ops.segment_max(transformed, src, num_segments=N), 0.0)
    obj = jnp.maximum(jax.ops.segment_max(transformed, dst, num_segments=N), 0.0)
    twin = subj + obj
    node = jnp.concatenate([x_up, twin], axis=1) @ un_w.T + un_b
    # num_layers == 1 -> final ReLU applied to both outputs
    return jax.nn.relu(node), jax.nn.relu(updated_edge)

if __name__ == "__main__":
    import jax
    _d = setup_inputs()
    print(jax.jit(kernel)(*tuple(_d.values())))

</pallas_src>

<mosaic_0001>
#map = affine_map<(d0, d1) -> (0, 0)>
#map1 = affine_map<(d0, d1) -> (0)>
module attributes {stable_mosaic.version = 14 : i64} {
  func.func @_segmax_body(%arg0: i32, %arg1: i32, %arg2: memref<320000x16xf32, #tpu.memory_space<hbm>>, %arg3: memref<320512xi32, #tpu.memory_space<hbm>>, %arg4: memref<320512xi32, #tpu.memory_space<hbm>>, %arg5: memref<320512xi32, #tpu.memory_space<hbm>>, %arg6: memref<320512xi32, #tpu.memory_space<hbm>>, %arg7: memref<88xi32, #tpu.memory_space<hbm>>, %arg8: memref<10240x16xf32, #tpu.memory_space<hbm>>, %arg9: memref<320x16xf32, #tpu.memory_space<vmem>>, %arg10: memref<320x16xf32, #tpu.memory_space<vmem>>, %arg11: memref<512xi32, #tpu.memory_space<vmem>>, %arg12: memref<512x16xf32, #tpu.memory_space<vmem>>, %arg13: memref<528xi32, #tpu.memory_space<vmem>>, %arg14: memref<88xi32, #tpu.memory_space<vmem>>, %arg15: memref<320x16xf32, #tpu.memory_space<vmem>>, %arg16: memref<!tpu.dma_semaphore, #tpu.memory_space<semaphore_mem>>) attributes {dimension_semantics = [#tpu.dimension_semantics<core_parallel>, #tpu.dimension_semantics<subcore_parallel>], iteration_bounds = array<i64: 2, 16>, scalar_prefetch = 0 : i64, scratch_operands = 8 : i64, tpu.core_type = #tpu.core_type<sc_vector_subcore>, window_params = [{transform_indices = #map}, {transform_indices = #map1}, {transform_indices = #map1}, {transform_indices = #map1}, {transform_indices = #map1}, {transform_indices = #map1}, {transform_indices = #map}]} {
    %mul3A = arith.constant 2 : i32
    %mul3A_0 = arith.muli %arg1, %mul3A : i32
    %add3A = arith.addi %mul3A_0, %arg0 : i32
    %mul3A_1 = arith.constant 320 : i32
    %mul3A_2 = arith.muli %add3A, %mul3A_1 : i32
    "tpu.region"() ({
      %run_scoped3A = tpu.sem_alloc : memref<!tpu.dma_semaphore, #tpu.memory_space<semaphore_mem>>
      tpu.enqueue_dma source(%arg7 : memref<88xi32, #tpu.memory_space<hbm>>) target(%arg14 : memref<88xi32, #tpu.memory_space<vmem>>) target_semaphore(%run_scoped3A : memref<!tpu.dma_semaphore, #tpu.memory_space<semaphore_mem>>)
      tpu.wait_dma2 semaphore(%run_scoped3A : memref<!tpu.dma_semaphore, #tpu.memory_space<semaphore_mem>>) src(%arg7 : memref<88xi32, #tpu.memory_space<hbm>>) dst(%arg14 : memref<88xi32, #tpu.memory_space<vmem>>)
      tpu.yield
    }) : () -> ()
    %get3A = arith.index_cast %add3A : i32 to index
    %get3A_3 = tpu.vector_load %arg14[%get3A] {strides = array<i32>} : memref<88xi32, #tpu.memory_space<vmem>>, vector<16xi32>,
    %get3A_4 = vector.shape_cast %get3A_3 : vector<16xi32> to vector<16xi32>
    %slice3A = vector.extract_strided_slice %get3A_4 {offsets = [0], sizes = [1], strides = [1]} : vector<16xi32> to vector<1xi32>
    %squeeze3A = vector.extract %slice3A[0] : i32 from vector<1xi32>
    %slice3A_5 = vector.extract_strided_slice %get3A_4 {offsets = [1], sizes = [1], strides = [1]} : vector<16xi32> to vector<1xi32>
    %squeeze3A_6 = vector.extract %slice3A_5[0] : i32 from vector<1xi32>
    %scan3A = arith.constant 0 : i32
    %scan3A_7 = arith.constant 0 : i32
    %scan3A_8 = arith.constant 320 : i32
    %scan3A_9 = arith.addi %scan3A_7, %scan3A_8 : i32
    %scan3A_10 = arith.constant 1 : i32
    %scan3A_11 = scf.for %scan3A_161 = %scan3A_7 to %scan3A_9 step %scan3A_10 iter_args(%scan3A_162 = %scan3A) -> (i32)  : i32 {
      %broadcast_in_dim3A = arith.constant 0.000000e+00 : f32
      %broadcast_in_dim3A_163 = vector.broadcast %broadcast_in_dim3A : f32 to vector<16xf32>
      %swap3A = arith.index_cast %scan3A_161 : i32 to index
      %swap3A_164 = arith.constant 0 : index
      %swap3A_165 = tpu.vector_load %arg9[%swap3A, %swap3A_164] {strides = array<i32>} : memref<320x16xf32, #tpu.memory_space<vmem>>, vector<1x16xf32>,
      %swap3A_166 = vector.shape_cast %swap3A_165 : vector<1x16xf32> to vector<16xf32>
      %swap3A_167 = vector.shape_cast %broadcast_in_dim3A_163 : vector<16xf32> to vector<1x16xf32>
      tpu.vector_store %arg9[%swap3A, %swap3A_164], %swap3A_167 {strides = array<i32>} : memref<320x16xf32, #tpu.memory_space<vmem>>, vector<1x16xf32>,
      %scan3A_168 = arith.constant 0 : i32
      scf.yield %scan3A_168 : i32
    }
    %scan3A_12 = arith.constant 320 : i32
    %jit3A = arith.constant 8 : i32
    %div3A = arith.divsi %squeeze3A, %jit3A : i32
    %sign3A = arith.constant 0 : i32
    %sign3A_13 = arith.cmpi sgt, %squeeze3A, %sign3A : i32
    %sign3A_14 = arith.extui %sign3A_13 : i1 to i32
    %sign3A_15 = arith.constant 0 : i32
    %sign3A_16 = arith.cmpi slt, %squeeze3A, %sign3A_15 : i32
    %sign3A_17 = arith.extui %sign3A_16 : i1 to i32
    %sign3A_18 = arith.subi %sign3A_14, %sign3A_17 : i32
    %sign3A_19 = arith.constant 0 : i32
    %sign3A_20 = arith.cmpi sgt, %jit3A, %sign3A_19 : i32
    %sign3A_21 = arith.extui %sign3A_20 : i1 to i32
    %sign3A_22 = arith.constant 0 : i32
    %sign3A_23 = arith.cmpi slt, %jit3A, %sign3A_22 : i32
    %sign3A_24 = arith.extui %sign3A_23 : i1 to i32
    %sign3A_25 = arith.subi %sign3A_21, %sign3A_24 : i32
    %ne3A = arith.cmpi ne, %sign3A_18, %sign3A_25 : i32
    %rem3A = arith.remsi %squeeze3A, %jit3A : i32
    %ne3A_26 = arith.constant 0 : i32
    %ne3A_27 = arith.cmpi ne, %rem3A, %ne3A_26 : i32
    %and3A = arith.andi %ne3A, %ne3A_27 : i1
    %sub3A = arith.constant 1 : i32
    %sub3A_28 = arith.subi %div3A, %sub3A : i32
    %select_n3A = arith.select %and3A, %sub3A_28, %div3A : i32
    %mul3A_29 = arith.constant 8 : i32
    %mul3A_30 = arith.muli %select_n3A, %mul3A_29 : i32
    %sub3A_31 = arith.subi %squeeze3A_6, %mul3A_30 : i32
    %add3A_32 = arith.constant 512 : i32
    %add3A_33 = arith.addi %sub3A_31, %add3A_32 : i32
    %sub3A_34 = arith.constant 1 : i32
    %sub3A_35 = arith.subi %add3A_33, %sub3A_34 : i32
    %jit3A_36 = arith.constant 512 : i32
    %div3A_37 = arith.divsi %sub3A_35, %jit3A_36 : i32
    %sign3A_38 = arith.constant 0 : i32
    %sign3A_39 = arith.cmpi sgt, %sub3A_35, %sign3A_38 : i32
    %sign3A_40 = arith.extui %sign3A_39 : i1 to i32
    %sign3A_41 = arith.constant 0 : i32
    %sign3A_42 = arith.cmpi slt, %sub3A_35, %sign3A_41 : i32
    %sign3A_43 = arith.extui %sign3A_42 : i1 to i32
    %sign3A_44 = arith.subi %sign3A_40, %sign3A_43 : i32
    %sign3A_45 = arith.constant 0 : i32
    %sign3A_46 = arith.cmpi sgt, %jit3A_36, %sign3A_45 : i32
    %sign3A_47 = arith.extui %sign3A_46 : i1 to i32
    %sign3A_48 = arith.constant 0 : i32
    %sign3A_49 = arith.cmpi slt, %jit3A_36, %sign3A_48 : i32
    %sign3A_50 = arith.extui %sign3A_49 : i1 to i32
    %sign3A_51 = arith.subi %sign3A_47, %sign3A_50 : i32
    %ne3A_52 = arith.cmpi ne, %sign3A_44, %sign3A_51 : i32
    %rem3A_53 = arith.remsi %sub3A_35, %jit3A_36 : i32
    %ne3A_54 = arith.constant 0 : i32
    %ne3A_55 = arith.cmpi ne, %rem3A_53, %ne3A_54 : i32
    %and3A_56 = arith.andi %ne3A_52, %ne3A_55 : i1
    %sub3A_57 = arith.constant 1 : i32
    %sub3A_58 = arith.subi %div3A_37, %sub3A_57 : i32
    %select_n3A_59 = arith.select %and3A_56, %sub3A_58, %div3A_37 : i32
    %while3A = arith.constant 0 : i32
    %while3A_60 = arith.constant 0 : i32
    %while3A_61 = arith.subi %select_n3A_59, %while3A : i32
    %while3A_62 = arith.addi %while3A, %while3A_61 : i32
    %while3A_63 = arith.constant 1 : i32
    %while3A_64 = arith.divsi %while3A_61, %while3A_63 : i32
    %while3A_65 = arith.muli %while3A_64, %while3A_63 : i32
    %while3A_66 = arith.addi %while3A, %while3A_65 : i32
    %while3A_67 = arith.constant 1 : i32
    %while3A_68 = scf.for %while3A_161 = %while3A to %while3A_66 step %while3A_67 iter_args(%while3A_162 = %while3A_60) -> (i32)  : i32 {
      %mul3A_163 = arith.constant 512 : i32
      %mul3A_164 = arith.muli %while3A_161, %mul3A_163 : i32
      %add3A_165 = arith.addi %mul3A_30, %mul3A_164 : i32
      "tpu.region"() ({
        %run_scoped3A = tpu.sem_alloc : memref<!tpu.dma_semaphore, #tpu.memory_space<semaphore_mem>>
        %dma_start3A_186 = tpu.memref_slice %arg3[%add3A_165] : memref<320512xi32, #tpu.memory_space<hbm>> -> memref<512xi32, #tpu.memory_space<hbm>>
        %dma_start3A_187 = tpu.memref_slice %arg3[%add3A_165] : memref<320512xi32, #tpu.memory_space<hbm>> -> memref<512xi32, #tpu.memory_space<hbm>>
        tpu.enqueue_dma source(%dma_start3A_187 : memref<512xi32, #tpu.memory_space<hbm>>) target(%arg11 : memref<512xi32, #tpu.memory_space<vmem>>) target_semaphore(%run_scoped3A : memref<!tpu.dma_semaphore, #tpu.memory_space<semaphore_mem>>)
        %dma_wait3A_188 = tpu.memref_slice %arg3[%add3A_165] : memref<320512xi32, #tpu.memory_space<hbm>> -> memref<512xi32, #tpu.memory_space<hbm>>
        %dma_wait3A_189 = tpu.memref_slice %arg3[%add3A_165] : memref<320512xi32, #tpu.memory_space<hbm>> -> memref<512xi32, #tpu.memory_space<hbm>>
        tpu.wait_dma2 semaphore(%run_scoped3A : memref<!tpu.dma_semaphore, #tpu.memory_space<semaphore_mem>>) src(%dma_wait3A_189 : memref<512xi32, #tpu.memory_space<hbm>>) dst(%arg11 : memref<512xi32, #tpu.memory_space<vmem>>)
        tpu.yield
      }) : () -> ()
      %dma_start3A = arith.constant 0 : i32
      %dma_start3A_166 = arith.constant 0 : i32
      %dma_start3A_167 = tpu.memref_slice %arg2[%dma_start3A, %dma_start3A_166] : memref<320000x16xf32, #tpu.memory_space<hbm>> -> memref<320000x16xf32, #tpu.memory_space<hbm>>
      tpu.enqueue_indirect_dma source(%dma_start3A_167 : memref<320000x16xf32, #tpu.memory_space<hbm>>) target(%arg12 : memref<512x16xf32, #tpu.memory_space<vmem>>) offsets(%arg11 : memref<512xi32, #tpu.memory_space<vmem>>) semaphore(%arg16 : memref<!tpu.dma_semaphore, #tpu.memory_space<semaphore_mem>>)
      %dma_wait3A = arith.constant 0 : i32
      %dma_wait3A_168 = arith.constant 0 : i32
      %dma_wait3A_169 = tpu.memref_slice %arg2[%dma_wait3A, %dma_wait3A_168] : memref<320000x16xf32, #tpu.memory_space<hbm>> -> memref<320000x16xf32, #tpu.memory_space<hbm>>
      tpu.wait_indirect_dma semaphore(%arg16 : memref<!tpu.dma_semaphore, #tpu.memory_space<semaphore_mem>>) src(%dma_wait3A_169 : memref<320000x16xf32, #tpu.memory_space<hbm>>) dst(%arg12 : memref<512x16xf32, #tpu.memory_space<vmem>>)
      "tpu.region"() ({
        %run_scoped3A = tpu.sem_alloc : memref<!tpu.dma_semaphore, #tpu.memory_space<semaphore_mem>>
        %dma_start3A_186 = arith.constant 0 : i32
        %dma_start3A_187 = tpu.memref_slice %arg13[%dma_start3A_186] : memref<528xi32, #tpu.memory_space<vmem>> -> memref<512xi32, #tpu.memory_space<vmem>>
        %dma_start3A_188 = tpu.memref_slice %arg4[%add3A_165] : memref<320512xi32, #tpu.memory_space<hbm>> -> memref<512xi32, #tpu.memory_space<hbm>>
        %dma_start3A_189 = arith.constant 0 : i32
        %dma_start3A_190 = tpu.memref_slice %arg13[%dma_start3A_189] : memref<528xi32, #tpu.memory_space<vmem>> -> memref<512xi32, #tpu.memory_space<vmem>>
        %dma_start3A_191 = tpu.memref_slice %arg4[%add3A_165] : memref<320512xi32, #tpu.memory_space<hbm>> -> memref<512xi32, #tpu.memory_space<hbm>>
        tpu.enqueue_dma source(%dma_start3A_191 : memref<512xi32, #tpu.memory_space<hbm>>) target(%dma_start3A_190 : memref<512xi32, #tpu.memory_space<vmem>>) target_semaphore(%run_scoped3A : memref<!tpu.dma_semaphore, #tpu.memory_space<semaphore_mem>>)
        %dma_wait3A_192 = arith.constant 0 : i32
        %dma_wait3A_193 = tpu.memref_slice %arg13[%dma_wait3A_192] : memref<528xi32, #tpu.memory_space<vmem>> -> memref<512xi32, #tpu.memory_space<vmem>>
        %dma_wait3A_194 = tpu.memref_slice %arg4[%add3A_165] : memref<320512xi32, #tpu.memory_space<hbm>> -> memref<512xi32, #tpu.memory_space<hbm>>
        %dma_wait3A_195 = arith.constant 0 : i32
        %dma_wait3A_196 = tpu.memref_slice %arg13[%dma_wait3A_195] : memref<528xi32, #tpu.memory_space<vmem>> -> memref<512xi32, #tpu.memory_space<vmem>>
        %dma_wait3A_197 = tpu.memref_slice %arg4[%add3A_165] : memref<320512xi32, #tpu.memory_space<hbm>> -> memref<512xi32, #tpu.memory_space<hbm>>
        tpu.wait_dma2 semaphore(%run_scoped3A : memref<!tpu.dma_semaphore, #tpu.memory_space<semaphore_mem>>) src(%dma_wait3A_197 : memref<512xi32, #tpu.memory_space<hbm>>) dst(%dma_wait3A_196 : memref<512xi32, #tpu.memory_space<vmem>>)
        tpu.yield
      }) : () -> ()
      %sub3A_170 = arith.subi %squeeze3A, %add3A_165 : i32
      %max3A = arith.constant 0 : i32
      %max3A_171 = arith.maxsi %sub3A_170, %max3A : i32
      %sub3A_172 = arith.subi %squeeze3A_6, %add3A_165 : i32
      %min3A = arith.constant 512 : i32
      %min3A_173 = arith.minsi %sub3A_172, %min3A : i32
      %while3A_174 = arith.constant 0 : i32
      %while3A_175 = arith.subi %min3A_173, %max3A_171 : i32
      %while3A_176 = arith.addi %max3A_171, %while3A_175 : i32
      %while3A_177 = arith.constant 1 : i32
      %while3A_178 = arith.divsi %while3A_175, %while3A_177 : i32
      %while3A_179 = arith.muli %while3A_178, %while3A_177 : i32
      %while3A_180 = arith.addi %max3A_171, %while3A_179 : i32
      %while3A_181 = arith.constant 1 : i32
      %while3A_182 = scf.for %while3A_186 = %max3A_171 to %while3A_180 step %while3A_181 iter_args(%while3A_187 = %while3A_174) -> (i32)  : i32 {
        %get3A_188 = arith.index_cast %while3A_186 : i32 to index
        %get3A_189 = tpu.vector_load %arg13[%get3A_188] {strides = array<i32>} : memref<528xi32, #tpu.memory_space<vmem>>, vector<16xi32>,
        %get3A_190 = vector.shape_cast %get3A_189 : vector<16xi32> to vector<16xi32>
        %slice3A_191 = vector.extract_strided_slice %get3A_190 {offsets = [0], sizes = [1], strides = [1]} : vector<16xi32> to vector<1xi32>
        %squeeze3A_192 = vector.extract %slice3A_191[0] : i32 from vector<1xi32>
        %jit3A_193 = arith.constant 10000 : i32
        %div3A_194 = arith.divsi %squeeze3A_192, %jit3A_193 : i32
        %sign3A_195 = arith.constant 0 : i32
        %sign3A_196 = arith.cmpi sgt, %squeeze3A_192, %sign3A_195 : i32
        %sign3A_197 = arith.extui %sign3A_196 : i1 to i32
        %sign3A_198 = arith.constant 0 : i32
        %sign3A_199 = arith.cmpi slt, %squeeze3A_192, %sign3A_198 : i32
        %sign3A_200 = arith.extui %sign3A_199 : i1 to i32
        %sign3A_201 = arith.subi %sign3A_197, %sign3A_200 : i32
        %sign3A_202 = arith.constant 0 : i32
        %sign3A_203 = arith.cmpi sgt, %jit3A_193, %sign3A_202 : i32
        %sign3A_204 = arith.extui %sign3A_203 : i1 to i32
        %sign3A_205 = arith.constant 0 : i32
        %sign3A_206 = arith.cmpi slt, %jit3A_193, %sign3A_205 : i32
        %sign3A_207 = arith.extui %sign3A_206 : i1 to i32
        %sign3A_208 = arith.subi %sign3A_204, %sign3A_207 : i32
        %ne3A_209 = arith.cmpi ne, %sign3A_201, %sign3A_208 : i32
        %rem3A_210 = arith.remsi %squeeze3A_192, %jit3A_193 : i32
        %ne3A_211 = arith.constant 0 : i32
        %ne3A_212 = arith.cmpi ne, %rem3A_210, %ne3A_211 : i32
        %and3A_213 = arith.andi %ne3A_209, %ne3A_212 : i1
        %sub3A_214 = arith.constant 1 : i32
        %sub3A_215 = arith.subi %div3A_194, %sub3A_214 : i32
        %select_n3A_216 = arith.select %and3A_213, %sub3A_215, %div3A_194 : i32
        %sub3A_217 = arith.subi %select_n3A_216, %mul3A_2 : i32
        %get3A_218 = arith.index_cast %sub3A_217 : i32 to index
        %get3A_219 = arith.constant 0 : index
        %get3A_220 = tpu.vector_load %arg9[%get3A_218, %get3A_219] {strides = array<i32>} : memref<320x16xf32, #tpu.memory_space<vmem>>, vector<1x16xf32>,
        %get3A_221 = vector.shape_cast %get3A_220 : vector<1x16xf32> to vector<16xf32>
        %get3A_222 = arith.index_cast %while3A_186 : i32 to index
        %get3A_223 = arith.constant 0 : index
        %get3A_224 = tpu.vector_load %arg12[%get3A_222, %get3A_223] {strides = array<i32>} : memref<512x16xf32, #tpu.memory_space<vmem>>, vector<1x16xf32>,
        %get3A_225 = vector.shape_cast %get3A_224 : vector<1x16xf32> to vector<16xf32>
        %max3A_226 = arith.maximumf %get3A_221, %get3A_225 : vector<16xf32>
        %swap3A = arith.index_cast %sub3A_217 : i32 to index
        %swap3A_227 = arith.constant 0 : index
        %swap3A_228 = tpu.vector_load %arg9[%swap3A, %swap3A_227] {strides = array<i32>} : memref<320x16xf32, #tpu.memory_space<vmem>>, vector<1x16xf32>,
        %swap3A_229 = vector.shape_cast %swap3A_228 : vector<1x16xf32> to vector<16xf32>
        %swap3A_230 = vector.shape_cast %max3A_226 : vector<16xf32> to vector<1x16xf32>
        tpu.vector_store %arg9[%swap3A, %swap3A_227], %swap3A_230 {strides = array<i32>} : memref<320x16xf32, #tpu.memory_space<vmem>>, vector<1x16xf32>,
        %while3A_231 = arith.constant 0 : i32
        scf.yield %while3A_231 : i32
      }
      %while3A_183 = arith.constant 1 : i32
      %while3A_184 = scf.for %while3A_186 = %while3A_180 to %while3A_176 step %while3A_183 iter_args(%while3A_187 = %while3A_182) -> (i32)  : i32 {
        %get3A_188 = arith.index_cast %while3A_186 : i32 to index
        %get3A_189 = tpu.vector_load %arg13[%get3A_188] {strides = array<i32>} : memref<528xi32, #tpu.memory_space<vmem>>, vector<16xi32>,
        %get3A_190 = vector.shape_cast %get3A_189 : vector<16xi32> to vector<16xi32>
        %slice3A_191 = vector.extract_strided_slice %get3A_190 {offsets = [0], sizes = [1], strides = [1]} : vector<16xi32> to vector<1xi32>
        %squeeze3A_192 = vector.extract %slice3A_191[0] : i32 from vector<1xi32>
        %jit3A_193 = arith.constant 10000 : i32
        %div3A_194 = arith.divsi %squeeze3A_192, %jit3A_193 : i32
        %sign3A_195 = arith.constant 0 : i32
        %sign3A_196 = arith.cmpi sgt, %squeeze3A_192, %sign3A_195 : i32
        %sign3A_197 = arith.extui %sign3A_196 : i1 to i32
        %sign3A_198 = arith.constant 0 : i32
        %sign3A_199 = arith.cmpi slt, %squeeze3A_192, %sign3A_198 : i32
        %sign3A_200 = arith.extui %sign3A_199 : i1 to i32
        %sign3A_201 = arith.subi %sign3A_197, %sign3A_200 : i32
        %sign3A_202 = arith.constant 0 : i32
        %sign3A_203 = arith.cmpi sgt, %jit3A_193, %sign3A_202 : i32
        %sign3A_204 = arith.extui %sign3A_203 : i1 to i32
        %sign3A_205 = arith.constant 0 : i32
        %sign3A_206 = arith.cmpi slt, %jit3A_193, %sign3A_205 : i32
        %sign3A_207 = arith.extui %sign3A_206 : i1 to i32
        %sign3A_208 = arith.subi %sign3A_204, %sign3A_207 : i32
        %ne3A_209 = arith.cmpi ne, %sign3A_201, %sign3A_208 : i32
        %rem3A_210 = arith.remsi %squeeze3A_192, %jit3A_193 : i32
        %ne3A_211 = arith.constant 0 : i32
        %ne3A_212 = arith.cmpi ne, %rem3A_210, %ne3A_211 : i32
        %and3A_213 = arith.andi %ne3A_209, %ne3A_212 : i1
        %sub3A_214 = arith.constant 1 : i32
        %sub3A_215 = arith.subi %div3A_194, %sub3A_214 : i32
        %select_n3A_216 = arith.select %and3A_213, %sub3A_215, %div3A_194 : i32
        %sub3A_217 = arith.subi %select_n3A_216, %mul3A_2 : i32
        %get3A_218 = arith.index_cast %sub3A_217 : i32 to index
        %get3A_219 = arith.constant 0 : index
        %get3A_220 = tpu.vector_load %arg9[%get3A_218, %get3A_219] {strides = array<i32>} : memref<320x16xf32, #tpu.memory_space<vmem>>, vector<1x16xf32>,
        %get3A_221 = vector.shape_cast %get3A_220 : vector<1x16xf32> to vector<16xf32>
        %get3A_222 = arith.index_cast %while3A_186 : i32 to index
        %get3A_223 = arith.constant 0 : index
        %get3A_224 = tpu.vector_load %arg12[%get3A_222, %get3A_223] {strides = array<i32>} : memref<512x16xf32, #tpu.memory_space<vmem>>, vector<1x16xf32>,
        %get3A_225 = vector.shape_cast %get3A_224 : vector<1x16xf32> to vector<16xf32>
        %max3A_226 = arith.maximumf %get3A_221, %get3A_225 : vector<16xf32>
        %swap3A = arith.index_cast %sub3A_217 : i32 to index
        %swap3A_227 = arith.constant 0 : index
        %swap3A_228 = tpu.vector_load %arg9[%swap3A, %swap3A_227] {strides = array<i32>} : memref<320x16xf32, #tpu.memory_space<vmem>>, vector<1x16xf32>,
        %swap3A_229 = vector.shape_cast %swap3A_228 : vector<1x16xf32> to vector<16xf32>
        %swap3A_230 = vector.shape_cast %max3A_226 : vector<16xf32> to vector<1x16xf32>
        tpu.vector_store %arg9[%swap3A, %swap3A_227], %swap3A_230 {strides = array<i32>} : memref<320x16xf32, #tpu.memory_space<vmem>>, vector<1x16xf32>,
        %while3A_231 = arith.constant 0 : i32
        scf.yield %while3A_231 : i32
      }
      %while3A_185 = arith.constant 0 : i32
      scf.yield %while3A_185 : i32
    }
    %while3A_69 = arith.constant 1 : i32
    %while3A_70 = scf.for %while3A_161 = %while3A_66 to %while3A_62 step %while3A_69 iter_args(%while3A_162 = %while3A_68) -> (i32)  : i32 {
      %mul3A_163 = arith.constant 512 : i32
      %mul3A_164 = arith.muli %while3A_161, %mul3A_163 : i32
      %add3A_165 = arith.addi %mul3A_30, %mul3A_164 : i32
      "tpu.region"() ({
        %run_scoped3A = tpu.sem_alloc : memref<!tpu.dma_semaphore, #tpu.memory_space<semaphore_mem>>
        %dma_start3A_186 = tpu.memref_slice %arg3[%add3A_165] : memref<320512xi32, #tpu.memory_space<hbm>> -> memref<512xi32, #tpu.memory_space<hbm>>
        %dma_start3A_187 = tpu.memref_slice %arg3[%add3A_165] : memref<320512xi32, #tpu.memory_space<hbm>> -> memref<512xi32, #tpu.memory_space<hbm>>
        tpu.enqueue_dma source(%dma_start3A_187 : memref<512xi32, #tpu.memory_space<hbm>>) target(%arg11 : memref<512xi32, #tpu.memory_space<vmem>>) target_semaphore(%run_scoped3A : memref<!tpu.dma_semaphore, #tpu.memory_space<semaphore_mem>>)
        %dma_wait3A_188 = tpu.memref_slice %arg3[%add3A_165] : memref<320512xi32, #tpu.memory_space<hbm>> -> memref<512xi32, #tpu.memory_space<hbm>>
        %dma_wait3A_189 = tpu.memref_slice %arg3[%add3A_165] : memref<320512xi32, #tpu.memory_space<hbm>> -> memref<512xi32, #tpu.memory_space<hbm>>
        tpu.wait_dma2 semaphore(%run_scoped3A : memref<!tpu.dma_semaphore, #tpu.memory_space<semaphore_mem>>) src(%dma_wait3A_189 : memref<512xi32, #tpu.memory_space<hbm>>) dst(%arg11 : memref<512xi32, #tpu.memory_space<vmem>>)
        tpu.yield
      }) : () -> ()
      %dma_start3A = arith.constant 0 : i32
      %dma_start3A_166 = arith.constant 0 : i32
      %dma_start3A_167 = tpu.memref_slice %arg2[%dma_start3A, %dma_start3A_166] : memref<320000x16xf32, #tpu.memory_space<hbm>> -> memref<320000x16xf32, #tpu.memory_space<hbm>>
      tpu.enqueue_indirect_dma source(%dma_start3A_167 : memref<320000x16xf32, #tpu.memory_space<hbm>>) target(%arg12 : memref<512x16xf32, #tpu.memory_space<vmem>>) offsets(%arg11 : memref<512xi32, #tpu.memory_space<vmem>>) semaphore(%arg16 : memref<!tpu.dma_semaphore, #tpu.memory_space<semaphore_mem>>)
      %dma_wait3A = arith.constant 0 : i32
      %dma_wait3A_168 = arith.constant 0 : i32
      %dma_wait3A_169 = tpu.memref_slice %arg2[%dma_wait3A, %dma_wait3A_168] : memref<320000x16xf32, #tpu.memory_space<hbm>> -> memref<320000x16xf32, #tpu.memory_space<hbm>>
      tpu.wait_indirect_dma semaphore(%arg16 : memref<!tpu.dma_semaphore, #tpu.memory_space<semaphore_mem>>) src(%dma_wait3A_169 : memref<320000x16xf32, #tpu.memory_space<hbm>>) dst(%arg12 : memref<512x16xf32, #tpu.memory_space<vmem>>)
      "tpu.region"() ({
        %run_scoped3A = tpu.sem_alloc : memref<!tpu.dma_semaphore, #tpu.memory_space<semaphore_mem>>
        %dma_start3A_186 = arith.constant 0 : i32
        %dma_start3A_187 = tpu.memref_slice %arg13[%dma_start3A_186] : memref<528xi32, #tpu.memory_space<vmem>> -> memref<512xi32, #tpu.memory_space<vmem>>
        %dma_start3A_188 = tpu.memref_slice %arg4[%add3A_165] : memref<320512xi32, #tpu.memory_space<hbm>> -> memref<512xi32, #tpu.memory_space<hbm>>
        %dma_start3A_189 = arith.constant 0 : i32
        %dma_start3A_190 = tpu.memref_slice %arg13[%dma_start3A_189] : memref<528xi32, #tpu.memory_space<vmem>> -> memref<512xi32, #tpu.memory_space<vmem>>
        %dma_start3A_191 = tpu.memref_slice %arg4[%add3A_165] : memref<320512xi32, #tpu.memory_space<hbm>> -> memref<512xi32, #tpu.memory_space<hbm>>
        tpu.enqueue_dma source(%dma_start3A_191 : memref<512xi32, #tpu.memory_space<hbm>>) target(%dma_start3A_190 : memref<512xi32, #tpu.memory_space<vmem>>) target_semaphore(%run_scoped3A : memref<!tpu.dma_semaphore, #tpu.memory_space<semaphore_mem>>)
        %dma_wait3A_192 = arith.constant 0 : i32
        %dma_wait3A_193 = tpu.memref_slice %arg13[%dma_wait3A_192] : memref<528xi32, #tpu.memory_space<vmem>> -> memref<512xi32, #tpu.memory_space<vmem>>
        %dma_wait3A_194 = tpu.memref_slice %arg4[%add3A_165] : memref<320512xi32, #tpu.memory_space<hbm>> -> memref<512xi32, #tpu.memory_space<hbm>>
        %dma_wait3A_195 = arith.constant 0 : i32
        %dma_wait3A_196 = tpu.memref_slice %arg13[%dma_wait3A_195] : memref<528xi32, #tpu.memory_space<vmem>> -> memref<512xi32, #tpu.memory_space<vmem>>
        %dma_wait3A_197 = tpu.memref_slice %arg4[%add3A_165] : memref<320512xi32, #tpu.memory_space<hbm>> -> memref<512xi32, #tpu.memory_space<hbm>>
        tpu.wait_dma2 semaphore(%run_scoped3A : memref<!tpu.dma_semaphore, #tpu.memory_space<semaphore_mem>>) src(%dma_wait3A_197 : memref<512xi32, #tpu.memory_space<hbm>>) dst(%dma_wait3A_196 : memref<512xi32, #tpu.memory_space<vmem>>)
        tpu.yield
      }) : () -> ()
      %sub3A_170 = arith.subi %squeeze3A, %add3A_165 : i32
      %max3A = arith.constant 0 : i32
      %max3A_171 = arith.maxsi %sub3A_170, %max3A : i32
      %sub3A_172 = arith.subi %squeeze3A_6, %add3A_165 : i32
      %min3A = arith.constant 512 : i32
      %min3A_173 = arith.minsi %sub3A_172, %min3A : i32
      %while3A_174 = arith.constant 0 : i32
      %while3A_175 = arith.subi %min3A_173, %max3A_171 : i32
      %while3A_176 = arith.addi %max3A_171, %while3A_175 : i32
      %while3A_177 = arith.constant 1 : i32
      %while3A_178 = arith.divsi %while3A_175, %while3A_177 : i32
      %while3A_179 = arith.muli %while3A_178, %while3A_177 : i32
      %while3A_180 = arith.addi %max3A_171, %while3A_179 : i32
      %while3A_181 = arith.constant 1 : i32
      %while3A_182 = scf.for %while3A_186 = %max3A_171 to %while3A_180 step %while3A_181 iter_args(%while3A_187 = %while3A_174) -> (i32)  : i32 {
        %get3A_188 = arith.index_cast %while3A_186 : i32 to index
        %get3A_189 = tpu.vector_load %arg13[%get3A_188] {strides = array<i32>} : memref<528xi32, #tpu.memory_space<vmem>>, vector<16xi32>,
        %get3A_190 = vector.shape_cast %get3A_189 : vector<16xi32> to vector<16xi32>
        %slice3A_191 = vector.extract_strided_slice %get3A_190 {offsets = [0], sizes = [1], strides = [1]} : vector<16xi32> to vector<1xi32>
        %squeeze3A_192 = vector.extract %slice3A_191[0] : i32 from vector<1xi32>
        %jit3A_193 = arith.constant 10000 : i32
        %div3A_194 = arith.divsi %squeeze3A_192, %jit3A_193 : i32
        %sign3A_195 = arith.constant 0 : i32
        %sign3A_196 = arith.cmpi sgt, %squeeze3A_192, %sign3A_195 : i32
        %sign3A_197 = arith.extui %sign3A_196 : i1 to i32
        %sign3A_198 = arith.constant 0 : i32
        %sign3A_199 = arith.cmpi slt, %squeeze3A_192, %sign3A_198 : i32
        %sign3A_200 = arith.extui %sign3A_199 : i1 to i32
        %sign3A_201 = arith.subi %sign3A_197, %sign3A_200 : i32
        %sign3A_202 = arith.constant 0 : i32
        %sign3A_203 = arith.cmpi sgt, %jit3A_193, %sign3A_202 : i32
        %sign3A_204 = arith.extui %sign3A_203 : i1 to i32
        %sign3A_205 = arith.constant 0 : i32
        %sign3A_206 = arith.cmpi slt, %jit3A_193, %sign3A_205 : i32
        %sign3A_207 = arith.extui %sign3A_206 : i1 to i32
        %sign3A_208 = arith.subi %sign3A_204, %sign3A_207 : i32
        %ne3A_209 = arith.cmpi ne, %sign3A_201, %sign3A_208 : i32
        %rem3A_210 = arith.remsi %squeeze3A_192, %jit3A_193 : i32
        %ne3A_211 = arith.constant 0 : i32
        %ne3A_212 = arith.cmpi ne, %rem3A_210, %ne3A_211 : i32
        %and3A_213 = arith.andi %ne3A_209, %ne3A_212 : i1
        %sub3A_214 = arith.constant 1 : i32
        %sub3A_215 = arith.subi %div3A_194, %sub3A_214 : i32
        %select_n3A_216 = arith.select %and3A_213, %sub3A_215, %div3A_194 : i32
        %sub3A_217 = arith.subi %select_n3A_216, %mul3A_2 : i32
        %get3A_218 = arith.index_cast %sub3A_217 : i32 to index
        %get3A_219 = arith.constant 0 : index
        %get3A_220 = tpu.vector_load %arg9[%get3A_218, %get3A_219] {strides = array<i32>} : memref<320x16xf32, #tpu.memory_space<vmem>>, vector<1x16xf32>,
        %get3A_221 = vector.shape_cast %get3A_220 : vector<1x16xf32> to vector<16xf32>
        %get3A_222 = arith.index_cast %while3A_186 : i32 to index
        %get3A_223 = arith.constant 0 : index
        %get3A_224 = tpu.vector_load %arg12[%get3A_222, %get3A_223] {strides = array<i32>} : memref<512x16xf32, #tpu.memory_space<vmem>>, vector<1x16xf32>,
        %get3A_225 = vector.shape_cast %get3A_224 : vector<1x16xf32> to vector<16xf32>
        %max3A_226 = arith.maximumf %get3A_221, %get3A_225 : vector<16xf32>
        %swap3A = arith.index_cast %sub3A_217 : i32 to index
        %swap3A_227 = arith.constant 0 : index
        %swap3A_228 = tpu.vector_load %arg9[%swap3A, %swap3A_227] {strides = array<i32>} : memref<320x16xf32, #tpu.memory_space<vmem>>, vector<1x16xf32>,
        %swap3A_229 = vector.shape_cast %swap3A_228 : vector<1x16xf32> to vector<16xf32>
        %swap3A_230 = vector.shape_cast %max3A_226 : vector<16xf32> to vector<1x16xf32>
        tpu.vector_store %arg9[%swap3A, %swap3A_227], %swap3A_230 {strides = array<i32>} : memref<320x16xf32, #tpu.memory_space<vmem>>, vector<1x16xf32>,
        %while3A_231 = arith.constant 0 : i32
        scf.yield %while3A_231 : i32
      }
      %while3A_183 = arith.constant 1 : i32
      %while3A_184 = scf.for %while3A_186 = %while3A_180 to %while3A_176 step %while3A_183 iter_args(%while3A_187 = %while3A_182) -> (i32)  : i32 {
        %get3A_188 = arith.index_cast %while3A_186 : i32 to index
        %get3A_189 = tpu.vector_load %arg13[%get3A_188] {strides = array<i32>} : memref<528xi32, #tpu.memory_space<vmem>>, vector<16xi32>,
        %get3A_190 = vector.shape_cast %get3A_189 : vector<16xi32> to vector<16xi32>
        %slice3A_191 = vector.extract_strided_slice %get3A_190 {offsets = [0], sizes = [1], strides = [1]} : vector<16xi32> to vector<1xi32>
        %squeeze3A_192 = vector.extract %slice3A_191[0] : i32 from vector<1xi32>
        %jit3A_193 = arith.constant 10000 : i32
        %div3A_194 = arith.divsi %squeeze3A_192, %jit3A_193 : i32
        %sign3A_195 = arith.constant 0 : i32
        %sign3A_196 = arith.cmpi sgt, %squeeze3A_192, %sign3A_195 : i32
        %sign3A_197 = arith.extui %sign3A_196 : i1 to i32
        %sign3A_198 = arith.constant 0 : i32
        %sign3A_199 = arith.cmpi slt, %squeeze3A_192, %sign3A_198 : i32
        %sign3A_200 = arith.extui %sign3A_199 : i1 to i32
        %sign3A_201 = arith.subi %sign3A_197, %sign3A_200 : i32
        %sign3A_202 = arith.constant 0 : i32
        %sign3A_203 = arith.cmpi sgt, %jit3A_193, %sign3A_202 : i32
        %sign3A_204 = arith.extui %sign3A_203 : i1 to i32
        %sign3A_205 = arith.constant 0 : i32
        %sign3A_206 = arith.cmpi slt, %jit3A_193, %sign3A_205 : i32
        %sign3A_207 = arith.extui %sign3A_206 : i1 to i32
        %sign3A_208 = arith.subi %sign3A_204, %sign3A_207 : i32
        %ne3A_209 = arith.cmpi ne, %sign3A_201, %sign3A_208 : i32
        %rem3A_210 = arith.remsi %squeeze3A_192, %jit3A_193 : i32
        %ne3A_211 = arith.constant 0 : i32
        %ne3A_212 = arith.cmpi ne, %rem3A_210, %ne3A_211 : i32
        %and3A_213 = arith.andi %ne3A_209, %ne3A_212 : i1
        %sub3A_214 = arith.constant 1 : i32
        %sub3A_215 = arith.subi %div3A_194, %sub3A_214 : i32
        %select_n3A_216 = arith.select %and3A_213, %sub3A_215, %div3A_194 : i32
        %sub3A_217 = arith.subi %select_n3A_216, %mul3A_2 : i32
        %get3A_218 = arith.index_cast %sub3A_217 : i32 to index
        %get3A_219 = arith.constant 0 : index
        %get3A_220 = tpu.vector_load %arg9[%get3A_218, %get3A_219] {strides = array<i32>} : memref<320x16xf32, #tpu.memory_space<vmem>>, vector<1x16xf32>,
        %get3A_221 = vector.shape_cast %get3A_220 : vector<1x16xf32> to vector<16xf32>
        %get3A_222 = arith.index_cast %while3A_186 : i32 to index
        %get3A_223 = arith.constant 0 : index
        %get3A_224 = tpu.vector_load %arg12[%get3A_222, %get3A_223] {strides = array<i32>} : memref<512x16xf32, #tpu.memory_space<vmem>>, vector<1x16xf32>,
        %get3A_225 = vector.shape_cast %get3A_224 : vector<1x16xf32> to vector<16xf32>
        %max3A_226 = arith.maximumf %get3A_221, %get3A_225 : vector<16xf32>
        %swap3A = arith.index_cast %sub3A_217 : i32 to index
        %swap3A_227 = arith.constant 0 : index
        %swap3A_228 = tpu.vector_load %arg9[%swap3A, %swap3A_227] {strides = array<i32>} : memref<320x16xf32, #tpu.memory_space<vmem>>, vector<1x16xf32>,
        %swap3A_229 = vector.shape_cast %swap3A_228 : vector<1x16xf32> to vector<16xf32>
        %swap3A_230 = vector.shape_cast %max3A_226 : vector<16xf32> to vector<1x16xf32>
        tpu.vector_store %arg9[%swap3A, %swap3A_227], %swap3A_230 {strides = array<i32>} : memref<320x16xf32, #tpu.memory_space<vmem>>, vector<1x16xf32>,
        %while3A_231 = arith.constant 0 : i32
        scf.yield %while3A_231 : i32
      }
      %while3A_185 = arith.constant 0 : i32
      scf.yield %while3A_185 : i32
    }
    %add3A_71 = arith.constant 36 : i32
    %add3A_72 = arith.addi %add3A_71, %add3A : i32
    %get3A_73 = arith.index_cast %add3A_72 : i32 to index
    %get3A_74 = tpu.vector_load %arg14[%get3A_73] {strides = array<i32>} : memref<88xi32, #tpu.memory_space<vmem>>, vector<16xi32>,
    %get3A_75 = vector.shape_cast %get3A_74 : vector<16xi32> to vector<16xi32>
    %slice3A_76 = vector.extract_strided_slice %get3A_75 {offsets = [0], sizes = [1], strides = [1]} : vector<16xi32> to vector<1xi32>
    %squeeze3A_77 = vector.extract %slice3A_76[0] : i32 from vector<1xi32>
    %slice3A_78 = vector.extract_strided_slice %get3A_75 {offsets = [1], sizes = [1], strides = [1]} : vector<16xi32> to vector<1xi32>
    %squeeze3A_79 = vector.extract %slice3A_78[0] : i32 from vector<1xi32>
    %scan3A_80 = arith.constant 0 : i32
    %scan3A_81 = arith.constant 0 : i32
    %scan3A_82 = arith.constant 320 : i32
    %scan3A_83 = arith.addi %scan3A_81, %scan3A_82 : i32
    %scan3A_84 = arith.constant 1 : i32
    %scan3A_85 = scf.for %scan3A_161 = %scan3A_81 to %scan3A_83 step %scan3A_84 iter_args(%scan3A_162 = %scan3A_80) -> (i32)  : i32 {
      %broadcast_in_dim3A = arith.constant 0.000000e+00 : f32
      %broadcast_in_dim3A_163 = vector.broadcast %broadcast_in_dim3A : f32 to vector<16xf32>
      %swap3A = arith.index_cast %scan3A_161 : i32 to index
      %swap3A_164 = arith.constant 0 : index
      %swap3A_165 = tpu.vector_load %arg10[%swap3A, %swap3A_164] {strides = array<i32>} : memref<320x16xf32, #tpu.memory_space<vmem>>, vector<1x16xf32>,
      %swap3A_166 = vector.shape_cast %swap3A_165 : vector<1x16xf32> to vector<16xf32>
      %swap3A_167 = vector.shape_cast %broadcast_in_dim3A_163 : vector<16xf32> to vector<1x16xf32>
      tpu.vector_store %arg10[%swap3A, %swap3A_164], %swap3A_167 {strides = array<i32>} : memref<320x16xf32, #tpu.memory_space<vmem>>, vector<1x16xf32>,
      %scan3A_168 = arith.constant 0 : i32
      scf.yield %scan3A_168 : i32
    }
    %scan3A_86 = arith.constant 320 : i32
    %jit3A_87 = arith.constant 8 : i32
    %div3A_88 = arith.divsi %squeeze3A_77, %jit3A_87 : i32
    %sign3A_89 = arith.constant 0 : i32
    %sign3A_90 = arith.cmpi sgt, %squeeze3A_77, %sign3A_89 : i32
    %sign3A_91 = arith.extui %sign3A_90 : i1 to i32
    %sign3A_92 = arith.constant 0 : i32
    %sign3A_93 = arith.cmpi slt, %squeeze3A_77, %sign3A_92 : i32
    %sign3A_94 = arith.extui %sign3A_93 : i1 to i32
    %sign3A_95 = arith.subi %sign3A_91, %sign3A_94 : i32
    %sign3A_96 = arith.constant 0 : i32
    %sign3A_97 = arith.cmpi sgt, %jit3A_87, %sign3A_96 : i32
    %sign3A_98 = arith.extui %sign3A_97 : i1 to i32
    %sign3A_99 = arith.constant 0 : i32
    %sign3A_100 = arith.cmpi slt, %jit3A_87, %sign3A_99 : i32
    %sign3A_101 = arith.extui %sign3A_100 : i1 to i32
    %sign3A_102 = arith.subi %sign3A_98, %sign3A_101 : i32
    %ne3A_103 = arith.cmpi ne, %sign3A_95, %sign3A_102 : i32
    %rem3A_104 = arith.remsi %squeeze3A_77, %jit3A_87 : i32
    %ne3A_105 = arith.constant 0 : i32
    %ne3A_106 = arith.cmpi ne, %rem3A_104, %ne3A_105 : i32
    %and3A_107 = arith.andi %ne3A_103, %ne3A_106 : i1
    %sub3A_108 = arith.constant 1 : i32
    %sub3A_109 = arith.subi %div3A_88, %sub3A_108 : i32
    %select_n3A_110 = arith.select %and3A_107, %sub3A_109, %div3A_88 : i32
    %mul3A_111 = arith.constant 8 : i32
    %mul3A_112 = arith.muli %select_n3A_110, %mul3A_111 : i32
    %sub3A_113 = arith.subi %squeeze3A_79, %mul3A_112 : i32
    %add3A_114 = arith.constant 512 : i32
    %add3A_115 = arith.addi %sub3A_113, %add3A_114 : i32
    %sub3A_116 = arith.constant 1 : i32
    %sub3A_117 = arith.subi %add3A_115, %sub3A_116 : i32
    %jit3A_118 = arith.constant 512 : i32
    %div3A_119 = arith.divsi %sub3A_117, %jit3A_118 : i32
    %sign3A_120 = arith.constant 0 : i32
    %sign3A_121 = arith.cmpi sgt, %sub3A_117, %sign3A_120 : i32
    %sign3A_122 = arith.extui %sign3A_121 : i1 to i32
    %sign3A_123 = arith.constant 0 : i32
    %sign3A_124 = arith.cmpi slt, %sub3A_117, %sign3A_123 : i32
    %sign3A_125 = arith.extui %sign3A_124 : i1 to i32
    %sign3A_126 = arith.subi %sign3A_122, %sign3A_125 : i32
    %sign3A_127 = arith.constant 0 : i32
    %sign3A_128 = arith.cmpi sgt, %jit3A_118, %sign3A_127 : i32
    %sign3A_129 = arith.extui %sign3A_128 : i1 to i32
    %sign3A_130 = arith.constant 0 : i32
    %sign3A_131 = arith.cmpi slt, %jit3A_118, %sign3A_130 : i32
    %sign3A_132 = arith.extui %sign3A_131 : i1 to i32
    %sign3A_133 = arith.subi %sign3A_129, %sign3A_132 : i32
    %ne3A_134 = arith.cmpi ne, %sign3A_126, %sign3A_133 : i32
    %rem3A_135 = arith.remsi %sub3A_117, %jit3A_118 : i32
    %ne3A_136 = arith.constant 0 : i32
    %ne3A_137 = arith.cmpi ne, %rem3A_135, %ne3A_136 : i32
    %and3A_138 = arith.andi %ne3A_134, %ne3A_137 : i1
    %sub3A_139 = arith.constant 1 : i32
    %sub3A_140 = arith.subi %div3A_119, %sub3A_139 : i32
    %select_n3A_141 = arith.select %and3A_138, %sub3A_140, %div3A_119 : i32
    %while3A_142 = arith.constant 0 : i32
    %while3A_143 = arith.constant 0 : i32
    %while3A_144 = arith.subi %select_n3A_141, %while3A_142 : i32
    %while3A_145 = arith.addi %while3A_142, %while3A_144 : i32
    %while3A_146 = arith.constant 1 : i32
    %while3A_147 = arith.divsi %while3A_144, %while3A_146 : i32
    %while3A_148 = arith.muli %while3A_147, %while3A_146 : i32
    %while3A_149 = arith.addi %while3A_142, %while3A_148 : i32
    %while3A_150 = arith.constant 1 : i32
    %while3A_151 = scf.for %while3A_161 = %while3A_142 to %while3A_149 step %while3A_150 iter_args(%while3A_162 = %while3A_143) -> (i32)  : i32 {
      %mul3A_163 = arith.constant 512 : i32
      %mul3A_164 = arith.muli %while3A_161, %mul3A_163 : i32
      %add3A_165 = arith.addi %mul3A_112, %mul3A_164 : i32
      "tpu.region"() ({
        %run_scoped3A = tpu.sem_alloc : memref<!tpu.dma_semaphore, #tpu.memory_space<semaphore_mem>>
        %dma_start3A_186 = tpu.memref_slice %arg5[%add3A_165] : memref<320512xi32, #tpu.memory_space<hbm>> -> memref<512xi32, #tpu.memory_space<hbm>>
        %dma_start3A_187 = tpu.memref_slice %arg5[%add3A_165] : memref<320512xi32, #tpu.memory_space<hbm>> -> memref<512xi32, #tpu.memory_space<hbm>>
        tpu.enqueue_dma source(%dma_start3A_187 : memref<512xi32, #tpu.memory_space<hbm>>) target(%arg11 : memref<512xi32, #tpu.memory_space<vmem>>) target_semaphore(%run_scoped3A : memref<!tpu.dma_semaphore, #tpu.memory_space<semaphore_mem>>)
        %dma_wait3A_188 = tpu.memref_slice %arg5[%add3A_165] : memref<320512xi32, #tpu.memory_space<hbm>> -> memref<512xi32, #tpu.memory_space<hbm>>
        %dma_wait3A_189 = tpu.memref_slice %arg5[%add3A_165] : memref<320512xi32, #tpu.memory_space<hbm>> -> memref<512xi32, #tpu.memory_space<hbm>>
        tpu.wait_dma2 semaphore(%run_scoped3A : memref<!tpu.dma_semaphore, #tpu.memory_space<semaphore_mem>>) src(%dma_wait3A_189 : memref<512xi32, #tpu.memory_space<hbm>>) dst(%arg11 : memref<512xi32, #tpu.memory_space<vmem>>)
        tpu.yield
      }) : () -> ()
      %dma_start3A = arith.constant 0 : i32
      %dma_start3A_166 = arith.constant 0 : i32
      %dma_start3A_167 = tpu.memref_slice %arg2[%dma_start3A, %dma_start3A_166] : memref<320000x16xf32, #tpu.memory_space<hbm>> -> memref<320000x16xf32, #tpu.memory_space<hbm>>
      tpu.enqueue_indirect_dma source(%dma_start3A_167 : memref<320000x16xf32, #tpu.memory_space<hbm>>) target(%arg12 : memref<512x16xf32, #tpu.memory_space<vmem>>) offsets(%arg11 : memref<512xi32, #tpu.memory_space<vmem>>) semaphore(%arg16 : memref<!tpu.dma_semaphore, #tpu.memory_space<semaphore_mem>>)
      %dma_wait3A = arith.constant 0 : i32
      %dma_wait3A_168 = arith.constant 0 : i32
      %dma_wait3A_169 = tpu.memref_slice %arg2[%dma_wait3A, %dma_wait3A_168] : memref<320000x16xf32, #tpu.memory_space<hbm>> -> memref<320000x16xf32, #tpu.memory_space<hbm>>
      tpu.wait_indirect_dma semaphore(%arg16 : memref<!tpu.dma_semaphore, #tpu.memory_space<semaphore_mem>>) src(%dma_wait3A_169 : memref<320000x16xf32, #tpu.memory_space<hbm>>) dst(%arg12 : memref<512x16xf32, #tpu.memory_space<vmem>>)
      "tpu.region"() ({
        %run_scoped3A = tpu.sem_alloc : memref<!tpu.dma_semaphore, #tpu.memory_space<semaphore_mem>>
        %dma_start3A_186 = arith.constant 0 : i32
        %dma_start3A_187 = tpu.memref_slice %arg13[%dma_start3A_186] : memref<528xi32, #tpu.memory_space<vmem>> -> memref<512xi32, #tpu.memory_space<vmem>>
        %dma_start3A_188 = tpu.memref_slice %arg6[%add3A_165] : memref<320512xi32, #tpu.memory_space<hbm>> -> memref<512xi32, #tpu.memory_space<hbm>>
        %dma_start3A_189 = arith.constant 0 : i32
        %dma_start3A_190 = tpu.memref_slice %arg13[%dma_start3A_189] : memref<528xi32, #tpu.memory_space<vmem>> -> memref<512xi32, #tpu.memory_space<vmem>>
        %dma_start3A_191 = tpu.memref_slice %arg6[%add3A_165] : memref<320512xi32, #tpu.memory_space<hbm>> -> memref<512xi32, #tpu.memory_space<hbm>>
        tpu.enqueue_dma source(%dma_start3A_191 : memref<512xi32, #tpu.memory_space<hbm>>) target(%dma_start3A_190 : memref<512xi32, #tpu.memory_space<vmem>>) target_semaphore(%run_scoped3A : memref<!tpu.dma_semaphore, #tpu.memory_space<semaphore_mem>>)
        %dma_wait3A_192 = arith.constant 0 : i32
        %dma_wait3A_193 = tpu.memref_slice %arg13[%dma_wait3A_192] : memref<528xi32, #tpu.memory_space<vmem>> -> memref<512xi32, #tpu.memory_space<vmem>>
        %dma_wait3A_194 = tpu.memref_slice %arg6[%add3A_165] : memref<320512xi32, #tpu.memory_space<hbm>> -> memref<512xi32, #tpu.memory_space<hbm>>
        %dma_wait3A_195 = arith.constant 0 : i32
        %dma_wait3A_196 = tpu.memref_slice %arg13[%dma_wait3A_195] : memref<528xi32, #tpu.memory_space<vmem>> -> memref<512xi32, #tpu.memory_space<vmem>>
        %dma_wait3A_197 = tpu.memref_slice %arg6[%add3A_165] : memref<320512xi32, #tpu.memory_space<hbm>> -> memref<512xi32, #tpu.memory_space<hbm>>
        tpu.wait_dma2 semaphore(%run_scoped3A : memref<!tpu.dma_semaphore, #tpu.memory_space<semaphore_mem>>) src(%dma_wait3A_197 : memref<512xi32, #tpu.memory_space<hbm>>) dst(%dma_wait3A_196 : memref<512xi32, #tpu.memory_space<vmem>>)
        tpu.yield
      }) : () -> ()
      %sub3A_170 = arith.subi %squeeze3A_77, %add3A_165 : i32
      %max3A = arith.constant 0 : i32
      %max3A_171 = arith.maxsi %sub3A_170, %max3A : i32
      %sub3A_172 = arith.subi %squeeze3A_79, %add3A_165 : i32
      %min3A = arith.constant 512 : i32
      %min3A_173 = arith.minsi %sub3A_172, %min3A : i32
      %while3A_174 = arith.constant 0 : i32
      %while3A_175 = arith.subi %min3A_173, %max3A_171 : i32
      %while3A_176 = arith.addi %max3A_171, %while3A_175 : i32
      %while3A_177 = arith.constant 1 : i32
      %while3A_178 = arith.divsi %while3A_175, %while3A_177 : i32
      %while3A_179 = arith.muli %while3A_178, %while3A_177 : i32
      %while3A_180 = arith.addi %max3A_171, %while3A_179 : i32
      %while3A_181 = arith.constant 1 : i32
      %while3A_182 = scf.for %while3A_186 = %max3A_171 to %while3A_180 step %while3A_181 iter_args(%while3A_187 = %while3A_174) -> (i32)  : i32 {
        %get3A_188 = arith.index_cast %while3A_186 : i32 to index
        %get3A_189 = tpu.vector_load %arg13[%get3A_188] {strides = array<i32>} : memref<528xi32, #tpu.memory_space<vmem>>, vector<16xi32>,
        %get3A_190 = vector.shape_cast %get3A_189 : vector<16xi32> to vector<16xi32>
        %slice3A_191 = vector.extract_strided_slice %get3A_190 {offsets = [0], sizes = [1], strides = [1]} : vector<16xi32> to vector<1xi32>
        %squeeze3A_192 = vector.extract %slice3A_191[0] : i32 from vector<1xi32>
        %jit3A_193 = arith.constant 10000 : i32
        %div3A_194 = arith.divsi %squeeze3A_192, %jit3A_193 : i32
        %sign3A_195 = arith.constant 0 : i32
        %sign3A_196 = arith.cmpi sgt, %squeeze3A_192, %sign3A_195 : i32
        %sign3A_197 = arith.extui %sign3A_196 : i1 to i32
        %sign3A_198 = arith.constant 0 : i32
        %sign3A_199 = arith.cmpi slt, %squeeze3A_192, %sign3A_198 : i32
        %sign3A_200 = arith.extui %sign3A_199 : i1 to i32
        %sign3A_201 = arith.subi %sign3A_197, %sign3A_200 : i32
        %sign3A_202 = arith.constant 0 : i32
        %sign3A_203 = arith.cmpi sgt, %jit3A_193, %sign3A_202 : i32
        %sign3A_204 = arith.extui %sign3A_203 : i1 to i32
        %sign3A_205 = arith.constant 0 : i32
        %sign3A_206 = arith.cmpi slt, %jit3A_193, %sign3A_205 : i32
        %sign3A_207 = arith.extui %sign3A_206 : i1 to i32
        %sign3A_208 = arith.subi %sign3A_204, %sign3A_207 : i32
        %ne3A_209 = arith.cmpi ne, %sign3A_201, %sign3A_208 : i32
        %rem3A_210 = arith.remsi %squeeze3A_192, %jit3A_193 : i32
        %ne3A_211 = arith.constant 0 : i32
        %ne3A_212 = arith.cmpi ne, %rem3A_210, %ne3A_211 : i32
        %and3A_213 = arith.andi %ne3A_209, %ne3A_212 : i1
        %sub3A_214 = arith.constant 1 : i32
        %sub3A_215 = arith.subi %div3A_194, %sub3A_214 : i32
        %select_n3A_216 = arith.select %and3A_213, %sub3A_215, %div3A_194 : i32
        %sub3A_217 = arith.subi %select_n3A_216, %mul3A_2 : i32
        %get3A_218 = arith.index_cast %sub3A_217 : i32 to index
        %get3A_219 = arith.constant 0 : index
        %get3A_220 = tpu.vector_load %arg10[%get3A_218, %get3A_219] {strides = array<i32>} : memref<320x16xf32, #tpu.memory_space<vmem>>, vector<1x16xf32>,
        %get3A_221 = vector.shape_cast %get3A_220 : vector<1x16xf32> to vector<16xf32>
        %get3A_222 = arith.index_cast %while3A_186 : i32 to index
        %get3A_223 = arith.constant 0 : index
        %get3A_224 = tpu.vector_load %arg12[%get3A_222, %get3A_223] {strides = array<i32>} : memref<512x16xf32, #tpu.memory_space<vmem>>, vector<1x16xf32>,
        %get3A_225 = vector.shape_cast %get3A_224 : vector<1x16xf32> to vector<16xf32>
        %max3A_226 = arith.maximumf %get3A_221, %get3A_225 : vector<16xf32>
        %swap3A = arith.index_cast %sub3A_217 : i32 to index
        %swap3A_227 = arith.constant 0 : index
        %swap3A_228 = tpu.vector_load %arg10[%swap3A, %swap3A_227] {strides = array<i32>} : memref<320x16xf32, #tpu.memory_space<vmem>>, vector<1x16xf32>,
        %swap3A_229 = vector.shape_cast %swap3A_228 : vector<1x16xf32> to vector<16xf32>
        %swap3A_230 = vector.shape_cast %max3A_226 : vector<16xf32> to vector<1x16xf32>
        tpu.vector_store %arg10[%swap3A, %swap3A_227], %swap3A_230 {strides = array<i32>} : memref<320x16xf32, #tpu.memory_space<vmem>>, vector<1x16xf32>,
        %while3A_231 = arith.constant 0 : i32
        scf.yield %while3A_231 : i32
      }
      %while3A_183 = arith.constant 1 : i32
      %while3A_184 = scf.for %while3A_186 = %while3A_180 to %while3A_176 step %while3A_183 iter_args(%while3A_187 = %while3A_182) -> (i32)  : i32 {
        %get3A_188 = arith.index_cast %while3A_186 : i32 to index
        %get3A_189 = tpu.vector_load %arg13[%get3A_188] {strides = array<i32>} : memref<528xi32, #tpu.memory_space<vmem>>, vector<16xi32>,
        %get3A_190 = vector.shape_cast %get3A_189 : vector<16xi32> to vector<16xi32>
        %slice3A_191 = vector.extract_strided_slice %get3A_190 {offsets = [0], sizes = [1], strides = [1]} : vector<16xi32> to vector<1xi32>
        %squeeze3A_192 = vector.extract %slice3A_191[0] : i32 from vector<1xi32>
        %jit3A_193 = arith.constant 10000 : i32
        %div3A_194 = arith.divsi %squeeze3A_192, %jit3A_193 : i32
        %sign3A_195 = arith.constant 0 : i32
        %sign3A_196 = arith.cmpi sgt, %squeeze3A_192, %sign3A_195 : i32
        %sign3A_197 = arith.extui %sign3A_196 : i1 to i32
        %sign3A_198 = arith.constant 0 : i32
        %sign3A_199 = arith.cmpi slt, %squeeze3A_192, %sign3A_198 : i32
        %sign3A_200 = arith.extui %sign3A_199 : i1 to i32
        %sign3A_201 = arith.subi %sign3A_197, %sign3A_200 : i32
        %sign3A_202 = arith.constant 0 : i32
        %sign3A_203 = arith.cmpi sgt, %jit3A_193, %sign3A_202 : i32
        %sign3A_204 = arith.extui %sign3A_203 : i1 to i32
        %sign3A_205 = arith.constant 0 : i32
        %sign3A_206 = arith.cmpi slt, %jit3A_193, %sign3A_205 : i32
        %sign3A_207 = arith.extui %sign3A_206 : i1 to i32
        %sign3A_208 = arith.subi %sign3A_204, %sign3A_207 : i32
        %ne3A_209 = arith.cmpi ne, %sign3A_201, %sign3A_208 : i32
        %rem3A_210 = arith.remsi %squeeze3A_192, %jit3A_193 : i32
        %ne3A_211 = arith.constant 0 : i32
        %ne3A_212 = arith.cmpi ne, %rem3A_210, %ne3A_211 : i32
        %and3A_213 = arith.andi %ne3A_209, %ne3A_212 : i1
        %sub3A_214 = arith.constant 1 : i32
        %sub3A_215 = arith.subi %div3A_194, %sub3A_214 : i32
        %select_n3A_216 = arith.select %and3A_213, %sub3A_215, %div3A_194 : i32
        %sub3A_217 = arith.subi %select_n3A_216, %mul3A_2 : i32
        %get3A_218 = arith.index_cast %sub3A_217 : i32 to index
        %get3A_219 = arith.constant 0 : index
        %get3A_220 = tpu.vector_load %arg10[%get3A_218, %get3A_219] {strides = array<i32>} : memref<320x16xf32, #tpu.memory_space<vmem>>, vector<1x16xf32>,
        %get3A_221 = vector.shape_cast %get3A_220 : vector<1x16xf32> to vector<16xf32>
        %get3A_222 = arith.index_cast %while3A_186 : i32 to index
        %get3A_223 = arith.constant 0 : index
        %get3A_224 = tpu.vector_load %arg12[%get3A_222, %get3A_223] {strides = array<i32>} : memref<512x16xf32, #tpu.memory_space<vmem>>, vector<1x16xf32>,
        %get3A_225 = vector.shape_cast %get3A_224 : vector<1x16xf32> to vector<16xf32>
        %max3A_226 = arith.maximumf %get3A_221, %get3A_225 : vector<16xf32>
        %swap3A = arith.index_cast %sub3A_217 : i32 to index
        %swap3A_227 = arith.constant 0 : index
        %swap3A_228 = tpu.vector_load %arg10[%swap3A, %swap3A_227] {strides = array<i32>} : memref<320x16xf32, #tpu.memory_space<vmem>>, vector<1x16xf32>,
        %swap3A_229 = vector.shape_cast %swap3A_228 : vector<1x16xf32> to vector<16xf32>
        %swap3A_230 = vector.shape_cast %max3A_226 : vector<16xf32> to vector<1x16xf32>
        tpu.vector_store %arg10[%swap3A, %swap3A_227], %swap3A_230 {strides = array<i32>} : memref<320x16xf32, #tpu.memory_space<vmem>>, vector<1x16xf32>,
        %while3A_231 = arith.constant 0 : i32
        scf.yield %while3A_231 : i32
      }
      %while3A_185 = arith.constant 0 : i32
      scf.yield %while3A_185 : i32
    }
    %while3A_152 = arith.constant 1 : i32
    %while3A_153 = scf.for %while3A_161 = %while3A_149 to %while3A_145 step %while3A_152 iter_args(%while3A_162 = %while3A_151) -> (i32)  : i32 {
      %mul3A_163 = arith.constant 512 : i32
      %mul3A_164 = arith.muli %while3A_161, %mul3A_163 : i32
      %add3A_165 = arith.addi %mul3A_112, %mul3A_164 : i32
      "tpu.region"() ({
        %run_scoped3A = tpu.sem_alloc : memref<!tpu.dma_semaphore, #tpu.memory_space<semaphore_mem>>
        %dma_start3A_186 = tpu.memref_slice %arg5[%add3A_165] : memref<320512xi32, #tpu.memory_space<hbm>> -> memref<512xi32, #tpu.memory_space<hbm>>
        %dma_start3A_187 = tpu.memref_slice %arg5[%add3A_165] : memref<320512xi32, #tpu.memory_space<hbm>> -> memref<512xi32, #tpu.memory_space<hbm>>
        tpu.enqueue_dma source(%dma_start3A_187 : memref<512xi32, #tpu.memory_space<hbm>>) target(%arg11 : memref<512xi32, #tpu.memory_space<vmem>>) target_semaphore(%run_scoped3A : memref<!tpu.dma_semaphore, #tpu.memory_space<semaphore_mem>>)
        %dma_wait3A_188 = tpu.memref_slice %arg5[%add3A_165] : memref<320512xi32, #tpu.memory_space<hbm>> -> memref<512xi32, #tpu.memory_space<hbm>>
        %dma_wait3A_189 = tpu.memref_slice %arg5[%add3A_165] : memref<320512xi32, #tpu.memory_space<hbm>> -> memref<512xi32, #tpu.memory_space<hbm>>
        tpu.wait_dma2 semaphore(%run_scoped3A : memref<!tpu.dma_semaphore, #tpu.memory_space<semaphore_mem>>) src(%dma_wait3A_189 : memref<512xi32, #tpu.memory_space<hbm>>) dst(%arg11 : memref<512xi32, #tpu.memory_space<vmem>>)
        tpu.yield
      }) : () -> ()
      %dma_start3A = arith.constant 0 : i32
      %dma_start3A_166 = arith.constant 0 : i32
      %dma_start3A_167 = tpu.memref_slice %arg2[%dma_start3A, %dma_start3A_166] : memref<320000x16xf32, #tpu.memory_space<hbm>> -> memref<320000x16xf32, #tpu.memory_space<hbm>>
      tpu.enqueue_indirect_dma source(%dma_start3A_167 : memref<320000x16xf32, #tpu.memory_space<hbm>>) target(%arg12 : memref<512x16xf32, #tpu.memory_space<vmem>>) offsets(%arg11 : memref<512xi32, #tpu.memory_space<vmem>>) semaphore(%arg16 : memref<!tpu.dma_semaphore, #tpu.memory_space<semaphore_mem>>)
      %dma_wait3A = arith.constant 0 : i32
      %dma_wait3A_168 = arith.constant 0 : i32
      %dma_wait3A_169 = tpu.memref_slice %arg2[%dma_wait3A, %dma_wait3A_168] : memref<320000x16xf32, #tpu.memory_space<hbm>> -> memref<320000x16xf32, #tpu.memory_space<hbm>>
      tpu.wait_indirect_dma semaphore(%arg16 : memref<!tpu.dma_semaphore, #tpu.memory_space<semaphore_mem>>) src(%dma_wait3A_169 : memref<320000x16xf32, #tpu.memory_space<hbm>>) dst(%arg12 : memref<512x16xf32, #tpu.memory_space<vmem>>)
      "tpu.region"() ({
        %run_scoped3A = tpu.sem_alloc : memref<!tpu.dma_semaphore, #tpu.memory_space<semaphore_mem>>
        %dma_start3A_186 = arith.constant 0 : i32
        %dma_start3A_187 = tpu.memref_slice %arg13[%dma_start3A_186] : memref<528xi32, #tpu.memory_space<vmem>> -> memref<512xi32, #tpu.memory_space<vmem>>
        %dma_start3A_188 = tpu.memref_slice %arg6[%add3A_165] : memref<320512xi32, #tpu.memory_space<hbm>> -> memref<512xi32, #tpu.memory_space<hbm>>
        %dma_start3A_189 = arith.constant 0 : i32
        %dma_start3A_190 = tpu.memref_slice %arg13[%dma_start3A_189] : memref<528xi32, #tpu.memory_space<vmem>> -> memref<512xi32, #tpu.memory_space<vmem>>
        %dma_start3A_191 = tpu.memref_slice %arg6[%add3A_165] : memref<320512xi32, #tpu.memory_space<hbm>> -> memref<512xi32, #tpu.memory_space<hbm>>
        tpu.enqueue_dma source(%dma_start3A_191 : memref<512xi32, #tpu.memory_space<hbm>>) target(%dma_start3A_190 : memref<512xi32, #tpu.memory_space<vmem>>) target_semaphore(%run_scoped3A : memref<!tpu.dma_semaphore, #tpu.memory_space<semaphore_mem>>)
        %dma_wait3A_192 = arith.constant 0 : i32
        %dma_wait3A_193 = tpu.memref_slice %arg13[%dma_wait3A_192] : memref<528xi32, #tpu.memory_space<vmem>> -> memref<512xi32, #tpu.memory_space<vmem>>
        %dma_wait3A_194 = tpu.memref_slice %arg6[%add3A_165] : memref<320512xi32, #tpu.memory_space<hbm>> -> memref<512xi32, #tpu.memory_space<hbm>>
        %dma_wait3A_195 = arith.constant 0 : i32
        %dma_wait3A_196 = tpu.memref_slice %arg13[%dma_wait3A_195] : memref<528xi32, #tpu.memory_space<vmem>> -> memref<512xi32, #tpu.memory_space<vmem>>
        %dma_wait3A_197 = tpu.memref_slice %arg6[%add3A_165] : memref<320512xi32, #tpu.memory_space<hbm>> -> memref<512xi32, #tpu.memory_space<hbm>>
        tpu.wait_dma2 semaphore(%run_scoped3A : memref<!tpu.dma_semaphore, #tpu.memory_space<semaphore_mem>>) src(%dma_wait3A_197 : memref<512xi32, #tpu.memory_space<hbm>>) dst(%dma_wait3A_196 : memref<512xi32, #tpu.memory_space<vmem>>)
        tpu.yield
      }) : () -> ()
      %sub3A_170 = arith.subi %squeeze3A_77, %add3A_165 : i32
      %max3A = arith.constant 0 : i32
      %max3A_171 = arith.maxsi %sub3A_170, %max3A : i32
      %sub3A_172 = arith.subi %squeeze3A_79, %add3A_165 : i32
      %min3A = arith.constant 512 : i32
      %min3A_173 = arith.minsi %sub3A_172, %min3A : i32
      %while3A_174 = arith.constant 0 : i32
      %while3A_175 = arith.subi %min3A_173, %max3A_171 : i32
      %while3A_176 = arith.addi %max3A_171, %while3A_175 : i32
      %while3A_177 = arith.constant 1 : i32
      %while3A_178 = arith.divsi %while3A_175, %while3A_177 : i32
      %while3A_179 = arith.muli %while3A_178, %while3A_177 : i32
      %while3A_180 = arith.addi %max3A_171, %while3A_179 : i32
      %while3A_181 = arith.constant 1 : i32
      %while3A_182 = scf.for %while3A_186 = %max3A_171 to %while3A_180 step %while3A_181 iter_args(%while3A_187 = %while3A_174) -> (i32)  : i32 {
        %get3A_188 = arith.index_cast %while3A_186 : i32 to index
        %get3A_189 = tpu.vector_load %arg13[%get3A_188] {strides = array<i32>} : memref<528xi32, #tpu.memory_space<vmem>>, vector<16xi32>,
        %get3A_190 = vector.shape_cast %get3A_189 : vector<16xi32> to vector<16xi32>
        %slice3A_191 = vector.extract_strided_slice %get3A_190 {offsets = [0], sizes = [1], strides = [1]} : vector<16xi32> to vector<1xi32>
        %squeeze3A_192 = vector.extract %slice3A_191[0] : i32 from vector<1xi32>
        %jit3A_193 = arith.constant 10000 : i32
        %div3A_194 = arith.divsi %squeeze3A_192, %jit3A_193 : i32
        %sign3A_195 = arith.constant 0 : i32
        %sign3A_196 = arith.cmpi sgt, %squeeze3A_192, %sign3A_195 : i32
        %sign3A_197 = arith.extui %sign3A_196 : i1 to i32
        %sign3A_198 = arith.constant 0 : i32
        %sign3A_199 = arith.cmpi slt, %squeeze3A_192, %sign3A_198 : i32
        %sign3A_200 = arith.extui %sign3A_199 : i1 to i32
        %sign3A_201 = arith.subi %sign3A_197, %sign3A_200 : i32
        %sign3A_202 = arith.constant 0 : i32
        %sign3A_203 = arith.cmpi sgt, %jit3A_193, %sign3A_202 : i32
        %sign3A_204 = arith.extui %sign3A_203 : i1 to i32
        %sign3A_205 = arith.constant 0 : i32
        %sign3A_206 = arith.cmpi slt, %jit3A_193, %sign3A_205 : i32
        %sign3A_207 = arith.extui %sign3A_206 : i1 to i32
        %sign3A_208 = arith.subi %sign3A_204, %sign3A_207 : i32
        %ne3A_209 = arith.cmpi ne, %sign3A_201, %sign3A_208 : i32
        %rem3A_210 = arith.remsi %squeeze3A_192, %jit3A_193 : i32
        %ne3A_211 = arith.constant 0 : i32
        %ne3A_212 = arith.cmpi ne, %rem3A_210, %ne3A_211 : i32
        %and3A_213 = arith.andi %ne3A_209, %ne3A_212 : i1
        %sub3A_214 = arith.constant 1 : i32
        %sub3A_215 = arith.subi %div3A_194, %sub3A_214 : i32
        %select_n3A_216 = arith.select %and3A_213, %sub3A_215, %div3A_194 : i32
        %sub3A_217 = arith.subi %select_n3A_216, %mul3A_2 : i32
        %get3A_218 = arith.index_cast %sub3A_217 : i32 to index
        %get3A_219 = arith.constant 0 : index
        %get3A_220 = tpu.vector_load %arg10[%get3A_218, %get3A_219] {strides = array<i32>} : memref<320x16xf32, #tpu.memory_space<vmem>>, vector<1x16xf32>,
        %get3A_221 = vector.shape_cast %get3A_220 : vector<1x16xf32> to vector<16xf32>
        %get3A_222 = arith.index_cast %while3A_186 : i32 to index
        %get3A_223 = arith.constant 0 : index
        %get3A_224 = tpu.vector_load %arg12[%get3A_222, %get3A_223] {strides = array<i32>} : memref<512x16xf32, #tpu.memory_space<vmem>>, vector<1x16xf32>,
        %get3A_225 = vector.shape_cast %get3A_224 : vector<1x16xf32> to vector<16xf32>
        %max3A_226 = arith.maximumf %get3A_221, %get3A_225 : vector<16xf32>
        %swap3A = arith.index_cast %sub3A_217 : i32 to index
        %swap3A_227 = arith.constant 0 : index
        %swap3A_228 = tpu.vector_load %arg10[%swap3A, %swap3A_227] {strides = array<i32>} : memref<320x16xf32, #tpu.memory_space<vmem>>, vector<1x16xf32>,
        %swap3A_229 = vector.shape_cast %swap3A_228 : vector<1x16xf32> to vector<16xf32>
        %swap3A_230 = vector.shape_cast %max3A_226 : vector<16xf32> to vector<1x16xf32>
        tpu.vector_store %arg10[%swap3A, %swap3A_227], %swap3A_230 {strides = array<i32>} : memref<320x16xf32, #tpu.memory_space<vmem>>, vector<1x16xf32>,
        %while3A_231 = arith.constant 0 : i32
        scf.yield %while3A_231 : i32
      }
      %while3A_183 = arith.constant 1 : i32
      %while3A_184 = scf.for %while3A_186 = %while3A_180 to %while3A_176 step %while3A_183 iter_args(%while3A_187 = %while3A_182) -> (i32)  : i32 {
        %get3A_188 = arith.index_cast %while3A_186 : i32 to index
        %get3A_189 = tpu.vector_load %arg13[%get3A_188] {strides = array<i32>} : memref<528xi32, #tpu.memory_space<vmem>>, vector<16xi32>,
        %get3A_190 = vector.shape_cast %get3A_189 : vector<16xi32> to vector<16xi32>
        %slice3A_191 = vector.extract_strided_slice %get3A_190 {offsets = [0], sizes = [1], strides = [1]} : vector<16xi32> to vector<1xi32>
        %squeeze3A_192 = vector.extract %slice3A_191[0] : i32 from vector<1xi32>
        %jit3A_193 = arith.constant 10000 : i32
        %div3A_194 = arith.divsi %squeeze3A_192, %jit3A_193 : i32
        %sign3A_195 = arith.constant 0 : i32
        %sign3A_196 = arith.cmpi sgt, %squeeze3A_192, %sign3A_195 : i32
        %sign3A_197 = arith.extui %sign3A_196 : i1 to i32
        %sign3A_198 = arith.constant 0 : i32
        %sign3A_199 = arith.cmpi slt, %squeeze3A_192, %sign3A_198 : i32
        %sign3A_200 = arith.extui %sign3A_199 : i1 to i32
        %sign3A_201 = arith.subi %sign3A_197, %sign3A_200 : i32
        %sign3A_202 = arith.constant 0 : i32
        %sign3A_203 = arith.cmpi sgt, %jit3A_193, %sign3A_202 : i32
        %sign3A_204 = arith.extui %sign3A_203 : i1 to i32
        %sign3A_205 = arith.constant 0 : i32
        %sign3A_206 = arith.cmpi slt, %jit3A_193, %sign3A_205 : i32
        %sign3A_207 = arith.extui %sign3A_206 : i1 to i32
        %sign3A_208 = arith.subi %sign3A_204, %sign3A_207 : i32
        %ne3A_209 = arith.cmpi ne, %sign3A_201, %sign3A_208 : i32
        %rem3A_210 = arith.remsi %squeeze3A_192, %jit3A_193 : i32
        %ne3A_211 = arith.constant 0 : i32
        %ne3A_212 = arith.cmpi ne, %rem3A_210, %ne3A_211 : i32
        %and3A_213 = arith.andi %ne3A_209, %ne3A_212 : i1
        %sub3A_214 = arith.constant 1 : i32
        %sub3A_215 = arith.subi %div3A_194, %sub3A_214 : i32
        %select_n3A_216 = arith.select %and3A_213, %sub3A_215, %div3A_194 : i32
        %sub3A_217 = arith.subi %select_n3A_216, %mul3A_2 : i32
        %get3A_218 = arith.index_cast %sub3A_217 : i32 to index
        %get3A_219 = arith.constant 0 : index
        %get3A_220 = tpu.vector_load %arg10[%get3A_218, %get3A_219] {strides = array<i32>} : memref<320x16xf32, #tpu.memory_space<vmem>>, vector<1x16xf32>,
        %get3A_221 = vector.shape_cast %get3A_220 : vector<1x16xf32> to vector<16xf32>
        %get3A_222 = arith.index_cast %while3A_186 : i32 to index
        %get3A_223 = arith.constant 0 : index
        %get3A_224 = tpu.vector_load %arg12[%get3A_222, %get3A_223] {strides = array<i32>} : memref<512x16xf32, #tpu.memory_space<vmem>>, vector<1x16xf32>,
        %get3A_225 = vector.shape_cast %get3A_224 : vector<1x16xf32> to vector<16xf32>
        %max3A_226 = arith.maximumf %get3A_221, %get3A_225 : vector<16xf32>
        %swap3A = arith.index_cast %sub3A_217 : i32 to index
        %swap3A_227 = arith.constant 0 : index
        %swap3A_228 = tpu.vector_load %arg10[%swap3A, %swap3A_227] {strides = array<i32>} : memref<320x16xf32, #tpu.memory_space<vmem>>, vector<1x16xf32>,
        %swap3A_229 = vector.shape_cast %swap3A_228 : vector<1x16xf32> to vector<16xf32>
        %swap3A_230 = vector.shape_cast %max3A_226 : vector<16xf32> to vector<1x16xf32>
        tpu.vector_store %arg10[%swap3A, %swap3A_227], %swap3A_230 {strides = array<i32>} : memref<320x16xf32, #tpu.memory_space<vmem>>, vector<1x16xf32>,
        %while3A_231 = arith.constant 0 : i32
        scf.yield %while3A_231 : i32
      }
      %while3A_185 = arith.constant 0 : i32
      scf.yield %while3A_185 : i32
    }
    %scan3A_154 = arith.constant 0 : i32
    %scan3A_155 = arith.constant 0 : i32
    %scan3A_156 = arith.constant 320 : i32
    %scan3A_157 = arith.addi %scan3A_155, %scan3A_156 : i32
    %scan3A_158 = arith.constant 1 : i32
    %scan3A_159 = scf.for %scan3A_161 = %scan3A_155 to %scan3A_157 step %scan3A_158 iter_args(%scan3A_162 = %scan3A_154) -> (i32)  : i32 {
      %get3A_163 = arith.index_cast %scan3A_161 : i32 to index
      %get3A_164 = arith.constant 0 : index
      %get3A_165 = tpu.vector_load %arg9[%get3A_163, %get3A_164] {strides = array<i32>} : memref<320x16xf32, #tpu.memory_space<vmem>>, vector<1x16xf32>,
      %get3A_166 = vector.shape_cast %get3A_165 : vector<1x16xf32> to vector<16xf32>
      %get3A_167 = arith.index_cast %scan3A_161 : i32 to index
      %get3A_168 = arith.constant 0 : index
      %get3A_169 = tpu.vector_load %arg10[%get3A_167, %get3A_168] {strides = array<i32>} : memref<320x16xf32, #tpu.memory_space<vmem>>, vector<1x16xf32>,
      %get3A_170 = vector.shape_cast %get3A_169 : vector<1x16xf32> to vector<16xf32>
      %add3A_171 = arith.addf %get3A_166, %get3A_170 : vector<16xf32>
      %swap3A = arith.index_cast %scan3A_161 : i32 to index
      %swap3A_172 = arith.constant 0 : index
      %swap3A_173 = tpu.vector_load %arg15[%swap3A, %swap3A_172] {strides = array<i32>} : memref<320x16xf32, #tpu.memory_space<vmem>>, vector<1x16xf32>,
      %swap3A_174 = vector.shape_cast %swap3A_173 : vector<1x16xf32> to vector<16xf32>
      %swap3A_175 = vector.shape_cast %add3A_171 : vector<16xf32> to vector<1x16xf32>
      tpu.vector_store %arg15[%swap3A, %swap3A_172], %swap3A_175 {strides = array<i32>} : memref<320x16xf32, #tpu.memory_space<vmem>>, vector<1x16xf32>,
      %scan3A_176 = arith.constant 0 : i32
      scf.yield %scan3A_176 : i32
    }
    %scan3A_160 = arith.constant 320 : i32
    "tpu.region"() ({
      %run_scoped3A = tpu.sem_alloc : memref<!tpu.dma_semaphore, #tpu.memory_space<semaphore_mem>>
      %dma_start3A = arith.constant 0 : i32
      %dma_start3A_161 = tpu.memref_slice %arg8[%mul3A_2, %dma_start3A] : memref<10240x16xf32, #tpu.memory_space<hbm>> -> memref<320x16xf32, #tpu.memory_space<hbm>>
      %dma_start3A_162 = arith.constant 0 : i32
      %dma_start3A_163 = tpu.memref_slice %arg8[%mul3A_2, %dma_start3A_162] : memref<10240x16xf32, #tpu.memory_space<hbm>> -> memref<320x16xf32, #tpu.memory_space<hbm>>
      tpu.enqueue_dma source(%arg15 : memref<320x16xf32, #tpu.memory_space<vmem>>) target(%dma_start3A_163 : memref<320x16xf32, #tpu.memory_space<hbm>>) target_semaphore(%run_scoped3A : memref<!tpu.dma_semaphore, #tpu.memory_space<semaphore_mem>>)
      %dma_wait3A = arith.constant 0 : i32
      %dma_wait3A_164 = tpu.memref_slice %arg8[%mul3A_2, %dma_wait3A] : memref<10240x16xf32, #tpu.memory_space<hbm>> -> memref<320x16xf32, #tpu.memory_space<hbm>>
      %dma_wait3A_165 = arith.constant 0 : i32
      %dma_wait3A_166 = tpu.memref_slice %arg8[%mul3A_2, %dma_wait3A_165] : memref<10240x16xf32, #tpu.memory_space<hbm>> -> memref<320x16xf32, #tpu.memory_space<hbm>>
      tpu.wait_dma2 semaphore(%run_scoped3A : memref<!tpu.dma_semaphore, #tpu.memory_space<semaphore_mem>>) src(%arg15 : memref<320x16xf32, #tpu.memory_space<vmem>>) dst(%dma_wait3A_166 : memref<320x16xf32, #tpu.memory_space<hbm>>)
      tpu.yield
    }) : () -> ()
    return
  }
}

#map = affine_map<(d0, d1) -> (0)>
#map1 = affine_map<(d0, d1) -> (0, 0)>
module attributes {stable_mosaic.version = 14 : i64} {
  func.func @_assemble_body(%arg0: i32, %arg1: i32, %arg2: memref<320000xi32, #tpu.memory_space<hbm>>, %arg3: memref<320000xi32, #tpu.memory_space<hbm>>, %arg4: memref<320000xi32, #tpu.memory_space<hbm>>, %arg5: memref<10240x16xf32, #tpu.memory_space<hbm>>, %arg6: memref<10240x16xf32, #tpu.memory_space<hbm>>, %arg7: memref<320000x16xf32, #tpu.memory_space<hbm>>, %arg8: memref<320008x16xf32, #tpu.memory_space<hbm>>, %arg9: memref<16xf32, #tpu.memory_space<hbm>>, %arg10: memref<320000x16xf32, #tpu.memory_space<hbm>>, %arg11: memref<400xi32, #tpu.memory_space<vmem>>, %arg12: memref<400xi32, #tpu.memory_space<vmem>>, %arg13: memref<400xi32, #tpu.memory_space<vmem>>, %arg14: memref<400x16xf32, #tpu.memory_space<vmem>>, %arg15: memref<400x16xf32, #tpu.memory_space<vmem>>, %arg16: memref<400x16xf32, #tpu.memory_space<vmem>>, %arg17: memref<400x16xf32, #tpu.memory_space<vmem>>, %arg18: memref<400x16xf32, #tpu.memory_space<vmem>>, %arg19: memref<16xf32, #tpu.memory_space<vmem>>, %arg20: memref<!tpu.dma_semaphore, #tpu.memory_space<semaphore_mem>>, %arg21: memref<!tpu.dma_semaphore, #tpu.memory_space<semaphore_mem>>, %arg22: memref<!tpu.dma_semaphore, #tpu.memory_space<semaphore_mem>>, %arg23: memref<!tpu.dma_semaphore, #tpu.memory_space<semaphore_mem>>) attributes {dimension_semantics = [#tpu.dimension_semantics<core_parallel>, #tpu.dimension_semantics<subcore_parallel>], iteration_bounds = array<i64: 2, 16>, scalar_prefetch = 0 : i64, scratch_operands = 13 : i64, tpu.core_type = #tpu.core_type<sc_vector_subcore>, window_params = [{transform_indices = #map}, {transform_indices = #map}, {transform_indices = #map}, {transform_indices = #map1}, {transform_indices = #map1}, {transform_indices = #map1}, {transform_indices = #map1}, {transform_indices = #map}, {transform_indices = #map1}]} {
    %mul3A = arith.constant 2 : i32
    %mul3A_0 = arith.muli %arg1, %mul3A : i32
    %add3A = arith.addi %mul3A_0, %arg0 : i32
    %mul3A_1 = arith.constant 10000 : i32
    %mul3A_2 = arith.muli %add3A, %mul3A_1 : i32
    "tpu.region"() ({
      %run_scoped3A = tpu.sem_alloc : memref<!tpu.dma_semaphore, #tpu.memory_space<semaphore_mem>>
      tpu.enqueue_dma source(%arg9 : memref<16xf32, #tpu.memory_space<hbm>>) target(%arg19 : memref<16xf32, #tpu.memory_space<vmem>>) target_semaphore(%run_scoped3A : memref<!tpu.dma_semaphore, #tpu.memory_space<semaphore_mem>>)
      tpu.wait_dma2 semaphore(%run_scoped3A : memref<!tpu.dma_semaphore, #tpu.memory_space<semaphore_mem>>) src(%arg9 : memref<16xf32, #tpu.memory_space<hbm>>) dst(%arg19 : memref<16xf32, #tpu.memory_space<vmem>>)
      tpu.yield
    }) : () -> ()
    %get3A = arith.constant 0 : index
    %get3A_3 = tpu.vector_load %arg19[%get3A] {strides = array<i32>} : memref<16xf32, #tpu.memory_space<vmem>>, vector<16xf32>,
    %get3A_4 = vector.shape_cast %get3A_3 : vector<16xf32> to vector<16xf32>
    %scan3A = arith.constant 0 : i32
    %scan3A_5 = arith.constant 0 : i32
    %scan3A_6 = arith.constant 25 : i32
    %scan3A_7 = arith.addi %scan3A_5, %scan3A_6 : i32
    %scan3A_8 = arith.constant 1 : i32
    %scan3A_9 = scf.for %scan3A_11 = %scan3A_5 to %scan3A_7 step %scan3A_8 iter_args(%scan3A_12 = %scan3A) -> (i32)  : i32 {
      %mul3A_13 = arith.constant 400 : i32
      %mul3A_14 = arith.muli %scan3A_11, %mul3A_13 : i32
      %add3A_15 = arith.addi %mul3A_2, %mul3A_14 : i32
      "tpu.region"() ({
        %run_scoped3A = tpu.sem_alloc : memref<!tpu.dma_semaphore, #tpu.memory_space<semaphore_mem>>
        %dma_start3A_48 = tpu.memref_slice %arg2[%add3A_15] : memref<320000xi32, #tpu.memory_space<hbm>> -> memref<400xi32, #tpu.memory_space<hbm>>
        %dma_start3A_49 = tpu.memref_slice %arg2[%add3A_15] : memref<320000xi32, #tpu.memory_space<hbm>> -> memref<400xi32, #tpu.memory_space<hbm>>
        tpu.enqueue_dma source(%dma_start3A_49 : memref<400xi32, #tpu.memory_space<hbm>>) target(%arg11 : memref<400xi32, #tpu.memory_space<vmem>>) target_semaphore(%run_scoped3A : memref<!tpu.dma_semaphore, #tpu.memory_space<semaphore_mem>>)
        %dma_wait3A_50 = tpu.memref_slice %arg2[%add3A_15] : memref<320000xi32, #tpu.memory_space<hbm>> -> memref<400xi32, #tpu.memory_space<hbm>>
        %dma_wait3A_51 = tpu.memref_slice %arg2[%add3A_15] : memref<320000xi32, #tpu.memory_space<hbm>> -> memref<400xi32, #tpu.memory_space<hbm>>
        tpu.wait_dma2 semaphore(%run_scoped3A : memref<!tpu.dma_semaphore, #tpu.memory_space<semaphore_mem>>) src(%dma_wait3A_51 : memref<400xi32, #tpu.memory_space<hbm>>) dst(%arg11 : memref<400xi32, #tpu.memory_space<vmem>>)
        tpu.yield
      }) : () -> ()
      "tpu.region"() ({
        %run_scoped3A = tpu.sem_alloc : memref<!tpu.dma_semaphore, #tpu.memory_space<semaphore_mem>>
        %dma_start3A_48 = tpu.memref_slice %arg3[%add3A_15] : memref<320000xi32, #tpu.memory_space<hbm>> -> memref<400xi32, #tpu.memory_space<hbm>>
        %dma_start3A_49 = tpu.memref_slice %arg3[%add3A_15] : memref<320000xi32, #tpu.memory_space<hbm>> -> memref<400xi32, #tpu.memory_space<hbm>>
        tpu.enqueue_dma source(%dma_start3A_49 : memref<400xi32, #tpu.memory_space<hbm>>) target(%arg12 : memref<400xi32, #tpu.memory_space<vmem>>) target_semaphore(%run_scoped3A : memref<!tpu.dma_semaphore, #tpu.memory_space<semaphore_mem>>)
        %dma_wait3A_50 = tpu.memref_slice %arg3[%add3A_15] : memref<320000xi32, #tpu.memory_space<hbm>> -> memref<400xi32, #tpu.memory_space<hbm>>
        %dma_wait3A_51 = tpu.memref_slice %arg3[%add3A_15] : memref<320000xi32, #tpu.memory_space<hbm>> -> memref<400xi32, #tpu.memory_space<hbm>>
        tpu.wait_dma2 semaphore(%run_scoped3A : memref<!tpu.dma_semaphore, #tpu.memory_space<semaphore_mem>>) src(%dma_wait3A_51 : memref<400xi32, #tpu.memory_space<hbm>>) dst(%arg12 : memref<400xi32, #tpu.memory_space<vmem>>)
        tpu.yield
      }) : () -> ()
      "tpu.region"() ({
        %run_scoped3A = tpu.sem_alloc : memref<!tpu.dma_semaphore, #tpu.memory_space<semaphore_mem>>
        %dma_start3A_48 = tpu.memref_slice %arg4[%add3A_15] : memref<320000xi32, #tpu.memory_space<hbm>> -> memref<400xi32, #tpu.memory_space<hbm>>
        %dma_start3A_49 = tpu.memref_slice %arg4[%add3A_15] : memref<320000xi32, #tpu.memory_space<hbm>> -> memref<400xi32, #tpu.memory_space<hbm>>
        tpu.enqueue_dma source(%dma_start3A_49 : memref<400xi32, #tpu.memory_space<hbm>>) target(%arg13 : memref<400xi32, #tpu.memory_space<vmem>>) target_semaphore(%run_scoped3A : memref<!tpu.dma_semaphore, #tpu.memory_space<semaphore_mem>>)
        %dma_wait3A_50 = tpu.memref_slice %arg4[%add3A_15] : memref<320000xi32, #tpu.memory_space<hbm>> -> memref<400xi32, #tpu.memory_space<hbm>>
        %dma_wait3A_51 = tpu.memref_slice %arg4[%add3A_15] : memref<320000xi32, #tpu.memory_space<hbm>> -> memref<400xi32, #tpu.memory_space<hbm>>
        tpu.wait_dma2 semaphore(%run_scoped3A : memref<!tpu.dma_semaphore, #tpu.memory_space<semaphore_mem>>) src(%dma_wait3A_51 : memref<400xi32, #tpu.memory_space<hbm>>) dst(%arg13 : memref<400xi32, #tpu.memory_space<vmem>>)
        tpu.yield
      }) : () -> ()
      %dma_start3A = arith.constant 0 : i32
      %dma_start3A_16 = arith.constant 0 : i32
      %dma_start3A_17 = tpu.memref_slice %arg5[%dma_start3A, %dma_start3A_16] : memref<10240x16xf32, #tpu.memory_space<hbm>> -> memref<10240x16xf32, #tpu.memory_space<hbm>>
      tpu.enqueue_indirect_dma source(%dma_start3A_17 : memref<10240x16xf32, #tpu.memory_space<hbm>>) target(%arg14 : memref<400x16xf32, #tpu.memory_space<vmem>>) offsets(%arg11 : memref<400xi32, #tpu.memory_space<vmem>>) semaphore(%arg20 : memref<!tpu.dma_semaphore, #tpu.memory_space<semaphore_mem>>)
      %dma_start3A_18 = arith.constant 0 : i32
      %dma_start3A_19 = arith.constant 0 : i32
      %dma_start3A_20 = tpu.memref_slice %arg6[%dma_start3A_18, %dma_start3A_19] : memref<10240x16xf32, #tpu.memory_space<hbm>> -> memref<10240x16xf32, #tpu.memory_space<hbm>>
      tpu.enqueue_indirect_dma source(%dma_start3A_20 : memref<10240x16xf32, #tpu.memory_space<hbm>>) target(%arg15 : memref<400x16xf32, #tpu.memory_space<vmem>>) offsets(%arg12 : memref<400xi32, #tpu.memory_space<vmem>>) semaphore(%arg21 : memref<!tpu.dma_semaphore, #tpu.memory_space<semaphore_mem>>)
      %dma_start3A_21 = arith.constant 0 : i32
      %dma_start3A_22 = arith.constant 0 : i32
      %dma_start3A_23 = tpu.memref_slice %arg8[%dma_start3A_21, %dma_start3A_22] : memref<320008x16xf32, #tpu.memory_space<hbm>> -> memref<320008x16xf32, #tpu.memory_space<hbm>>
      tpu.enqueue_indirect_dma source(%dma_start3A_23 : memref<320008x16xf32, #tpu.memory_space<hbm>>) target(%arg16 : memref<400x16xf32, #tpu.memory_space<vmem>>) offsets(%arg13 : memref<400xi32, #tpu.memory_space<vmem>>) semaphore(%arg22 : memref<!tpu.dma_semaphore, #tpu.memory_space<semaphore_mem>>)
      %dma_start3A_24 = arith.constant 0 : i32
      %dma_start3A_25 = tpu.memref_slice %arg7[%add3A_15, %dma_start3A_24] : memref<320000x16xf32, #tpu.memory_space<hbm>> -> memref<400x16xf32, #tpu.memory_space<hbm>>
      %dma_start3A_26 = arith.constant 0 : i32
      %dma_start3A_27 = tpu.memref_slice %arg7[%add3A_15, %dma_start3A_26] : memref<320000x16xf32, #tpu.memory_space<hbm>> -> memref<400x16xf32, #tpu.memory_space<hbm>>
      tpu.enqueue_dma source(%dma_start3A_27 : memref<400x16xf32, #tpu.memory_space<hbm>>) target(%arg17 : memref<400x16xf32, #tpu.memory_space<vmem>>) target_semaphore(%arg23 : memref<!tpu.dma_semaphore, #tpu.memory_space<semaphore_mem>>)
      %dma_wait3A = arith.constant 0 : i32
      %dma_wait3A_28 = arith.constant 0 : i32
      %dma_wait3A_29 = tpu.memref_slice %arg5[%dma_wait3A, %dma_wait3A_28] : memref<10240x16xf32, #tpu.memory_space<hbm>> -> memref<10240x16xf32, #tpu.memory_space<hbm>>
      tpu.wait_indirect_dma semaphore(%arg20 : memref<!tpu.dma_semaphore, #tpu.memory_space<semaphore_mem>>) src(%dma_wait3A_29 : memref<10240x16xf32, #tpu.memory_space<hbm>>) dst(%arg14 : memref<400x16xf32, #tpu.memory_space<vmem>>)
      %dma_wait3A_30 = arith.constant 0 : i32
      %dma_wait3A_31 = arith.constant 0 : i32
      %dma_wait3A_32 = tpu.memref_slice %arg6[%dma_wait3A_30, %dma_wait3A_31] : memref<10240x16xf32, #tpu.memory_space<hbm>> -> memref<10240x16xf32, #tpu.memory_space<hbm>>
      tpu.wait_indirect_dma semaphore(%arg21 : memref<!tpu.dma_semaphore, #tpu.memory_space<semaphore_mem>>) src(%dma_wait3A_32 : memref<10240x16xf32, #tpu.memory_space<hbm>>) dst(%arg15 : memref<400x16xf32, #tpu.memory_space<vmem>>)
      %dma_wait3A_33 = arith.constant 0 : i32
      %dma_wait3A_34 = arith.constant 0 : i32
      %dma_wait3A_35 = tpu.memref_slice %arg8[%dma_wait3A_33, %dma_wait3A_34] : memref<320008x16xf32, #tpu.memory_space<hbm>> -> memref<320008x16xf32, #tpu.memory_space<hbm>>
      tpu.wait_indirect_dma semaphore(%arg22 : memref<!tpu.dma_semaphore, #tpu.memory_space<semaphore_mem>>) src(%dma_wait3A_35 : memref<320008x16xf32, #tpu.memory_space<hbm>>) dst(%arg16 : memref<400x16xf32, #tpu.memory_space<vmem>>)
      %dma_wait3A_36 = arith.constant 0 : i32
      %dma_wait3A_37 = tpu.memref_slice %arg7[%add3A_15, %dma_wait3A_36] : memref<320000x16xf32, #tpu.memory_space<hbm>> -> memref<400x16xf32, #tpu.memory_space<hbm>>
      %dma_wait3A_38 = arith.constant 0 : i32
      %dma_wait3A_39 = tpu.memref_slice %arg7[%add3A_15, %dma_wait3A_38] : memref<320000x16xf32, #tpu.memory_space<hbm>> -> memref<400x16xf32, #tpu.memory_space<hbm>>
      tpu.wait_dma2 semaphore(%arg23 : memref<!tpu.dma_semaphore, #tpu.memory_space<semaphore_mem>>) src(%dma_wait3A_39 : memref<400x16xf32, #tpu.memory_space<hbm>>) dst(%arg17 : memref<400x16xf32, #tpu.memory_space<vmem>>)
      %scan3A_40 = arith.constant 0 : i32
      %scan3A_41 = arith.constant 0 : i32
      %scan3A_42 = arith.constant 400 : i32
      %scan3A_43 = arith.addi %scan3A_41, %scan3A_42 : i32
      %scan3A_44 = arith.constant 1 : i32
      %scan3A_45 = scf.for %scan3A_48 = %scan3A_41 to %scan3A_43 step %scan3A_44 iter_args(%scan3A_49 = %scan3A_40) -> (i32)  : i32 {
        %get3A_50 = arith.index_cast %scan3A_48 : i32 to index
        %get3A_51 = arith.constant 0 : index
        %get3A_52 = tpu.vector_load %arg14[%get3A_50, %get3A_51] {strides = array<i32>} : memref<400x16xf32, #tpu.memory_space<vmem>>, vector<1x16xf32>,
        %get3A_53 = vector.shape_cast %get3A_52 : vector<1x16xf32> to vector<16xf32>
        %get3A_54 = arith.index_cast %scan3A_48 : i32 to index
        %get3A_55 = arith.constant 0 : index
        %get3A_56 = tpu.vector_load %arg17[%get3A_54, %get3A_55] {strides = array<i32>} : memref<400x16xf32, #tpu.memory_space<vmem>>, vector<1x16xf32>,
        %get3A_57 = vector.shape_cast %get3A_56 : vector<1x16xf32> to vector<16xf32>
        %add3A_58 = arith.addf %get3A_53, %get3A_57 : vector<16xf32>
        %get3A_59 = arith.index_cast %scan3A_48 : i32 to index
        %get3A_60 = arith.constant 0 : index
        %get3A_61 = tpu.vector_load %arg16[%get3A_59, %get3A_60] {strides = array<i32>} : memref<400x16xf32, #tpu.memory_space<vmem>>, vector<1x16xf32>,
        %get3A_62 = vector.shape_cast %get3A_61 : vector<1x16xf32> to vector<16xf32>
        %add3A_63 = arith.addf %add3A_58, %get3A_62 : vector<16xf32>
        %get3A_64 = arith.index_cast %scan3A_48 : i32 to index
        %get3A_65 = arith.constant 0 : index
        %get3A_66 = tpu.vector_load %arg15[%get3A_64, %get3A_65] {strides = array<i32>} : memref<400x16xf32, #tpu.memory_space<vmem>>, vector<1x16xf32>,
        %get3A_67 = vector.shape_cast %get3A_66 : vector<1x16xf32> to vector<16xf32>
        %add3A_68 = arith.addf %add3A_63, %get3A_67 : vector<16xf32>
        %add3A_69 = arith.addf %add3A_68, %get3A_4 : vector<16xf32>
        %max3A = arith.constant 0.000000e+00 : f32
        %max3A_70 = vector.broadcast %max3A : f32 to vector<16xf32>
        %max3A_71 = arith.maximumf %add3A_69, %max3A_70 : vector<16xf32>
        %swap3A = arith.index_cast %scan3A_48 : i32 to index
        %swap3A_72 = arith.constant 0 : index
        %swap3A_73 = tpu.vector_load %arg18[%swap3A, %swap3A_72] {strides = array<i32>} : memref<400x16xf32, #tpu.memory_space<vmem>>, vector<1x16xf32>,
        %swap3A_74 = vector.shape_cast %swap3A_73 : vector<1x16xf32> to vector<16xf32>
        %swap3A_75 = vector.shape_cast %max3A_71 : vector<16xf32> to vector<1x16xf32>
        tpu.vector_store %arg18[%swap3A, %swap3A_72], %swap3A_75 {strides = array<i32>} : memref<400x16xf32, #tpu.memory_space<vmem>>, vector<1x16xf32>,
        %scan3A_76 = arith.constant 0 : i32
        scf.yield %scan3A_76 : i32
      }
      %scan3A_46 = arith.constant 400 : i32
      "tpu.region"() ({
        %run_scoped3A = tpu.sem_alloc : memref<!tpu.dma_semaphore, #tpu.memory_space<semaphore_mem>>
        %dma_start3A_48 = arith.constant 0 : i32
        %dma_start3A_49 = tpu.memref_slice %arg10[%add3A_15, %dma_start3A_48] : memref<320000x16xf32, #tpu.memory_space<hbm>> -> memref<400x16xf32, #tpu.memory_space<hbm>>
        %dma_start3A_50 = arith.constant 0 : i32
        %dma_start3A_51 = tpu.memref_slice %arg10[%add3A_15, %dma_start3A_50] : memref<320000x16xf32, #tpu.memory_space<hbm>> -> memref<400x16xf32, #tpu.memory_space<hbm>>
        tpu.enqueue_dma source(%arg18 : memref<400x16xf32, #tpu.memory_space<vmem>>) target(%dma_start3A_51 : memref<400x16xf32, #tpu.memory_space<hbm>>) target_semaphore(%run_scoped3A : memref<!tpu.dma_semaphore, #tpu.memory_space<semaphore_mem>>)
        %dma_wait3A_52 = arith.constant 0 : i32
        %dma_wait3A_53 = tpu.memref_slice %arg10[%add3A_15, %dma_wait3A_52] : memref<320000x16xf32, #tpu.memory_space<hbm>> -> memref<400x16xf32, #tpu.memory_space<hbm>>
        %dma_wait3A_54 = arith.constant 0 : i32
        %dma_wait3A_55 = tpu.memref_slice %arg10[%add3A_15, %dma_wait3A_54] : memref<320000x16xf32, #tpu.memory_space<hbm>> -> memref<400x16xf32, #tpu.memory_space<hbm>>
        tpu.wait_dma2 semaphore(%run_scoped3A : memref<!tpu.dma_semaphore, #tpu.memory_space<semaphore_mem>>) src(%arg18 : memref<400x16xf32, #tpu.memory_space<vmem>>) dst(%dma_wait3A_55 : memref<400x16xf32, #tpu.memory_space<hbm>>)
        tpu.yield
      }) : () -> ()
      %scan3A_47 = arith.constant 0 : i32
      scf.yield %scan3A_47 : i32
    }
    %scan3A_10 = arith.constant 25 : i32
    return
  }
}

module attributes {stable_mosaic.version = 14 : i64} {
  func.func @_epre_body(%arg0: i32, %arg1: memref<2000x128xf32, #tpu.memory_space<vmem>>, %arg2: memref<128x384xf32, #tpu.memory_space<vmem>>, %arg3: memref<1x384xf32, #tpu.memory_space<vmem>>, %arg4: memref<2000x384xf32, #tpu.memory_space<vmem>>) attributes {dimension_semantics = [#tpu.dimension_semantics<arbitrary>], iteration_bounds = array<i64: 20>, scalar_prefetch = 0 : i64, scratch_operands = 0 : i64, tpu.core_type = #tpu.core_type<tc>, window_params = [{transform_indices = @transform_0, window_bounds = array<i64: 2000, 128>}, {pipeline_mode = #tpu.pipeline_mode<synchronous>, transform_indices = @transform_1, window_bounds = array<i64: 128, 384>}, {pipeline_mode = #tpu.pipeline_mode<synchronous>, transform_indices = @transform_2, window_bounds = array<i64: 1, 384>}, {transform_indices = @transform_3, window_bounds = array<i64: 2000, 384>}]} {
    %get3A = arith.constant 0 : index
    %get3A_0 = arith.constant 0 : index
    %get3A_1 = vector.load %arg1[%get3A, %get3A_0] : memref<2000x128xf32, #tpu.memory_space<vmem>>, vector<2000x128xf32>
    %get3A_2 = arith.constant 0 : index
    %get3A_3 = arith.constant 0 : index
    %get3A_4 = vector.load %arg2[%get3A_2, %get3A_3] : memref<128x384xf32, #tpu.memory_space<vmem>>, vector<128x384xf32>
    %dot_general3A = arith.constant dense<0.000000e+00> : vector<2000x384xf32>
    %dot_general3A_5 = tpu.matmul %get3A_1, %get3A_4, %dot_general3A {dimension_numbers = #tpu.dot_dimension_numbers<[1], [0], [0], [1], [0, 0, 1, 1], [], []>, transpose_lhs_hint = false} : vector<2000x128xf32>, vector<128x384xf32>, vector<2000x384xf32> -> vector<2000x384xf32>
    %get3A_6 = arith.constant 0 : index
    %get3A_7 = arith.constant 0 : index
    %get3A_8 = vector.load %arg3[%get3A_6, %get3A_7] : memref<1x384xf32, #tpu.memory_space<vmem>>, vector<1x384xf32>
    %add3A = vector.broadcast %get3A_8 : vector<1x384xf32> to vector<2000x384xf32>
    %add3A_9 = arith.addf %dot_general3A_5, %add3A : vector<2000x384xf32>
    %iota3A = tpu.iota {dimensions = array<i32: 1>} : vector<2000x384xi32>
    %jit3A = arith.constant 48 : i32
    %eq3A = arith.constant 0 : i32
    %eq3A_10 = arith.cmpi eq, %jit3A, %eq3A : i32
    %jit3A_11 = arith.constant 1 : i32
    %select_n3A = arith.select %eq3A_10, %jit3A_11, %jit3A : i32
    %rem3A = vector.broadcast %select_n3A : i32 to vector<2000x384xi32>
    %rem3A_12 = arith.remsi %iota3A, %rem3A : vector<2000x384xi32>
    %ne3A = arith.constant 0 : i32
    %ne3A_13 = vector.broadcast %ne3A : i32 to vector<2000x384xi32>
    %ne3A_14 = arith.cmpi ne, %rem3A_12, %ne3A_13 : vector<2000x384xi32>
    %lt3A = arith.constant 0 : i32
    %lt3A_15 = vector.broadcast %lt3A : i32 to vector<2000x384xi32>
    %lt3A_16 = arith.cmpi slt, %rem3A_12, %lt3A_15 : vector<2000x384xi32>
    %lt3A_17 = arith.constant 0 : i32
    %lt3A_18 = arith.cmpi slt, %select_n3A, %lt3A_17 : i32
    %ne3A_19 = vector.broadcast %lt3A_18 : i1 to vector<2000x384xi1>
    %ne3A_20 = vector.broadcast %ne3A_19 : vector<2000x384xi1> to vector<2000x384xi1>
    %ne3A_21 = arith.xori %lt3A_16, %ne3A_20 : vector<2000x384xi1>
    %and3A = arith.andi %ne3A_21, %ne3A_14 : vector<2000x384xi1>
    %add3A_22 = vector.broadcast %select_n3A : i32 to vector<2000x384xi32>
    %add3A_23 = arith.addi %rem3A_12, %add3A_22 : vector<2000x384xi32>
    %select_n3A_24 = arith.select %and3A, %add3A_23, %rem3A_12 : vector<2000x384xi1>, vector<2000x384xi32>
    %ge3A = arith.constant 32 : i32
    %ge3A_25 = vector.broadcast %ge3A : i32 to vector<2000x384xi32>
    %ge3A_26 = arith.cmpi sge, %select_n3A_24, %ge3A_25 : vector<2000x384xi32>
    %max3A = arith.constant 0.000000e+00 : f32
    %max3A_27 = vector.broadcast %max3A : f32 to vector<2000x384xf32>
    %max3A_28 = arith.maximumf %add3A_9, %max3A_27 : vector<2000x384xf32>
    %select_n3A_29 = arith.select %ge3A_26, %max3A_28, %add3A_9 : vector<2000x384xi1>, vector<2000x384xf32>
    %swap3A = arith.constant 0 : index
    %swap3A_30 = arith.constant 0 : index
    %swap3A_31 = vector.load %arg4[%swap3A, %swap3A_30] : memref<2000x384xf32, #tpu.memory_space<vmem>>, vector<2000x384xf32>
    tpu.vector_store %arg4[%swap3A, %swap3A_30], %select_n3A_29 {strides = array<i32>} : memref<2000x384xf32, #tpu.memory_space<vmem>>, vector<2000x384xf32>,
    return
  }
  func.func @transform_0(%arg0: i32) -> (i32, i32) {
    %c0_i32 = arith.constant 0 : i32
    %c0_i32_0 = arith.constant 0 : i32
    return %arg0, %c0_i32 : i32, i32
  }
  func.func @transform_1(%arg0: i32) -> (i32, i32) {
    %c0_i32 = arith.constant 0 : i32
    %c0_i32_0 = arith.constant 0 : i32
    %c0_i32_1 = arith.constant 0 : i32
    return %c0_i32, %c0_i32_0 : i32, i32
  }
  func.func @transform_2(%arg0: i32) -> (i32, i32) {
    %c0_i32 = arith.constant 0 : i32
    %c0_i32_0 = arith.constant 0 : i32
    %c0_i32_1 = arith.constant 0 : i32
    return %c0_i32, %c0_i32_0 : i32, i32
  }
  func.func @transform_3(%arg0: i32) -> (i32, i32) {
    %c0_i32 = arith.constant 0 : i32
    %c0_i32_0 = arith.constant 0 : i32
    return %arg0, %c0_i32 : i32, i32
  }
}

module attributes {stable_mosaic.version = 14 : i64} {
  func.func @_xpre_body(%arg0: i32, %arg1: memref<1024x128xf32, #tpu.memory_space<vmem>>, %arg2: memref<128x416xf32, #tpu.memory_space<vmem>>, %arg3: memref<1x416xf32, #tpu.memory_space<vmem>>, %arg4: memref<1024x416xf32, #tpu.memory_space<vmem>>) attributes {dimension_semantics = [#tpu.dimension_semantics<arbitrary>], iteration_bounds = array<i64: 10>, scalar_prefetch = 0 : i64, scratch_operands = 0 : i64, tpu.core_type = #tpu.core_type<tc>, window_params = [{transform_indices = @transform_0, window_bounds = array<i64: 1024, 128>}, {pipeline_mode = #tpu.pipeline_mode<synchronous>, transform_indices = @transform_1, window_bounds = array<i64: 128, 416>}, {pipeline_mode = #tpu.pipeline_mode<synchronous>, transform_indices = @transform_2, window_bounds = array<i64: 1, 416>}, {transform_indices = @transform_3, window_bounds = array<i64: 1024, 416>}]} {
    %get3A = arith.constant 0 : index
    %get3A_0 = arith.constant 0 : index
    %get3A_1 = vector.load %arg1[%get3A, %get3A_0] : memref<1024x128xf32, #tpu.memory_space<vmem>>, vector<1024x128xf32>
    %get3A_2 = arith.constant 0 : index
    %get3A_3 = arith.constant 0 : index
    %get3A_4 = vector.load %arg2[%get3A_2, %get3A_3] : memref<128x416xf32, #tpu.memory_space<vmem>>, vector<128x416xf32>
    %dot_general3A = arith.constant dense<0.000000e+00> : vector<1024x416xf32>
    %dot_general3A_5 = tpu.matmul %get3A_1, %get3A_4, %dot_general3A {dimension_numbers = #tpu.dot_dimension_numbers<[1], [0], [0], [1], [0, 0, 1, 1], [], []>, transpose_lhs_hint = false} : vector<1024x128xf32>, vector<128x416xf32>, vector<1024x416xf32> -> vector<1024x416xf32>
    %get3A_6 = arith.constant 0 : index
    %get3A_7 = arith.constant 0 : index
    %get3A_8 = vector.load %arg3[%get3A_6, %get3A_7] : memref<1x416xf32, #tpu.memory_space<vmem>>, vector<1x416xf32>
    %add3A = vector.broadcast %get3A_8 : vector<1x416xf32> to vector<1024x416xf32>
    %add3A_9 = arith.addf %dot_general3A_5, %add3A : vector<1024x416xf32>
    %swap3A = arith.constant 0 : index
    %swap3A_10 = arith.constant 0 : index
    %swap3A_11 = vector.load %arg4[%swap3A, %swap3A_10] : memref<1024x416xf32, #tpu.memory_space<vmem>>, vector<1024x416xf32>
    tpu.vector_store %arg4[%swap3A, %swap3A_10], %add3A_9 {strides = array<i32>} : memref<1024x416xf32, #tpu.memory_space<vmem>>, vector<1024x416xf32>,
    return
  }
  func.func @transform_0(%arg0: i32) -> (i32, i32) {
    %c0_i32 = arith.constant 0 : i32
    %c0_i32_0 = arith.constant 0 : i32
    return %arg0, %c0_i32 : i32, i32
  }
  func.func @transform_1(%arg0: i32) -> (i32, i32) {
    %c0_i32 = arith.constant 0 : i32
    %c0_i32_0 = arith.constant 0 : i32
    %c0_i32_1 = arith.constant 0 : i32
    return %c0_i32, %c0_i32_0 : i32, i32
  }
  func.func @transform_2(%arg0: i32) -> (i32, i32) {
    %c0_i32 = arith.constant 0 : i32
    %c0_i32_0 = arith.constant 0 : i32
    %c0_i32_1 = arith.constant 0 : i32
    return %c0_i32, %c0_i32_0 : i32, i32
  }
  func.func @transform_3(%arg0: i32) -> (i32, i32) {
    %c0_i32 = arith.constant 0 : i32
    %c0_i32_0 = arith.constant 0 : i32
    return %arg0, %c0_i32 : i32, i32
  }
}

module attributes {stable_mosaic.version = 14 : i64} {
  func.func @_attn_body(%arg0: i32, %arg1: memref<256x128xf32, #tpu.memory_space<vmem>>, %arg2: memref<10240x128xf32, #tpu.memory_space<vmem>>, %arg3: memref<10240x128xf32, #tpu.memory_space<vmem>>, %arg4: memref<256x128xf32, #tpu.memory_space<vmem>>) attributes {dimension_semantics = [#tpu.dimension_semantics<arbitrary>], iteration_bounds = array<i64: 40>, scalar_prefetch = 0 : i64, scratch_operands = 0 : i64, tpu.core_type = #tpu.core_type<tc>, window_params = [{transform_indices = @transform_0, window_bounds = array<i64: 256, 128>}, {transform_indices = @transform_1, window_bounds = array<i64: 10240, 128>}, {transform_indices = @transform_2, window_bounds = array<i64: 10240, 128>}, {transform_indices = @transform_3, window_bounds = array<i64: 256, 128>}]} {
    %get3A = arith.constant 0 : index
    %get3A_0 = arith.constant 0 : index
    %get3A_1 = vector.load %arg1[%get3A, %get3A_0] : memref<256x128xf32, #tpu.memory_space<vmem>>, vector<256x128xf32>
    %get3A_2 = arith.constant 0 : index
    %get3A_3 = arith.constant 0 : index
    %get3A_4 = vector.load %arg2[%get3A_2, %get3A_3] : memref<10240x128xf32, #tpu.memory_space<vmem>>, vector<10240x128xf32>
    %get3A_5 = arith.constant 0 : index
    %get3A_6 = arith.constant 0 : index
    %get3A_7 = vector.load %arg3[%get3A_5, %get3A_6] : memref<10240x128xf32, #tpu.memory_space<vmem>>, vector<10240x128xf32>
    %iota3A = tpu.iota {dimensions = array<i32: 1>} : vector<256x10240xi32>
    %slice3A = vector.extract_strided_slice %get3A_1 {offsets = [0, 0], sizes = [256, 64], strides = [1, 1]} : vector<256x128xf32> to vector<256x64xf32>
    %slice3A_8 = vector.extract_strided_slice %get3A_4 {offsets = [0, 0], sizes = [10240, 64], strides = [1, 1]} : vector<10240x128xf32> to vector<10240x64xf32>
    %slice3A_9 = vector.extract_strided_slice %get3A_7 {offsets = [0, 0], sizes = [10240, 64], strides = [1, 1]} : vector<10240x128xf32> to vector<10240x64xf32>
    %dot_general3A = arith.constant dense<0.000000e+00> : vector<256x10240xf32>
    %dot_general3A_10 = tpu.matmul %slice3A, %slice3A_8, %dot_general3A {dimension_numbers = #tpu.dot_dimension_numbers<[1], [1], [0], [0], [0, 0, 1, 0], [], []>, transpose_lhs_hint = false} : vector<256x64xf32>, vector<10240x64xf32>, vector<256x10240xf32> -> vector<256x10240xf32>
    %mul3A = arith.constant 1.250000e-01 : f32
    %mul3A_11 = vector.broadcast %mul3A : f32 to vector<256x10240xf32>
    %mul3A_12 = arith.mulf %dot_general3A_10, %mul3A_11 : vector<256x10240xf32>
    %lt3A = arith.constant 10000 : i32
    %lt3A_13 = vector.broadcast %lt3A : i32 to vector<256x10240xi32>
    %lt3A_14 = arith.cmpi slt, %iota3A, %lt3A_13 : vector<256x10240xi32>
    %jit3A = arith.constant -1.000000e+30 : f32
    %broadcast_in_dim3A = vector.broadcast %jit3A : f32 to vector<256x10240xf32>
    %select_n3A = arith.select %lt3A_14, %mul3A_12, %broadcast_in_dim3A : vector<256x10240xi1>, vector<256x10240xf32>
    %reduce_max3A = arith.constant dense<0xFF800000> : vector<256xf32>
    %reduce_max3A_15 = vector.multi_reduction <maximumf>, %select_n3A, %reduce_max3A [1] : vector<256x10240xf32> to vector<256xf32>
    %broadcast_in_dim3A_16 = vector.shape_cast %reduce_max3A_15 : vector<256xf32> to vector<256x1xf32>
    %sub3A = vector.broadcast %broadcast_in_dim3A_16 : vector<256x1xf32> to vector<256x10240xf32>
    %sub3A_17 = arith.subf %select_n3A, %sub3A : vector<256x10240xf32>
    %exp3A = math.exp %sub3A_17 : vector<256x10240xf32>
    %reduce_sum3A = arith.constant dense<0.000000e+00> : vector<256xf32>
    %reduce_sum3A_18 = vector.multi_reduction <add>, %exp3A, %reduce_sum3A [1] : vector<256x10240xf32> to vector<256xf32>
    %broadcast_in_dim3A_19 = vector.shape_cast %reduce_sum3A_18 : vector<256xf32> to vector<256x1xf32>
    %dot_general3A_20 = arith.constant dense<0.000000e+00> : vector<256x64xf32>
    %dot_general3A_21 = tpu.matmul %exp3A, %slice3A_9, %dot_general3A_20 {dimension_numbers = #tpu.dot_dimension_numbers<[1], [0], [0], [1], [0, 0, 1, 1], [], []>, transpose_lhs_hint = false} : vector<256x10240xf32>, vector<10240x64xf32>, vector<256x64xf32> -> vector<256x64xf32>
    %div3A = vector.broadcast %broadcast_in_dim3A_19 : vector<256x1xf32> to vector<256x64xf32>
    %div3A_22 = arith.divf %dot_general3A_21, %div3A : vector<256x64xf32>
    %slice3A_23 = vector.extract_strided_slice %get3A_1 {offsets = [0, 64], sizes = [256, 64], strides = [1, 1]} : vector<256x128xf32> to vector<256x64xf32>
    %slice3A_24 = vector.extract_strided_slice %get3A_4 {offsets = [0, 64], sizes = [10240, 64], strides = [1, 1]} : vector<10240x128xf32> to vector<10240x64xf32>
    %slice3A_25 = vector.extract_strided_slice %get3A_7 {offsets = [0, 64], sizes = [10240, 64], strides = [1, 1]} : vector<10240x128xf32> to vector<10240x64xf32>
    %dot_general3A_26 = arith.constant dense<0.000000e+00> : vector<256x10240xf32>
    %dot_general3A_27 = tpu.matmul %slice3A_23, %slice3A_24, %dot_general3A_26 {dimension_numbers = #tpu.dot_dimension_numbers<[1], [1], [0], [0], [0, 0, 1, 0], [], []>, transpose_lhs_hint = false} : vector<256x64xf32>, vector<10240x64xf32>, vector<256x10240xf32> -> vector<256x10240xf32>
    %mul3A_28 = arith.constant 1.250000e-01 : f32
    %mul3A_29 = vector.broadcast %mul3A_28 : f32 to vector<256x10240xf32>
    %mul3A_30 = arith.mulf %dot_general3A_27, %mul3A_29 : vector<256x10240xf32>
    %lt3A_31 = arith.constant 10000 : i32
    %lt3A_32 = vector.broadcast %lt3A_31 : i32 to vector<256x10240xi32>
    %lt3A_33 = arith.cmpi slt, %iota3A, %lt3A_32 : vector<256x10240xi32>
    %jit3A_34 = arith.constant -1.000000e+30 : f32
    %broadcast_in_dim3A_35 = vector.broadcast %jit3A_34 : f32 to vector<256x10240xf32>
    %select_n3A_36 = arith.select %lt3A_33, %mul3A_30, %broadcast_in_dim3A_35 : vector<256x10240xi1>, vector<256x10240xf32>
    %reduce_max3A_37 = arith.constant dense<0xFF800000> : vector<256xf32>
    %reduce_max3A_38 = vector.multi_reduction <maximumf>, %select_n3A_36, %reduce_max3A_37 [1] : vector<256x10240xf32> to vector<256xf32>
    %broadcast_in_dim3A_39 = vector.shape_cast %reduce_max3A_38 : vector<256xf32> to vector<256x1xf32>
    %sub3A_40 = vector.broadcast %broadcast_in_dim3A_39 : vector<256x1xf32> to vector<256x10240xf32>
    %sub3A_41 = arith.subf %select_n3A_36, %sub3A_40 : vector<256x10240xf32>
    %exp3A_42 = math.exp %sub3A_41 : vector<256x10240xf32>
    %reduce_sum3A_43 = arith.constant dense<0.000000e+00> : vector<256xf32>
    %reduce_sum3A_44 = vector.multi_reduction <add>, %exp3A_42, %reduce_sum3A_43 [1] : vector<256x10240xf32> to vector<256xf32>
    %broadcast_in_dim3A_45 = vector.shape_cast %reduce_sum3A_44 : vector<256xf32> to vector<256x1xf32>
    %dot_general3A_46 = arith.constant dense<0.000000e+00> : vector<256x64xf32>
    %dot_general3A_47 = tpu.matmul %exp3A_42, %slice3A_25, %dot_general3A_46 {dimension_numbers = #tpu.dot_dimension_numbers<[1], [0], [0], [1], [0, 0, 1, 1], [], []>, transpose_lhs_hint = false} : vector<256x10240xf32>, vector<10240x64xf32>, vector<256x64xf32> -> vector<256x64xf32>
    %div3A_48 = vector.broadcast %broadcast_in_dim3A_45 : vector<256x1xf32> to vector<256x64xf32>
    %div3A_49 = arith.divf %dot_general3A_47, %div3A_48 : vector<256x64xf32>
    %concatenate3A = tpu.concatenate %div3A_22, %div3A_49 in 1 : vector<256x64xf32>, vector<256x64xf32> -> vector<256x128xf32>
    %swap3A = arith.constant 0 : index
    %swap3A_50 = arith.constant 0 : index
    %swap3A_51 = vector.load %arg4[%swap3A, %swap3A_50] : memref<256x128xf32, #tpu.memory_space<vmem>>, vector<256x128xf32>
    tpu.vector_store %arg4[%swap3A, %swap3A_50], %concatenate3A {strides = array<i32>} : memref<256x128xf32, #tpu.memory_space<vmem>>, vector<256x128xf32>,
    return
  }
  func.func @transform_0(%arg0: i32) -> (i32, i32) {
    %c0_i32 = arith.constant 0 : i32
    %c0_i32_0 = arith.constant 0 : i32
    return %arg0, %c0_i32 : i32, i32
  }
  func.func @transform_1(%arg0: i32) -> (i32, i32) {
    %c0_i32 = arith.constant 0 : i32
    %c1_i32 = arith.constant 1 : i32
    %c0_i32_0 = arith.constant 0 : i32
    return %c0_i32, %c1_i32 : i32, i32
  }
  func.func @transform_2(%arg0: i32) -> (i32, i32) {
    %c0_i32 = arith.constant 0 : i32
    %c2_i32 = arith.constant 2 : i32
    %c0_i32_0 = arith.constant 0 : i32
    return %c0_i32, %c2_i32 : i32, i32
  }
  func.func @transform_3(%arg0: i32) -> (i32, i32) {
    %c0_i32 = arith.constant 0 : i32
    %c0_i32_0 = arith.constant 0 : i32
    return %arg0, %c0_i32 : i32, i32
  }
}

module attributes {stable_mosaic.version = 14 : i64} {
  func.func @_node_body(%arg0: i32, %arg1: memref<1024x128xf32, #tpu.memory_space<vmem>>, %arg2: memref<1024x16xf32, #tpu.memory_space<vmem>>, %arg3: memref<128x128xf32, #tpu.memory_space<vmem>>, %arg4: memref<1x128xf32, #tpu.memory_space<vmem>>, %arg5: memref<128x128xf32, #tpu.memory_space<vmem>>, %arg6: memref<16x128xf32, #tpu.memory_space<vmem>>, %arg7: memref<1x128xf32, #tpu.memory_space<vmem>>, %arg8: memref<1024x128xf32, #tpu.memory_space<vmem>>) attributes {dimension_semantics = [#tpu.dimension_semantics<arbitrary>], iteration_bounds = array<i64: 10>, scalar_prefetch = 0 : i64, scratch_operands = 0 : i64, tpu.core_type = #tpu.core_type<tc>, window_params = [{transform_indices = @transform_0, window_bounds = array<i64: 1024, 128>}, {transform_indices = @transform_1, window_bounds = array<i64: 1024, 16>}, {pipeline_mode = #tpu.pipeline_mode<synchronous>, transform_indices = @transform_2, window_bounds = array<i64: 128, 128>}, {pipeline_mode = #tpu.pipeline_mode<synchronous>, transform_indices = @transform_3, window_bounds = array<i64: 1, 128>}, {pipeline_mode = #tpu.pipeline_mode<synchronous>, transform_indices = @transform_4, window_bounds = array<i64: 128, 128>}, {pipeline_mode = #tpu.pipeline_mode<synchronous>, transform_indices = @transform_5, window_bounds = array<i64: 16, 128>}, {pipeline_mode = #tpu.pipeline_mode<synchronous>, transform_indices = @transform_6, window_bounds = array<i64: 1, 128>}, {transform_indices = @transform_7, window_bounds = array<i64: 1024, 128>}]} {
    %get3A = arith.constant 0 : index
    %get3A_0 = arith.constant 0 : index
    %get3A_1 = vector.load %arg1[%get3A, %get3A_0] : memref<1024x128xf32, #tpu.memory_space<vmem>>, vector<1024x128xf32>
    %get3A_2 = arith.constant 0 : index
    %get3A_3 = arith.constant 0 : index
    %get3A_4 = vector.load %arg3[%get3A_2, %get3A_3] : memref<128x128xf32, #tpu.memory_space<vmem>>, vector<128x128xf32>
    %dot_general3A = arith.constant dense<0.000000e+00> : vector<1024x128xf32>
    %dot_general3A_5 = tpu.matmul %get3A_1, %get3A_4, %dot_general3A {dimension_numbers = #tpu.dot_dimension_numbers<[1], [0], [0], [1], [0, 0, 1, 1], [], []>, transpose_lhs_hint = false} : vector<1024x128xf32>, vector<128x128xf32>, vector<1024x128xf32> -> vector<1024x128xf32>
    %get3A_6 = arith.constant 0 : index
    %get3A_7 = arith.constant 0 : index
    %get3A_8 = vector.load %arg4[%get3A_6, %get3A_7] : memref<1x128xf32, #tpu.memory_space<vmem>>, vector<1x128xf32>
    %add3A = vector.broadcast %get3A_8 : vector<1x128xf32> to vector<1024x128xf32>
    %add3A_9 = arith.addf %dot_general3A_5, %add3A : vector<1024x128xf32>
    %get3A_10 = arith.constant 0 : index
    %get3A_11 = arith.constant 0 : index
    %get3A_12 = vector.load %arg5[%get3A_10, %get3A_11] : memref<128x128xf32, #tpu.memory_space<vmem>>, vector<128x128xf32>
    %dot_general3A_13 = arith.constant dense<0.000000e+00> : vector<1024x128xf32>
    %dot_general3A_14 = tpu.matmul %add3A_9, %get3A_12, %dot_general3A_13 {dimension_numbers = #tpu.dot_dimension_numbers<[1], [0], [0], [1], [0, 0, 1, 1], [], []>, transpose_lhs_hint = false} : vector<1024x128xf32>, vector<128x128xf32>, vector<1024x128xf32> -> vector<1024x128xf32>
    %get3A_15 = arith.constant 0 : index
    %get3A_16 = arith.constant 0 : index
    %get3A_17 = vector.load %arg2[%get3A_15, %get3A_16] : memref<1024x16xf32, #tpu.memory_space<vmem>>, vector<1024x16xf32>
    %get3A_18 = arith.constant 0 : index
    %get3A_19 = arith.constant 0 : index
    %get3A_20 = vector.load %arg6[%get3A_18, %get3A_19] : memref<16x128xf32, #tpu.memory_space<vmem>>, vector<16x128xf32>
    %dot_general3A_21 = arith.constant dense<0.000000e+00> : vector<1024x128xf32>
    %dot_general3A_22 = tpu.matmul %get3A_17, %get3A_20, %dot_general3A_21 {dimension_numbers = #tpu.dot_dimension_numbers<[1], [0], [0], [1], [0, 0, 1, 1], [], []>, transpose_lhs_hint = false} : vector<1024x16xf32>, vector<16x128xf32>, vector<1024x128xf32> -> vector<1024x128xf32>
    %add3A_23 = arith.addf %dot_general3A_14, %dot_general3A_22 : vector<1024x128xf32>
    %get3A_24 = arith.constant 0 : index
    %get3A_25 = arith.constant 0 : index
    %get3A_26 = vector.load %arg7[%get3A_24, %get3A_25] : memref<1x128xf32, #tpu.memory_space<vmem>>, vector<1x128xf32>
    %add3A_27 = vector.broadcast %get3A_26 : vector<1x128xf32> to vector<1024x128xf32>
    %add3A_28 = arith.addf %add3A_23, %add3A_27 : vector<1024x128xf32>
    %max3A = arith.constant 0.000000e+00 : f32
    %max3A_29 = vector.broadcast %max3A : f32 to vector<1024x128xf32>
    %max3A_30 = arith.maximumf %add3A_28, %max3A_29 : vector<1024x128xf32>
    %swap3A = arith.constant 0 : index
    %swap3A_31 = arith.constant 0 : index
    %swap3A_32 = vector.load %arg8[%swap3A, %swap3A_31] : memref<1024x128xf32, #tpu.memory_space<vmem>>, vector<1024x128xf32>
    tpu.vector_store %arg8[%swap3A, %swap3A_31], %max3A_30 {strides = array<i32>} : memref<1024x128xf32, #tpu.memory_space<vmem>>, vector<1024x128xf32>,
    return
  }
  func.func @transform_0(%arg0: i32) -> (i32, i32) {
    %c0_i32 = arith.constant 0 : i32
    %c0_i32_0 = arith.constant 0 : i32
    return %arg0, %c0_i32 : i32, i32
  }
  func.func @transform_1(%arg0: i32) -> (i32, i32) {
    %c0_i32 = arith.constant 0 : i32
    %c0_i32_0 = arith.constant 0 : i32
    return %arg0, %c0_i32 : i32, i32
  }
  func.func @transform_2(%arg0: i32) -> (i32, i32) {
    %c0_i32 = arith.constant 0 : i32
    %c0_i32_0 = arith.constant 0 : i32
    %c0_i32_1 = arith.constant 0 : i32
    return %c0_i32, %c0_i32_0 : i32, i32
  }
  func.func @transform_3(%arg0: i32) -> (i32, i32) {
    %c0_i32 = arith.constant 0 : i32
    %c0_i32_0 = arith.constant 0 : i32
    %c0_i32_1 = arith.constant 0 : i32
    return %c0_i32, %c0_i32_0 : i32, i32
  }
  func.func @transform_4(%arg0: i32) -> (i32, i32) {
    %c0_i32 = arith.constant 0 : i32
    %c0_i32_0 = arith.constant 0 : i32
    %c0_i32_1 = arith.constant 0 : i32
    return %c0_i32, %c0_i32_0 : i32, i32
  }
  func.func @transform_5(%arg0: i32) -> (i32, i32) {
    %c0_i32 = arith.constant 0 : i32
    %c0_i32_0 = arith.constant 0 : i32
    %c0_i32_1 = arith.constant 0 : i32
    return %c0_i32, %c0_i32_0 : i32, i32
  }
  func.func @transform_6(%arg0: i32) -> (i32, i32) {
    %c0_i32 = arith.constant 0 : i32
    %c0_i32_0 = arith.constant 0 : i32
    %c0_i32_1 = arith.constant 0 : i32
    return %c0_i32, %c0_i32_0 : i32, i32
  }
  func.func @transform_7(%arg0: i32) -> (i32, i32) {
    %c0_i32 = arith.constant 0 : i32
    %c0_i32_0 = arith.constant 0 : i32
    return %arg0, %c0_i32 : i32, i32
  }
}

</mosaic_0001>

<sc_bundles>
// kernel: gather_offload_async_start.1
scs
__scs_entry_jumppad:
0x0: {  	(pc) =	sbr.rel $0x88, $3  }
0x1: {  	(tag) =	ssettag $0x0;
	lr =	simm.s32 $0x1  }
0x2: {  	[smem:$0x3F94] =	sst lr;
	_ =	strace $0xD0000000  }
0x3: {  	_ = 	snop  }
0x4: {  	_ = 	snop  }
0x5: {  	_ = 	snop  }
0x6: {  	_ = 	snop  }
0x7: {  	_ = 	snop  }
__scs_overlays_trampoline_lowered:
0x8: {  	[smem:$0x3FA3] =	sst s0  }
0x9: {  	[smem:$0x3FA4] =	sst s1  }
0xa: {  	[smem:$0x3FA5] =	sst s2  }
0xb: {  	[smem:$0x3FA6] =	sst s3  }
0xc: {  	[smem:$0x3FA7] =	sst s4  }
0xd: {  	[smem:$0x3FA8] =	sst s5  }
0xe: {  	[smem:$0x3FA9] =	sst s6  }
0xf: {  	[smem:$0x3FAA] =	sst s7  }
0x10: {  	[smem:$0x3FAB] =	sst s8  }
0x11: {  	[smem:$0x3FAC] =	sst s9;
	s0 =	simm.s32 @!p0 $0x0  }
0x12: {  	s1 =	sld [smem:$0x3F92];
	s0 =	simm.s32 @p0 $0x1  }
0x13: {  	[smem:$0x3FAD] =	sst s0;
	s0 =	simm.s32 @!p1 $0x0  }
0x14: {  	s2 =	sld [smem:$0x3F91];
	s0 =	simm.s32 @p1 $0x1  }
0x15: {  	[smem:$0x3FAE] =	sst s0;
	s0 =	simm.s32 @!p2 $0x0  }
0x16: {  	s3 =	sld [smem:$0x3FDB];
	s0 =	simm.s32 @p2 $0x1  }
0x17: {  	s4 =	simm.s32 $0x1BF5;
	[smem:$0x3FB0] =	sst s0  }
0x18: {  	s0 =	sld [smem:$0x3F93];
	_ =	swait.ge [sflag:s4], $0x0  }
0x19: {  	s7 =	sld [smem:$0x3F94]  }
0x1a: {  	s8 =	sadd.s32 $0xFFFFE003, lr  }
0x1b: {  	s9 =	sadd.s32 $0xFFFFFEF7, lr;
	s5 =	simm.s32 $0xFFFFFFFF;
	p2 =	slt.u32 s8, $0xFFFFF086  }
0x1c: {  	p1 =	slt.u32 s9, $0xF7A;
	s5 =	simm.s32 @!p2 $0x0  }
0x1d: {  	s5 =	simm.s32 @p1 $0x1;
	p0 =	seq.s32 s7, s2  }
0x1e: {  	s7 =	smul.u32 @!p0 $0xF7A, s2;
	p2 =	seq.s32 @!p0 s5, $0x0  }
0x1f: {  	s9 =	smul.u32 $0xF7A, s1;
	s8 =	simm.s32 @!p0 $0x1BF5;
	p2 =	por !p2, p0  }
0x20: {  	[sflag:s8] =	ssyncset.s32 @!p0 $0xFFFFF086;
	s6 =	sadd.s32 @!p0 s3, s7;
	s7 =	simm.s32 @!p0 $0x108  }
0x21: {  	s3 =	sadd.s32 s3, s9;
	s6 =	sadd.s32 @!p0 $0x88, s6;
	s7 =	simm.s32 @p2 $0x1082  }
0x22: {  	[simem:s7], [sflag:s8] =	dma.local @!p0 [hbm:s6], $0xF7A  }
0x23: {  	s9 =	sor.u32 $0xD0000000, s2;
	s6 =	simm.s32 $0x108;
	_ =	swait.ge @!p0 [sflag:s8], $0x0  }
0x24: {  	s3 =	sadd.s32 $0x88, s3;
	s6 =	simm.s32 @!p1 $0x1082;
	[sflag:s4] =	ssyncset.s32 $0xFFFFF086  }
0x25: {  	[simem:s6], [sflag:s4] =	dma.local [hbm:s3], $0xF7A  }
0x26: {  	[smem:$0x3F94] =	sst s1;
	(tag) =	ssettag s2;
	_ =	strace s9  }
0x27: {  	s1 =	sld [smem:$0x3FA4]  }
0x28: {  	s2 =	sld [smem:$0x3FA5]  }
0x29: {  	s4 =	sld [smem:$0x3FA7]  }
0x2a: {  	p0 =	seq.s32 s5, $0x0;
	s5 =	sld [smem:$0x3FA8]  }
0x2b: {  	s6 =	sld [smem:$0x3FA9]  }
0x2c: {  	s7 =	sld [smem:$0x3FAA]  }
0x2d: {  	s3 =	simm.s32 $0x108;
	s8 =	sld [smem:$0x3FAB]  }
0x2e: {  	s3 =	simm.s32 @!p0 $0x1082;
	s9 =	sld [smem:$0x3FAC]  }
0x2f: {  	lr =	sadd.s32 s0, s3;
	s0 =	sld [smem:$0x3FA3]  }
0x30: {  	s3 =	sld [smem:$0x3FA6]  }
0x31: {  	[smem:$0x3FAF] =	sst s10  }
0x32: {  	s10 =	sld [smem:$0x3FAD];
	_ =	sdelay $0x3  }
0x33: {  	p0 =	seq.s32 s10, $0x1;
	s10 =	sld [smem:$0x3FAF];
	_ =	sdelay $0x3  }
0x34: {  	[smem:$0x3FAF] =	sst s10  }
0x35: {  	s10 =	sld [smem:$0x3FAE];
	_ =	sdelay $0x3  }
0x36: {  	p1 =	seq.s32 s10, $0x1;
	s10 =	sld [smem:$0x3FAF];
	_ =	sdelay $0x3  }
0x37: {  	[smem:$0x3FAF] =	sst s10  }
0x38: {  	s10 =	sld [smem:$0x3FB0]  }
0x39: {  	_ = 	snop;
	(pc) =	sbr.ind lr, $3  }
0x3a: {  	_ = 	snop  }
0x3b: {  	_ = 	snop  }
0x3c: {  	p2 =	seq.s32 s10, $0x1;
	s10 =	sld [smem:$0x3FAF]  }
0x3d: {  	_ =	shalt  }
0x3e: {  	_ =	shalt  }
0x3f: {  	_ =	shalt  }
0x40: {  	_ =	shalt  }
0x41: {  	_ =	shalt  }
0x42: {  	_ =	shalt  }
0x43: {  	_ =	shalt  }
0x44: {  	_ =	shalt  }
0x45: {  	_ =	shalt  }
0x46: {  	_ =	shalt  }
0x47: {  	_ =	shalt  }
0x48: {  	_ =	shalt  }
0x49: {  	_ =	shalt  }
0x4a: {  	_ =	shalt  }
0x4b: {  	_ =	shalt  }
0x4c: {  	_ =	shalt  }
0x4d: {  	_ =	shalt  }
0x4e: {  	_ =	shalt  }
0x4f: {  	_ =	shalt  }
0x50: {  	_ =	shalt  }
0x51: {  	_ =	shalt  }
0x52: {  	_ =	shalt  }
0x53: {  	_ =	shalt  }
0x54: {  	_ =	shalt  }
0x55: {  	_ =	shalt  }
0x56: {  	_ =	shalt  }
0x57: {  	_ =	shalt  }
0x58: {  	_ =	shalt  }
0x59: {  	_ =	shalt  }
0x5a: {  	_ =	shalt  }
0x5b: {  	_ =	shalt  }
0x5c: {  	_ =	shalt  }
0x5d: {  	_ =	shalt  }
0x5e: {  	_ =	shalt  }
0x5f: {  	_ =	shalt  }
0x60: {  	_ =	shalt  }
0x61: {  	_ =	shalt  }
0x62: {  	_ =	shalt  }
0x63: {  	_ =	shalt  }
0x64: {  	_ =	shalt  }
0x65: {  	_ =	shalt  }
0x66: {  	_ =	shalt  }
0x67: {  	_ =	shalt  }
0x68: {  	_ =	shalt  }
0x69: {  	_ =	shalt  }
0x6a: {  	_ =	shalt  }
0x6b: {  	_ =	shalt  }
0x6c: {  	_ =	shalt  }
0x6d: {  	_ =	shalt  }
0x6e: {  	_ =	shalt  }
0x6f: {  	_ =	shalt  }
0x70: {  	_ =	shalt  }
0x71: {  	_ =	shalt  }
0x72: {  	_ =	shalt  }
0x73: {  	_ =	shalt  }
0x74: {  	_ =	shalt  }
0x75: {  	_ =	shalt  }
0x76: {  	_ =	shalt  }
0x77: {  	_ =	shalt  }
0x78: {  	_ =	shalt  }
0x79: {  	_ =	shalt  }
0x7a: {  	_ =	shalt  }
0x7b: {  	_ =	shalt  }
0x7c: {  	_ =	shalt  }
0x7d: {  	_ =	shalt  }
0x7e: {  	_ =	shalt  }
0x7f: {  	_ =	shalt  }
0x80: {  	_ =	shalt  }
0x81: {  	_ =	shalt  }
0x82: {  	_ =	shalt  }
0x83: {  	_ =	shalt  }
0x84: {  	_ =	shalt  }
0x85: {  	_ =	shalt  }
0x86: {  	_ =	shalt  }
0x87: {  	_ =	shalt  }
.Lfunc_end0:
.L_simem_size_0:
called_computation.1_lowered:
.L_overlay_start_0:
0x88: {  	s2 =	sld [smem:$0x3FD9]  }
0x89: {  	s3 =	sld [smem:$0x3FFE];
	_ =	sdelay $0x1  }
0x8a: {  	s1 =	srdreg.scid  }
0x8b: {  	s0 =	sand.u32 $0x1, s1  }
0x8c: {  	s14 =	sshll.u32 s0, $0xA;
	s2 =	sadd.s32 s3, s2  }
0x8d: {  	s2 =	sadd.s32 s2, s14  }
0x8e: {  	[smem:$0x3FBB] =	sst s2  }
0x8f: {  	_ = 	snop  }
0x90: {  	s2 =	sld [smem:$0x3FD0];
	_ =	sdelay $0x2  }
0x91: {  	s15 =	simm.s32 $0xC;
	s4 =	simm.s32 $0x10  }
0x92: {  	[smem:s4], [sflag:s15] =	dma.local [hbm:s2], $0x1  }
0x93: {  	_ =	swait.eq [sflag:s15], $0x1  }
0x94: {  	[sflag:s15] =	ssyncset.done $0x0  }
0x95: {  	[sflag:s15] =	ssyncadd.s32 $0xFFFFFFFF  }
0x96: {  	s16 =	sld [smem:$0x10];
	(tm) =	ssettm $0x1  }
0x97: {  	s17 =	sld [smem:$0x3FFB];
	_ =	sdelay $0x3  }
0x98: {  	_ =	strace s17  }
0x99: {  	s3 =	sld [smem:$0x3FFC];
	_ =	sdelay $0x3  }
0x9a: {  	_ =	strace s3  }
0x9b: {  	s3 =	sld [smem:$0x3FFD];
	_ =	sdelay $0x3  }
0x9c: {  	_ =	strace s3  }
0x9d: {  	_ =	strace $0x8FFFFFFF  }
0x9e: {  	s18 =	sld [smem:$0x3FDB];
	_ =	sdelay $0x1  }
0x9f: {  	s19 =	simm.s32 $_scs_section_size  }
0xa0: {  	s5 =	simm.s32 $_size__tile_overlayer_lowered;
	s6 =	simm.s32 $_tile_overlayer_lowered  }
0xa1: {  	s22 =	simm.s32 $0x1BFF;
	s21 =	sshll.u32 s6, $0x1;
	s3 =	sadd.s32 s19, s18  }
0xa2: {  	s7 =	simm.s32 $0x0;
	s20 =	sshll.u32 s5, $0x1;
	s5 =	sadd.s32 s21, s3  }
0xa3: {  	[timem:s7], [sflag:s22] =	dma.local [hbm:s5], s20  }
0xa4: {  	_ =	swait.ge [sflag:s22], s20  }
0xa5: {  	s4 =	ssub.s32 $0x0, s20;
	[sflag:s22] =	ssyncset.done $0x0  }
0xa6: {  	[sflag:s22] =	ssyncadd.s32 s4;
	_ =	sdelay $0x1  }
0xa7: {  	s23 =	simm.s32 $0x1B8B  }
0xa8: {  	_ =	swait.ge [sflag:s23], $0x1  }
0xa9: {  	[sflag:s23] =	ssyncset.done $0x0  }
0xaa: {  	s25 =	simm.s32 $0x1B8E;
	s24 =	sld [smem:$0x3FFE];
	[sflag:s23] =	ssyncadd.s32 $0xFFFFFFFF  }
0xab: {  	s26 =	simm.s32 $execute0_lowered;
	[smem:$0x3FD2] =	sst s25  }
0xac: {  	s5 =	sshll.u32 s26, $0x1;
	_ =	strace $0x80000046;
	[dreg:$0x1] =	wrdreg $0xFFFFFFFF  }
0xad: {  	s28 =	simm.s32 $_size_execute0_lowered;
	s3 =	sadd.s32 s3, s5;
	[dreg:$0x0] =	wrdreg $0x0  }
0xae: {  	s5 =	sshll.u32 s28, $0x1;
	[dreg:$0x2] =	wrdreg s3  }
0xaf: {  	[dreg:$0x3] =	wrdreg s5  }
0xb0: {  	[dreg:$0x4] =	wrdreg $0xC0  }
0xb1: {  	_ =	task [dreg:s7], $0x5FFFF  }
0xb2: {  	[dreg:$0x1] =	wrdreg $0xFFFFFFFF  }
0xb3: {  	[dreg:$0x0] =	wrdreg $0x60  }
0xb4: {  	[dreg:$0x2] =	wrdreg s16  }
0xb5: {  	[dreg:$0x3] =	wrdreg s24  }
0xb6: {  	[dreg:$0x4] =	wrdreg $0xA  }
0xb7: {  	_ =	task.clear_ibuf [dreg:s7], $0x5FFFF;
	_ =	strace $0x90000046  }
0xb8: {  	s29 =	simm.s32 $0xA;
	_ =	strace $0x80000048  }
0xb9: {  	_ =	swait.ge [sflag:s29], $0x1  }
0xba: {  	[sflag:s29] =	ssyncadd.s32 $0xFFFFFFFF  }
0xbb: {  	_ =	strace $0x90000048  }
0xbc: {  	_ =	sfence  }
0xbd: {  	s30 =	sld [smem:$0x0];
	_ =	sdelay $0x2  }
0xbe: {  	s31 =	sshll.u32 s1, $0xD;
	s1 =	sshrl.u32 s1, $0x2  }
0xbf: {  	s3 =	sand.u32 $0x4000, s31;
	s1 =	sadd.s32 s1, s30  }
0xc0: {  	s0 =	sor.u32 s3, s0;
	s1 =	sshll.u32 s1, $0x11  }
0xc1: {  	s0 =	sor.u32 s1, s0  }
0xc2: {  	s0 =	sadd.s32 $0x8F2B, s0  }
0xc3: {  	[sflag:s0] =	ssyncadd.remote.s32 $0x1  }
0xc4: {  	_ =	sfence.sel $0xFFFF  }
0xc5: {  	[dreg:$0x0] =	wrdreg $0xFFFFFFFF;
	(pc) =	sbr.abs _section_cstart, $3  }
0xc6: {  	[dreg:$0x1] =	wrdreg $0xFFFFFFFF  }
0xc7: {  	_ =	task.clear_ibuf [dreg:s7], $0x2FFFF;
	_ =	strace $0x9FFFFFFF  }
0xc8: {  	(tm) =	ssettm $0x7FFFFFFF  }
0xc9: {  	_ =	shalt  }
tec
execute0_lowered:
.L_overlay_start_1:
0x0: {  	(tag) =	ssettag $0x1  }
0x1: {  	s2 =	rddreg [dreg:$0x0]  }
0x2: {  	s8 =	rddreg [dreg:$0x1]  }
0x3: {  	s0 =	rddreg [dreg:$0x2];
	s1 =	stileid.u32  }
0x4: {  	s3 =	srdreg.scid;
	_ =	strace $0x80000047;
	s4 =	simm.s32 $0x1  }
0x5: {  	s7 =	simm.s32 $0x1;
	s9 =	simm.s32 $0x1;
	s10 =	simm.s32 $0x3  }
0x6: {  	s13 =	simm.s32 $0x0;
	s5 =	sand.u32 $0x1, s3;
	s6 =	sshll.u32 s1, $0x1  }
0x7: {  	s12 =	simm.s32 $0x0;
	s3 =	sadd.s32 $0x40600, s8;
	s5 =	sor.u32 s6, s5  }
.Ltmp0:
0x8: {  	[sflag:s4] =	ssyncpa.u1 $0x0;
	p0 =	slt.u32 s5, $0x9;
	(pc) =	sbr.rel .LBB2_1-.Ltmp0, $4  }
0x9: {  	s6 =	simm.s32 $0x2;
	s7 =	simm.s32 @!p0 $0x0;
	p0 =	sne.s32 s5, $0x8  }
0xa: {  	[sflag:s6] =	ssyncpa.u1 $0x0;
	s5 =	smul.u32 $0x1F40, s5;
	s9 =	simm.s32 @!p0 $0x0  }
0xb: {  	s8 =	sadd.s32 $0x5E000, s8;
	[sflag:s10] =	ssyncpa.u1 $0x0;
	s7 =	sadd.s32 s9, s7  }
0xc: {  	vm0 =	vmmov $0xffff;
	s10 =	simm.s32 $0x0;
	s11 =	smov.u32 s5;
	s9 =	sadd.s32 $0x1, s7  }
.LBB2_4:
0xd: {  	v2 =	vnsel vm1, $0x0, v2  }
0xe: {  	vm1 =	vgt.s32 v0, $0x0;
	v2 =	vmin.u32 v2, $0x4E1FF  }
0xf: {  	v0 =	vnsel vm1, $0x0, v0  }
0x10: {  	v0 =	vmin.u32 v0, $0x4E1FF  }
0x11: {  	[tilespmem:s18], [sflag:$0x1] =	stream.indirect_vreg.gather [hbm4b:s2+s10], $0x1, v1, vm0, $0x4038;
	[tilespmem:$0x7D00] =	vst v63  }
0x12: {  	(ifvalue) =	ssetifvalue $0x7FFFFFFF  }
0x13: {  	[tilespmem:s15], [sflag:$0x1] =	stream.indirect_vreg.gather [hbm4b:s2+s10], $0x1, v2, vm0, $0x4038;
	[tilespmem:$0x7D00] =	vst v63  }
0x14: {  	s29 =	sadd.s32 $0x10, s15;
	(ifvalue) =	ssetifvalue $0x7FFFFFFF  }
0x15: {  	[tilespmem:s29], [sflag:$0x1] =	stream.indirect_vreg.gather [hbm4b:s2+s10], $0x1, v0, vm0, $0x4038;
	[tilespmem:$0x7D00] =	vst v63  }
0x16: {  	_ =	swait.ge [sflag:s4], $0x1F40  }
0x17: {  	s30 =	sshrl.u32 s13, $0x3;
	[sflag:s4] =	ssyncset.done $0x0  }
0x18: {  	s31 =	sand.u32 $0x7, s13;
	s15 =	sadd.s32 s8, s30;
	[sflag:s4] =	ssyncadd.s32 $0xFFFFE0C0  }
0x19: {  	[hbm4b:s15+s31] =	stream.linear.scatter [tilespmem:s14], [sflag:$0x3], $0x1F40, $0x38;
	[tilespmem:$0x7D00] =	vst v63  }
.LBB2_5:
0x1a: {  	s15 =	sadd.s32 $0x3E800, s11  }
0x1b: {  	p1 =	sgt.s32 s15, $0x4E1FF  }
0x1c: {  	s15 =	smov.u32 @p1 s5;
	p1 =	sne.s32 s12, s9  }
.Ltmp1:
0x1d: {  	p0 =	slt.u32 s12, $0x2;
	(pc) =	sbr.rel @!p1 .LBB2_6-.Ltmp1, $4  }
0x1e: {  	s14 =	simm.s32 @!p0 $0x3  }
0x1f: {  	_ =	swait.ge @!p0 [sflag:s14], $0x1F40  }
0x20: {  	s16 =	sadd.s32 $0x1, s12;
	s13 =	smov.u32 s11;
	[sflag:s14] =	ssyncset.done @!p0 $0x0  }
0x21: {  	s12 =	smov.u32 s16;
	s11 =	smov.u32 s15;
	[sflag:s14] =	ssyncadd.s32 @!p0 $0xFFFFE0C0  }
.LBB2_1:
0x22: {  	p0 =	sge.u32 s12, s7  }
0x23: {  	s14 =	sxor.u32 @!p0 $0x1, s12  }
0x24: {  	s14 =	smul.u32 @!p0 $0x7D00, s14  }
0x25: {  	s31 =	sadd.s32 $0xFFFFFFFF, s12;
	s15 =	sshrl.u32 @!p0 s11, $0x3  }
0x26: {  	s16 =	sand.u32 @!p0 $0x7, s11;
	s15 =	sadd.s32 @!p0 s3, s15;
	s14 =	sshra.s32 @!p0 s14, $0x2  }
0x27: {  	[tilespmem:s14], [sflag:$0x2] =	stream.linear.gather @!p0 [hbm4b:s15+s16], $0x1F40, $0x38;
	[tilespmem:$0x7D00] =	vst v63  }
0x28: {  	p0 =	sge.u32 s31, s7  }
.Ltmp2:
0x29: {  	_ = 	snop;
	(pc) =	sbr.rel @p0 .LBB2_5-.Ltmp2, $1  }
0x2a: {  	_ =	sdelay $0x3  }
0x2b: {  	s14 =	sand.u32 $0x1, s12  }
0x2c: {  	_ =	swait.ge [sflag:s6], $0x1F40;
	p0 =	seq.s32 s14, $0x1;
	s14 =	simm.s32 $0x1F40  }
0x2d: {  	[sflag:s6] =	ssyncset.done $0x0;
	s14 =	simm.s32 @!p0 $0x0  }
0x2e: {  	[sflag:s6] =	ssyncadd.s32 $0xFFFFE0C0;
	(ifvalue) =	ssetifvalue $0x7FFFFFFF;
	v0 =	vld.msk [tilespmem:s14+$0x0 ss:$0x1], $0xffff;
	_ =	sdelay $0x4  }
0x2f: {  	s15 =	sadd.s32 $0x10, s14;
	vm1 =	vgt.s32 v0, $0x0  }
0x30: {  	v2 =	vld.msk [tilespmem:s15+$0x0 ss:$0x1], $0xffff;
	v1 =	vnsel vm1, $0x0, v0  }
0x31: {  	v1 =	vmin.u32 v1, $0x4E1FF;
	_ =	sdelay $0x2  }
0x32: {  	s17 =	simm.s32 $0x20;
	s14 =	sadd.s32 $0x3E80, s14;
	s16 =	sadd.s32 $0x10, s15  }
0x33: {  	s15 =	sadd.s32 $0x10, s14;
	s18 =	smov.u32 s14;
	v0 =	vld.msk [tilespmem:s16+$0x0 ss:$0x1], $0xffff;
	vm1 =	vgt.s32 v2, $0x0;
	(ifvalue) =	ssetifvalue $0x7FFFFFFF  }
.LBB2_3:
0x34: {  	[tilespmem:s18], [sflag:$0x1] =	stream.indirect_vreg.gather [hbm4b:s2+s10], $0x1, v1, vm0, $0x4038;
	[tilespmem:$0x7D00] =	vst v63  }
0x35: {  	s17 =	sadd.s32 $0x10, s17  }
0x36: {  	v2 =	vnsel vm1, $0x0, v2;
	p0 =	slt.u32 s17, $0x1F30  }
.Ltmp3:
0x37: {  	s18 =	smov.u32 s15;
	v1 =	vmin.u32 v2, $0x4E1FF;
	(pc) =	sbr.rel @p0 .LBB2_3-.Ltmp3, $3  }
0x38: {  	_ =	sdelay $0x1  }
0x39: {  	s16 =	sadd.s32 $0x10, s16  }
0x3a: {  	vm1 =	vgt.s32 v0, $0x0;
	s15 =	sadd.s32 $0x10, s15;
	v2 =	vmov v0;
	(ifvalue) =	ssetifvalue $0x7FFFFFFF;
	v0 =	vld.msk [tilespmem:s16+$0x0 ss:$0x1], $0xffff  }
.Ltmp4:
0x3b: {  	_ = 	snop;
	(pc) =	sbr.rel .LBB2_4-.Ltmp4, $1  }
0x3c: {  	_ =	sdelay $0x3  }
.LBB2_6:
0x3d: {  	_ =	sfence.sel $0x180000  }
0x3e: {  	s2 =	simm.s32 $0x2;
	[bflag:$0x0] =	sbarrier.arrive $0xFFFF  }
0x3f: {  	s30 =	simm.s32 $0x3;
	[sflag:s2] =	ssyncpa.u1 $0x1  }
0x40: {  	s31 =	simm.s32 $0x1;
	[sflag:s30] =	ssyncpa.u1 $0x1  }
0x41: {  	[sflag:s31] =	ssyncpa.u1 $0x1  }
0x42: {  	p0 =	sne.s32 s1, $0x0;
	_ =	strace $0x90000047  }
0x43: {  	s0 =	sadd.s32 @!p0 $0x100000, s0;
	[bflag:$0x2] =	sbarrier.arrive $0xFFFF  }
0x44: {  	[sflag:s0] =	ssyncadd.tile.s32 @!p0 $0x1;
	_ =	shalt  }
.Lfunc_end2:
_tile_overlayer_lowered:
.L_overlay_start_2:
0x45: {  	(tag) =	ssettag $0x2  }
0x46: {  	s0 =	rddreg [dreg:$0x0];
	s2 =	stileid.u32  }
0x47: {  	s1 =	rddreg [dreg:$0x1];
	p0 =	sne.s32 s2, $0x0  }
0x48: {  	s3 =	rddreg [dreg:$0x2];
	[bflag:$0x3] =	sbarrier.arrive $0xFFFF;
	s2 =	simm.s32 @!p0 $0x1C01  }
0x49: {  	[timem:s3], [sflag:s2] =	dma.local @!p0 [hbm:s0], s1  }
0x4a: {  	s0 =	simm.s32 @!p0 $0x1  }
0x4b: {  	_ =	swait.ge @!p0 [sflag:s0], s1  }
0x4c: {  	s1 =	ssub.s32 @!p0 $0x0, s1;
	[sflag:s0] =	ssyncset.done @!p0 $0x0  }
0x4d: {  	[sflag:s0] =	ssyncadd.s32 @!p0 s1  }
0x4e: {  	[bflag:$0x3] =	sbarrier.arrive $0xFFFF  }
0x4f: {  	_ =	shalt  }

// kernel: gather_offload_async_start.2
scs
__scs_entry_jumppad:
0x0: {  	(pc) =	sbr.rel $0x88, $3  }
0x1: {  	(tag) =	ssettag $0x0;
	lr =	simm.s32 $0x1  }
0x2: {  	[smem:$0x3F94] =	sst lr;
	_ =	strace $0xD0000000  }
0x3: {  	_ = 	snop  }
0x4: {  	_ = 	snop  }
0x5: {  	_ = 	snop  }
0x6: {  	_ = 	snop  }
0x7: {  	_ = 	snop  }
__scs_overlays_trampoline_lowered:
0x8: {  	[smem:$0x3FA3] =	sst s0  }
0x9: {  	[smem:$0x3FA4] =	sst s1  }
0xa: {  	[smem:$0x3FA5] =	sst s2  }
0xb: {  	[smem:$0x3FA6] =	sst s3  }
0xc: {  	[smem:$0x3FA7] =	sst s4  }
0xd: {  	[smem:$0x3FA8] =	sst s5  }
0xe: {  	[smem:$0x3FA9] =	sst s6  }
0xf: {  	[smem:$0x3FAA] =	sst s7  }
0x10: {  	[smem:$0x3FAB] =	sst s8  }
0x11: {  	[smem:$0x3FAC] =	sst s9;
	s0 =	simm.s32 @!p0 $0x0  }
0x12: {  	s1 =	sld [smem:$0x3F92];
	s0 =	simm.s32 @p0 $0x1  }
0x13: {  	[smem:$0x3FAD] =	sst s0;
	s0 =	simm.s32 @!p1 $0x0  }
0x14: {  	s2 =	sld [smem:$0x3F91];
	s0 =	simm.s32 @p1 $0x1  }
0x15: {  	[smem:$0x3FAE] =	sst s0;
	s0 =	simm.s32 @!p2 $0x0  }
0x16: {  	s3 =	sld [smem:$0x3FDB];
	s0 =	simm.s32 @p2 $0x1  }
0x17: {  	s4 =	simm.s32 $0x1BF5;
	[smem:$0x3FB0] =	sst s0  }
0x18: {  	s0 =	sld [smem:$0x3F93];
	_ =	swait.ge [sflag:s4], $0x0  }
0x19: {  	s7 =	sld [smem:$0x3F94]  }
0x1a: {  	s8 =	sadd.s32 $0xFFFFE003, lr  }
0x1b: {  	s9 =	sadd.s32 $0xFFFFFEF7, lr;
	s5 =	simm.s32 $0xFFFFFFFF;
	p2 =	slt.u32 s8, $0xFFFFF086  }
0x1c: {  	p1 =	slt.u32 s9, $0xF7A;
	s5 =	simm.s32 @!p2 $0x0  }
0x1d: {  	s5 =	simm.s32 @p1 $0x1;
	p0 =	seq.s32 s7, s2  }
0x1e: {  	s7 =	smul.u32 @!p0 $0xF7A, s2;
	p2 =	seq.s32 @!p0 s5, $0x0  }
0x1f: {  	s9 =	smul.u32 $0xF7A, s1;
	s8 =	simm.s32 @!p0 $0x1BF5;
	p2 =	por !p2, p0  }
0x20: {  	[sflag:s8] =	ssyncset.s32 @!p0 $0xFFFFF086;
	s6 =	sadd.s32 @!p0 s3, s7;
	s7 =	simm.s32 @!p0 $0x108  }
0x21: {  	s3 =	sadd.s32 s3, s9;
	s6 =	sadd.s32 @!p0 $0x88, s6;
	s7 =	simm.s32 @p2 $0x1082  }
0x22: {  	[simem:s7], [sflag:s8] =	dma.local @!p0 [hbm:s6], $0xF7A  }
0x23: {  	s9 =	sor.u32 $0xD0000000, s2;
	s6 =	simm.s32 $0x108;
	_ =	swait.ge @!p0 [sflag:s8], $0x0  }
0x24: {  	s3 =	sadd.s32 $0x88, s3;
	s6 =	simm.s32 @!p1 $0x1082;
	[sflag:s4] =	ssyncset.s32 $0xFFFFF086  }
0x25: {  	[simem:s6], [sflag:s4] =	dma.local [hbm:s3], $0xF7A  }
0x26: {  	[smem:$0x3F94] =	sst s1;
	(tag) =	ssettag s2;
	_ =	strace s9  }
0x27: {  	s1 =	sld [smem:$0x3FA4]  }
0x28: {  	s2 =	sld [smem:$0x3FA5]  }
0x29: {  	s4 =	sld [smem:$0x3FA7]  }
0x2a: {  	p0 =	seq.s32 s5, $0x0;
	s5 =	sld [smem:$0x3FA8]  }
0x2b: {  	s6 =	sld [smem:$0x3FA9]  }
0x2c: {  	s7 =	sld [smem:$0x3FAA]  }
0x2d: {  	s3 =	simm.s32 $0x108;
	s8 =	sld [smem:$0x3FAB]  }
0x2e: {  	s3 =	simm.s32 @!p0 $0x1082;
	s9 =	sld [smem:$0x3FAC]  }
0x2f: {  	lr =	sadd.s32 s0, s3;
	s0 =	sld [smem:$0x3FA3]  }
0x30: {  	s3 =	sld [smem:$0x3FA6]  }
0x31: {  	[smem:$0x3FAF] =	sst s10  }
0x32: {  	s10 =	sld [smem:$0x3FAD];
	_ =	sdelay $0x3  }
0x33: {  	p0 =	seq.s32 s10, $0x1;
	s10 =	sld [smem:$0x3FAF];
	_ =	sdelay $0x3  }
0x34: {  	[smem:$0x3FAF] =	sst s10  }
0x35: {  	s10 =	sld [smem:$0x3FAE];
	_ =	sdelay $0x3  }
0x36: {  	p1 =	seq.s32 s10, $0x1;
	s10 =	sld [smem:$0x3FAF];
	_ =	sdelay $0x3  }
0x37: {  	[smem:$0x3FAF] =	sst s10  }
0x38: {  	s10 =	sld [smem:$0x3FB0]  }
0x39: {  	_ = 	snop;
	(pc) =	sbr.ind lr, $3  }
0x3a: {  	_ = 	snop  }
0x3b: {  	_ = 	snop  }
0x3c: {  	p2 =	seq.s32 s10, $0x1;
	s10 =	sld [smem:$0x3FAF]  }
0x3d: {  	_ =	shalt  }
0x3e: {  	_ =	shalt  }
0x3f: {  	_ =	shalt  }
0x40: {  	_ =	shalt  }
0x41: {  	_ =	shalt  }
0x42: {  	_ =	shalt  }
0x43: {  	_ =	shalt  }
0x44: {  	_ =	shalt  }
0x45: {  	_ =	shalt  }
0x46: {  	_ =	shalt  }
0x47: {  	_ =	shalt  }
0x48: {  	_ =	shalt  }
0x49: {  	_ =	shalt  }
0x4a: {  	_ =	shalt  }
0x4b: {  	_ =	shalt  }
0x4c: {  	_ =	shalt  }
0x4d: {  	_ =	shalt  }
0x4e: {  	_ =	shalt  }
0x4f: {  	_ =	shalt  }
0x50: {  	_ =	shalt  }
0x51: {  	_ =	shalt  }
0x52: {  	_ =	shalt  }
0x53: {  	_ =	shalt  }
0x54: {  	_ =	shalt  }
0x55: {  	_ =	shalt  }
0x56: {  	_ =	shalt  }
0x57: {  	_ =	shalt  }
0x58: {  	_ =	shalt  }
0x59: {  	_ =	shalt  }
0x5a: {  	_ =	shalt  }
0x5b: {  	_ =	shalt  }
0x5c: {  	_ =	shalt  }
0x5d: {  	_ =	shalt  }
0x5e: {  	_ =	shalt  }
0x5f: {  	_ =	shalt  }
0x60: {  	_ =	shalt  }
0x61: {  	_ =	shalt  }
0x62: {  	_ =	shalt  }
0x63: {  	_ =	shalt  }
0x64: {  	_ =	shalt  }
0x65: {  	_ =	shalt  }
0x66: {  	_ =	shalt  }
0x67: {  	_ =	shalt  }
0x68: {  	_ =	shalt  }
0x69: {  	_ =	shalt  }
0x6a: {  	_ =	shalt  }
0x6b: {  	_ =	shalt  }
0x6c: {  	_ =	shalt  }
0x6d: {  	_ =	shalt  }
0x6e: {  	_ =	shalt  }
0x6f: {  	_ =	shalt  }
0x70: {  	_ =	shalt  }
0x71: {  	_ =	shalt  }
0x72: {  	_ =	shalt  }
0x73: {  	_ =	shalt  }
0x74: {  	_ =	shalt  }
0x75: {  	_ =	shalt  }
0x76: {  	_ =	shalt  }
0x77: {  	_ =	shalt  }
0x78: {  	_ =	shalt  }
0x79: {  	_ =	shalt  }
0x7a: {  	_ =	shalt  }
0x7b: {  	_ =	shalt  }
0x7c: {  	_ =	shalt  }
0x7d: {  	_ =	shalt  }
0x7e: {  	_ =	shalt  }
0x7f: {  	_ =	shalt  }
0x80: {  	_ =	shalt  }
0x81: {  	_ =	shalt  }
0x82: {  	_ =	shalt  }
0x83: {  	_ =	shalt  }
0x84: {  	_ =	shalt  }
0x85: {  	_ =	shalt  }
0x86: {  	_ =	shalt  }
0x87: {  	_ =	shalt  }
.Lfunc_end0:
.L_simem_size_0:
called_computation.2_lowered:
.L_overlay_start_0:
0x88: {  	s2 =	sld [smem:$0x3FD9]  }
0x89: {  	s3 =	sld [smem:$0x3FFE];
	_ =	sdelay $0x1  }
0x8a: {  	s1 =	srdreg.scid  }
0x8b: {  	s0 =	sand.u32 $0x1, s1  }
0x8c: {  	s17 =	sshll.u32 s0, $0xA;
	s2 =	sadd.s32 s3, s2  }
0x8d: {  	s2 =	sadd.s32 s2, s17  }
0x8e: {  	[smem:$0x3FBB] =	sst s2  }
0x8f: {  	_ = 	snop  }
0x90: {  	(tm) =	ssettm $0x1  }
0x91: {  	s18 =	sld [smem:$0x3FFB];
	_ =	sdelay $0x3  }
0x92: {  	_ =	strace s18  }
0x93: {  	s2 =	sld [smem:$0x3FFC];
	_ =	sdelay $0x3  }
0x94: {  	_ =	strace s2  }
0x95: {  	s2 =	sld [smem:$0x3FFD];
	_ =	sdelay $0x3  }
0x96: {  	_ =	strace s2  }
0x97: {  	_ =	strace $0x8FFFFFFF  }
0x98: {  	s19 =	sld [smem:$0x3FDB];
	_ =	sdelay $0x1  }
0x99: {  	s20 =	simm.s32 $_scs_section_size  }
0x9a: {  	s4 =	simm.s32 $_size__tile_overlayer_lowered;
	s5 =	simm.s32 $_tile_overlayer_lowered  }
0x9b: {  	s6 =	simm.s32 $0x1BFF;
	s21 =	sshll.u32 s5, $0x1;
	s3 =	sadd.s32 s20, s19  }
0x9c: {  	s22 =	simm.s32 $0x0;
	s4 =	sshll.u32 s4, $0x1;
	s5 =	sadd.s32 s21, s3  }
0x9d: {  	[timem:s22], [sflag:s6] =	dma.local [hbm:s5], s4  }
0x9e: {  	_ =	swait.ge [sflag:s6], s4  }
0x9f: {  	s4 =	ssub.s32 $0x0, s4;
	[sflag:s6] =	ssyncset.done $0x0  }
0xa0: {  	[sflag:s6] =	ssyncadd.s32 s4;
	_ =	sdelay $0x1  }
0xa1: {  	s23 =	simm.s32 $0x1B8B  }
0xa2: {  	_ =	swait.ge [sflag:s23], $0x1  }
0xa3: {  	[sflag:s23] =	ssyncset.done $0x0  }
0xa4: {  	[sflag:s23] =	ssyncadd.s32 $0xFFFFFFFF  }
0xa5: {  	s4 =	sld [smem:$0x0]  }
0xa6: {  	s5 =	sand.u32 $0xFFFFFFFE, s1  }
0xa7: {  	p0 =	sne.s32 s1, s5  }
0xa8: {  	s5 =	sshll.u32 @p0 s5, $0xE  }
0xa9: {  	s5 =	sadd.s32 @p0 $0x11B8D, s5;
	s6 =	sshll.u32 @p0 s4, $0x11  }
0xaa: {  	s5 =	sor.u32 @p0 s6, s5  }
0xab: {  	[sflag:s5] =	ssyncadd.remote.s32 @p0 $0x1;
	_ =	sdelay $0x1  }
0xac: {  	s5 =	simm.s32 @p0 $0x1B8D  }
0xad: {  	_ =	swait.eq @p0 [sflag:s5], $0x1  }
0xae: {  	[sflag:s5] =	ssyncadd.s32 @p0 $0xFFFFFFFF  }
0xaf: {  	s6 =	sshll.u32 @!p0 s1, $0xE  }
0xb0: {  	s6 =	sor.u32 @!p0 $0x4000, s6;
	s5 =	simm.s32 @!p0 $0x1B8D  }
0xb1: {  	s4 =	sshll.u32 @!p0 s4, $0x11;
	s6 =	sadd.s32 @!p0 $0x11B8D, s6;
	_ =	swait.eq @!p0 [sflag:s5], $0x1  }
0xb2: {  	s4 =	sor.u32 @!p0 s4, s6;
	[sflag:s5] =	ssyncadd.s32 @!p0 $0xFFFFFFFF  }
0xb3: {  	s25 =	simm.s32 $0x1B8E;
	s24 =	sld [smem:$0x3FFE];
	[sflag:s4] =	ssyncadd.remote.s32 @!p0 $0x1  }
0xb4: {  	s26 =	simm.s32 $execute0_lowered;
	[smem:$0x3FD2] =	sst s25  }
0xb5: {  	s5 =	sshll.u32 s26, $0x1;
	_ =	strace $0x80000049;
	[dreg:$0x1] =	wrdreg $0xFFFFFFFF  }
0xb6: {  	s28 =	simm.s32 $_size_execute0_lowered;
	s3 =	sadd.s32 s3, s5;
	[dreg:$0x0] =	wrdreg $0x0  }
0xb7: {  	s5 =	sshll.u32 s28, $0x1;
	[dreg:$0x2] =	wrdreg s3  }
0xb8: {  	[dreg:$0x3] =	wrdreg s5  }
0xb9: {  	[dreg:$0x4] =	wrdreg $0xC0  }
0xba: {  	_ =	task [dreg:s22], $0x5FFFF  }
0xbb: {  	[dreg:$0x1] =	wrdreg $0xFFFFFFFF  }
0xbc: {  	[dreg:$0x0] =	wrdreg $0x60  }
0xbd: {  	[dreg:$0x2] =	wrdreg s24  }
0xbe: {  	[dreg:$0x3] =	wrdreg $0xB  }
0xbf: {  	_ =	task.clear_ibuf [dreg:s22], $0x4FFFF;
	_ =	strace $0x90000049  }
0xc0: {  	s29 =	simm.s32 $0xB;
	_ =	strace $0x8000004B  }
0xc1: {  	_ =	swait.ge [sflag:s29], $0x1  }
0xc2: {  	[sflag:s29] =	ssyncadd.s32 $0xFFFFFFFF  }
0xc3: {  	_ =	strace $0x9000004B  }
0xc4: {  	_ =	sfence  }
0xc5: {  	s30 =	sld [smem:$0x0];
	_ =	sdelay $0x2  }
0xc6: {  	s31 =	sshll.u32 s1, $0xD;
	s1 =	sshrl.u32 s1, $0x2  }
0xc7: {  	s4 =	sand.u32 $0x4000, s31;
	s1 =	sadd.s32 s1, s30  }
0xc8: {  	s0 =	sor.u32 s4, s0;
	s1 =	sshll.u32 s1, $0x11  }
0xc9: {  	s0 =	sor.u32 s1, s0  }
0xca: {  	s0 =	sadd.s32 $0x8F2B, s0  }
0xcb: {  	[sflag:s0] =	ssyncadd.remote.s32 $0x1  }
0xcc: {  	_ =	sfence.sel $0xFFFF  }
0xcd: {  	[dreg:$0x0] =	wrdreg $0xFFFFFFFF;
	(pc) =	sbr.abs _section_cstart, $3  }
0xce: {  	[dreg:$0x1] =	wrdreg $0xFFFFFFFF  }
0xcf: {  	_ =	task.clear_ibuf [dreg:s22], $0x2FFFF;
	_ =	strace $0x9FFFFFFF  }
0xd0: {  	(tm) =	ssettm $0x7FFFFFFF  }
0xd1: {  	_ =	shalt  }
tec
execute0_lowered:
.L_overlay_start_1:
0x0: {  	(tag) =	ssettag $0x1  }
0x1: {  	s8 =	rddreg [dreg:$0x0]  }
0x2: {  	s0 =	rddreg [dreg:$0x1];
	_ =	strace $0x8000004A;
	s1 =	stileid.u32  }
0x3: {  	s3 =	srdreg.scid;
	s4 =	simm.s32 $0x1;
	s7 =	simm.s32 $0x1  }
0x4: {  	s9 =	simm.s32 $0x1;
	s10 =	simm.s32 $0x3;
	s13 =	simm.s32 $0x0  }
0x5: {  	s12 =	simm.s32 $0x0;
	s5 =	sand.u32 $0x1, s3;
	s6 =	sshll.u32 s1, $0x1  }
0x6: {  	s2 =	sadd.s32 $0x22C00, s8;
	s3 =	sadd.s32 $0x40600, s8;
	s5 =	sor.u32 s6, s5  }
.Ltmp0:
0x7: {  	[sflag:s4] =	ssyncpa.u1 $0x0;
	p0 =	slt.u32 s5, $0x9;
	(pc) =	sbr.rel .LBB2_1-.Ltmp0, $4  }
0x8: {  	s6 =	simm.s32 $0x2;
	s7 =	simm.s32 @!p0 $0x0;
	p0 =	sne.s32 s5, $0x8  }
0x9: {  	[sflag:s6] =	ssyncpa.u1 $0x0;
	s5 =	smul.u32 $0x1F40, s5;
	s9 =	simm.s32 @!p0 $0x0  }
0xa: {  	s8 =	sadd.s32 $0x67E00, s8;
	[sflag:s10] =	ssyncpa.u1 $0x0;
	s7 =	sadd.s32 s9, s7  }
0xb: {  	vm0 =	vmmov $0xffff;
	s10 =	simm.s32 $0x0;
	s11 =	smov.u32 s5;
	s9 =	sadd.s32 $0x1, s7  }
.LBB2_4:
0xc: {  	v2 =	vnsel vm1, $0x0, v2  }
0xd: {  	vm1 =	vgt.s32 v0, $0x0;
	v2 =	vmin.u32 v2, $0x4E1FF  }
0xe: {  	v0 =	vnsel vm1, $0x0, v0  }
0xf: {  	v0 =	vmin.u32 v0, $0x4E1FF  }
0x10: {  	[tilespmem:s18], [sflag:$0x1] =	stream.indirect_vreg.gather [hbm4b:s2+s10], $0x1, v1, vm0, $0x4038;
	[tilespmem:$0x7D00] =	vst v63  }
0x11: {  	(ifvalue) =	ssetifvalue $0x7FFFFFFF  }
0x12: {  	[tilespmem:s15], [sflag:$0x1] =	stream.indirect_vreg.gather [hbm4b:s2+s10], $0x1, v2, vm0, $0x4038;
	[tilespmem:$0x7D00] =	vst v63  }
0x13: {  	s29 =	sadd.s32 $0x10, s15;
	(ifvalue) =	ssetifvalue $0x7FFFFFFF  }
0x14: {  	[tilespmem:s29], [sflag:$0x1] =	stream.indirect_vreg.gather [hbm4b:s2+s10], $0x1, v0, vm0, $0x4038;
	[tilespmem:$0x7D00] =	vst v63  }
0x15: {  	_ =	swait.ge [sflag:s4], $0x1F40  }
0x16: {  	s30 =	sshrl.u32 s13, $0x3;
	[sflag:s4] =	ssyncset.done $0x0  }
0x17: {  	s31 =	sand.u32 $0x7, s13;
	s15 =	sadd.s32 s8, s30;
	[sflag:s4] =	ssyncadd.s32 $0xFFFFE0C0  }
0x18: {  	[hbm4b:s15+s31] =	stream.linear.scatter [tilespmem:s14], [sflag:$0x3], $0x1F40, $0x38;
	[tilespmem:$0x7D00] =	vst v63  }
.LBB2_5:
0x19: {  	s15 =	sadd.s32 $0x3E800, s11  }
0x1a: {  	p1 =	sgt.s32 s15, $0x4E1FF  }
0x1b: {  	s15 =	smov.u32 @p1 s5;
	p1 =	sne.s32 s12, s9  }
.Ltmp1:
0x1c: {  	p0 =	slt.u32 s12, $0x2;
	(pc) =	sbr.rel @!p1 .LBB2_6-.Ltmp1, $4  }
0x1d: {  	s14 =	simm.s32 @!p0 $0x3  }
0x1e: {  	_ =	swait.ge @!p0 [sflag:s14], $0x1F40  }
0x1f: {  	s16 =	sadd.s32 $0x1, s12;
	s13 =	smov.u32 s11;
	[sflag:s14] =	ssyncset.done @!p0 $0x0  }
0x20: {  	s12 =	smov.u32 s16;
	s11 =	smov.u32 s15;
	[sflag:s14] =	ssyncadd.s32 @!p0 $0xFFFFE0C0  }
.LBB2_1:
0x21: {  	p0 =	sge.u32 s12, s7  }
0x22: {  	s14 =	sxor.u32 @!p0 $0x1, s12  }
0x23: {  	s14 =	smul.u32 @!p0 $0x7D00, s14  }
0x24: {  	s31 =	sadd.s32 $0xFFFFFFFF, s12;
	s15 =	sshrl.u32 @!p0 s11, $0x3  }
0x25: {  	s16 =	sand.u32 @!p0 $0x7, s11;
	s15 =	sadd.s32 @!p0 s3, s15;
	s14 =	sshra.s32 @!p0 s14, $0x2  }
0x26: {  	[tilespmem:s14], [sflag:$0x2] =	stream.linear.gather @!p0 [hbm4b:s15+s16], $0x1F40, $0x38;
	[tilespmem:$0x7D00] =	vst v63  }
0x27: {  	p0 =	sge.u32 s31, s7  }
.Ltmp2:
0x28: {  	_ = 	snop;
	(pc) =	sbr.rel @p0 .LBB2_5-.Ltmp2, $1  }
0x29: {  	_ =	sdelay $0x3  }
0x2a: {  	s14 =	sand.u32 $0x1, s12  }
0x2b: {  	_ =	swait.ge [sflag:s6], $0x1F40;
	p0 =	seq.s32 s14, $0x1;
	s14 =	simm.s32 $0x1F40  }
0x2c: {  	[sflag:s6] =	ssyncset.done $0x0;
	s14 =	simm.s32 @!p0 $0x0  }
0x2d: {  	[sflag:s6] =	ssyncadd.s32 $0xFFFFE0C0;
	(ifvalue) =	ssetifvalue $0x7FFFFFFF;
	v0 =	vld.msk [tilespmem:s14+$0x0 ss:$0x1], $0xffff;
	_ =	sdelay $0x4  }
0x2e: {  	s15 =	sadd.s32 $0x10, s14;
	vm1 =	vgt.s32 v0, $0x0  }
0x2f: {  	v2 =	vld.msk [tilespmem:s15+$0x0 ss:$0x1], $0xffff;
	v1 =	vnsel vm1, $0x0, v0  }
0x30: {  	v1 =	vmin.u32 v1, $0x4E1FF;
	_ =	sdelay $0x2  }
0x31: {  	s17 =	simm.s32 $0x20;
	s14 =	sadd.s32 $0x3E80, s14;
	s16 =	sadd.s32 $0x10, s15  }
0x32: {  	s15 =	sadd.s32 $0x10, s14;
	s18 =	smov.u32 s14;
	v0 =	vld.msk [tilespmem:s16+$0x0 ss:$0x1], $0xffff;
	vm1 =	vgt.s32 v2, $0x0;
	(ifvalue) =	ssetifvalue $0x7FFFFFFF  }
.LBB2_3:
0x33: {  	[tilespmem:s18], [sflag:$0x1] =	stream.indirect_vreg.gather [hbm4b:s2+s10], $0x1, v1, vm0, $0x4038;
	[tilespmem:$0x7D00] =	vst v63  }
0x34: {  	s17 =	sadd.s32 $0x10, s17  }
0x35: {  	v2 =	vnsel vm1, $0x0, v2;
	p0 =	slt.u32 s17, $0x1F30  }
.Ltmp3:
0x36: {  	s18 =	smov.u32 s15;
	v1 =	vmin.u32 v2, $0x4E1FF;
	(pc) =	sbr.rel @p0 .LBB2_3-.Ltmp3, $3  }
0x37: {  	_ =	sdelay $0x1  }
0x38: {  	s16 =	sadd.s32 $0x10, s16  }
0x39: {  	vm1 =	vgt.s32 v0, $0x0;
	s15 =	sadd.s32 $0x10, s15;
	v2 =	vmov v0;
	(ifvalue) =	ssetifvalue $0x7FFFFFFF;
	v0 =	vld.msk [tilespmem:s16+$0x0 ss:$0x1], $0xffff  }
.Ltmp4:
0x3a: {  	_ = 	snop;
	(pc) =	sbr.rel .LBB2_4-.Ltmp4, $1  }
0x3b: {  	_ =	sdelay $0x3  }
.LBB2_6:
0x3c: {  	_ =	sfence.sel $0x180000  }
0x3d: {  	s2 =	simm.s32 $0x2;
	[bflag:$0x0] =	sbarrier.arrive $0xFFFF  }
0x3e: {  	s30 =	simm.s32 $0x3;
	[sflag:s2] =	ssyncpa.u1 $0x1  }
0x3f: {  	s31 =	simm.s32 $0x1;
	[sflag:s30] =	ssyncpa.u1 $0x1  }
0x40: {  	[sflag:s31] =	ssyncpa.u1 $0x1  }
0x41: {  	p0 =	sne.s32 s1, $0x0;
	_ =	strace $0x9000004A  }
0x42: {  	s0 =	sadd.s32 @!p0 $0x100000, s0;
	[bflag:$0x2] =	sbarrier.arrive $0xFFFF  }
0x43: {  	[sflag:s0] =	ssyncadd.tile.s32 @!p0 $0x1;
	_ =	shalt  }
.Lfunc_end2:
_tile_overlayer_lowered:
.L_overlay_start_2:
0x44: {  	(tag) =	ssettag $0x2  }
0x45: {  	s0 =	rddreg [dreg:$0x0];
	s2 =	stileid.u32  }
0x46: {  	s1 =	rddreg [dreg:$0x1];
	p0 =	sne.s32 s2, $0x0  }
0x47: {  	s3 =	rddreg [dreg:$0x2];
	[bflag:$0x3] =	sbarrier.arrive $0xFFFF;
	s2 =	simm.s32 @!p0 $0x1C01  }
0x48: {  	[timem:s3], [sflag:s2] =	dma.local @!p0 [hbm:s0], s1  }
0x49: {  	s0 =	simm.s32 @!p0 $0x1  }
0x4a: {  	_ =	swait.ge @!p0 [sflag:s0], s1  }
0x4b: {  	s1 =	ssub.s32 @!p0 $0x0, s1;
	[sflag:s0] =	ssyncset.done @!p0 $0x0  }
0x4c: {  	[sflag:s0] =	ssyncadd.s32 @!p0 s1  }
0x4d: {  	[bflag:$0x3] =	sbarrier.arrive $0xFFFF  }
0x4e: {  	_ =	shalt  }

// kernel: gather_offload_async_start
scs
__scs_entry_jumppad:
0x0: {  	(pc) =	sbr.rel $0x88, $3  }
0x1: {  	(tag) =	ssettag $0x0;
	lr =	simm.s32 $0x1  }
0x2: {  	[smem:$0x3F94] =	sst lr;
	_ =	strace $0xD0000000  }
0x3: {  	_ = 	snop  }
0x4: {  	_ = 	snop  }
0x5: {  	_ = 	snop  }
0x6: {  	_ = 	snop  }
0x7: {  	_ = 	snop  }
__scs_overlays_trampoline_lowered:
0x8: {  	[smem:$0x3FA3] =	sst s0  }
0x9: {  	[smem:$0x3FA4] =	sst s1  }
0xa: {  	[smem:$0x3FA5] =	sst s2  }
0xb: {  	[smem:$0x3FA6] =	sst s3  }
0xc: {  	[smem:$0x3FA7] =	sst s4  }
0xd: {  	[smem:$0x3FA8] =	sst s5  }
0xe: {  	[smem:$0x3FA9] =	sst s6  }
0xf: {  	[smem:$0x3FAA] =	sst s7  }
0x10: {  	[smem:$0x3FAB] =	sst s8  }
0x11: {  	[smem:$0x3FAC] =	sst s9;
	s0 =	simm.s32 @!p0 $0x0  }
0x12: {  	s1 =	sld [smem:$0x3F92];
	s0 =	simm.s32 @p0 $0x1  }
0x13: {  	[smem:$0x3FAD] =	sst s0;
	s0 =	simm.s32 @!p1 $0x0  }
0x14: {  	s2 =	sld [smem:$0x3F91];
	s0 =	simm.s32 @p1 $0x1  }
0x15: {  	[smem:$0x3FAE] =	sst s0;
	s0 =	simm.s32 @!p2 $0x0  }
0x16: {  	s3 =	sld [smem:$0x3FDB];
	s0 =	simm.s32 @p2 $0x1  }
0x17: {  	s4 =	simm.s32 $0x1BF5;
	[smem:$0x3FB0] =	sst s0  }
0x18: {  	s0 =	sld [smem:$0x3F93];
	_ =	swait.ge [sflag:s4], $0x0  }
0x19: {  	s7 =	sld [smem:$0x3F94]  }
0x1a: {  	s8 =	sadd.s32 $0xFFFFE003, lr  }
0x1b: {  	s9 =	sadd.s32 $0xFFFFFEF7, lr;
	s5 =	simm.s32 $0xFFFFFFFF;
	p2 =	slt.u32 s8, $0xFFFFF086  }
0x1c: {  	p1 =	slt.u32 s9, $0xF7A;
	s5 =	simm.s32 @!p2 $0x0  }
0x1d: {  	s5 =	simm.s32 @p1 $0x1;
	p0 =	seq.s32 s7, s2  }
0x1e: {  	s7 =	smul.u32 @!p0 $0xF7A, s2;
	p2 =	seq.s32 @!p0 s5, $0x0  }
0x1f: {  	s9 =	smul.u32 $0xF7A, s1;
	s8 =	simm.s32 @!p0 $0x1BF5;
	p2 =	por !p2, p0  }
0x20: {  	[sflag:s8] =	ssyncset.s32 @!p0 $0xFFFFF086;
	s6 =	sadd.s32 @!p0 s3, s7;
	s7 =	simm.s32 @!p0 $0x108  }
0x21: {  	s3 =	sadd.s32 s3, s9;
	s6 =	sadd.s32 @!p0 $0x88, s6;
	s7 =	simm.s32 @p2 $0x1082  }
0x22: {  	[simem:s7], [sflag:s8] =	dma.local @!p0 [hbm:s6], $0xF7A  }
0x23: {  	s9 =	sor.u32 $0xD0000000, s2;
	s6 =	simm.s32 $0x108;
	_ =	swait.ge @!p0 [sflag:s8], $0x0  }
0x24: {  	s3 =	sadd.s32 $0x88, s3;
	s6 =	simm.s32 @!p1 $0x1082;
	[sflag:s4] =	ssyncset.s32 $0xFFFFF086  }
0x25: {  	[simem:s6], [sflag:s4] =	dma.local [hbm:s3], $0xF7A  }
0x26: {  	[smem:$0x3F94] =	sst s1;
	(tag) =	ssettag s2;
	_ =	strace s9  }
0x27: {  	s1 =	sld [smem:$0x3FA4]  }
0x28: {  	s2 =	sld [smem:$0x3FA5]  }
0x29: {  	s4 =	sld [smem:$0x3FA7]  }
0x2a: {  	p0 =	seq.s32 s5, $0x0;
	s5 =	sld [smem:$0x3FA8]  }
0x2b: {  	s6 =	sld [smem:$0x3FA9]  }
0x2c: {  	s7 =	sld [smem:$0x3FAA]  }
0x2d: {  	s3 =	simm.s32 $0x108;
	s8 =	sld [smem:$0x3FAB]  }
0x2e: {  	s3 =	simm.s32 @!p0 $0x1082;
	s9 =	sld [smem:$0x3FAC]  }
0x2f: {  	lr =	sadd.s32 s0, s3;
	s0 =	sld [smem:$0x3FA3]  }
0x30: {  	s3 =	sld [smem:$0x3FA6]  }
0x31: {  	[smem:$0x3FAF] =	sst s10  }
0x32: {  	s10 =	sld [smem:$0x3FAD];
	_ =	sdelay $0x3  }
0x33: {  	p0 =	seq.s32 s10, $0x1;
	s10 =	sld [smem:$0x3FAF];
	_ =	sdelay $0x3  }
0x34: {  	[smem:$0x3FAF] =	sst s10  }
0x35: {  	s10 =	sld [smem:$0x3FAE];
	_ =	sdelay $0x3  }
0x36: {  	p1 =	seq.s32 s10, $0x1;
	s10 =	sld [smem:$0x3FAF];
	_ =	sdelay $0x3  }
0x37: {  	[smem:$0x3FAF] =	sst s10  }
0x38: {  	s10 =	sld [smem:$0x3FB0]  }
0x39: {  	_ = 	snop;
	(pc) =	sbr.ind lr, $3  }
0x3a: {  	_ = 	snop  }
0x3b: {  	_ = 	snop  }
0x3c: {  	p2 =	seq.s32 s10, $0x1;
	s10 =	sld [smem:$0x3FAF]  }
0x3d: {  	_ =	shalt  }
0x3e: {  	_ =	shalt  }
0x3f: {  	_ =	shalt  }
0x40: {  	_ =	shalt  }
0x41: {  	_ =	shalt  }
0x42: {  	_ =	shalt  }
0x43: {  	_ =	shalt  }
0x44: {  	_ =	shalt  }
0x45: {  	_ =	shalt  }
0x46: {  	_ =	shalt  }
0x47: {  	_ =	shalt  }
0x48: {  	_ =	shalt  }
0x49: {  	_ =	shalt  }
0x4a: {  	_ =	shalt  }
0x4b: {  	_ =	shalt  }
0x4c: {  	_ =	shalt  }
0x4d: {  	_ =	shalt  }
0x4e: {  	_ =	shalt  }
0x4f: {  	_ =	shalt  }
0x50: {  	_ =	shalt  }
0x51: {  	_ =	shalt  }
0x52: {  	_ =	shalt  }
0x53: {  	_ =	shalt  }
0x54: {  	_ =	shalt  }
0x55: {  	_ =	shalt  }
0x56: {  	_ =	shalt  }
0x57: {  	_ =	shalt  }
0x58: {  	_ =	shalt  }
0x59: {  	_ =	shalt  }
0x5a: {  	_ =	shalt  }
0x5b: {  	_ =	shalt  }
0x5c: {  	_ =	shalt  }
0x5d: {  	_ =	shalt  }
0x5e: {  	_ =	shalt  }
0x5f: {  	_ =	shalt  }
0x60: {  	_ =	shalt  }
0x61: {  	_ =	shalt  }
0x62: {  	_ =	shalt  }
0x63: {  	_ =	shalt  }
0x64: {  	_ =	shalt  }
0x65: {  	_ =	shalt  }
0x66: {  	_ =	shalt  }
0x67: {  	_ =	shalt  }
0x68: {  	_ =	shalt  }
0x69: {  	_ =	shalt  }
0x6a: {  	_ =	shalt  }
0x6b: {  	_ =	shalt  }
0x6c: {  	_ =	shalt  }
0x6d: {  	_ =	shalt  }
0x6e: {  	_ =	shalt  }
0x6f: {  	_ =	shalt  }
0x70: {  	_ =	shalt  }
0x71: {  	_ =	shalt  }
0x72: {  	_ =	shalt  }
0x73: {  	_ =	shalt  }
0x74: {  	_ =	shalt  }
0x75: {  	_ =	shalt  }
0x76: {  	_ =	shalt  }
0x77: {  	_ =	shalt  }
0x78: {  	_ =	shalt  }
0x79: {  	_ =	shalt  }
0x7a: {  	_ =	shalt  }
0x7b: {  	_ =	shalt  }
0x7c: {  	_ =	shalt  }
0x7d: {  	_ =	shalt  }
0x7e: {  	_ =	shalt  }
0x7f: {  	_ =	shalt  }
0x80: {  	_ =	shalt  }
0x81: {  	_ =	shalt  }
0x82: {  	_ =	shalt  }
0x83: {  	_ =	shalt  }
0x84: {  	_ =	shalt  }
0x85: {  	_ =	shalt  }
0x86: {  	_ =	shalt  }
0x87: {  	_ =	shalt  }
.Lfunc_end0:
.L_simem_size_0:
called_computation_lowered:
.L_overlay_start_0:
0x88: {  	s2 =	sld [smem:$0x3FD9]  }
0x89: {  	s3 =	sld [smem:$0x3FFE];
	_ =	sdelay $0x1  }
0x8a: {  	s1 =	srdreg.scid  }
0x8b: {  	s0 =	sand.u32 $0x1, s1  }
0x8c: {  	s14 =	sshll.u32 s0, $0xA;
	s2 =	sadd.s32 s3, s2  }
0x8d: {  	s2 =	sadd.s32 s2, s14  }
0x8e: {  	[smem:$0x3FBB] =	sst s2  }
0x8f: {  	_ = 	snop  }
0x90: {  	s2 =	sld [smem:$0x3FD0];
	_ =	sdelay $0x2  }
0x91: {  	s15 =	simm.s32 $0xC;
	s4 =	simm.s32 $0x10  }
0x92: {  	[smem:s4], [sflag:s15] =	dma.local [hbm:s2], $0x1  }
0x93: {  	_ =	swait.eq [sflag:s15], $0x1  }
0x94: {  	[sflag:s15] =	ssyncset.done $0x0  }
0x95: {  	[sflag:s15] =	ssyncadd.s32 $0xFFFFFFFF  }
0x96: {  	s16 =	sld [smem:$0x10];
	(tm) =	ssettm $0x1  }
0x97: {  	s17 =	sld [smem:$0x3FFB];
	_ =	sdelay $0x3  }
0x98: {  	_ =	strace s17  }
0x99: {  	s3 =	sld [smem:$0x3FFC];
	_ =	sdelay $0x3  }
0x9a: {  	_ =	strace s3  }
0x9b: {  	s3 =	sld [smem:$0x3FFD];
	_ =	sdelay $0x3  }
0x9c: {  	_ =	strace s3  }
0x9d: {  	_ =	strace $0x8FFFFFFF  }
0x9e: {  	s18 =	sld [smem:$0x3FDB];
	_ =	sdelay $0x1  }
0x9f: {  	s19 =	simm.s32 $_scs_section_size  }
0xa0: {  	s5 =	simm.s32 $_size__tile_overlayer_lowered;
	s6 =	simm.s32 $_tile_overlayer_lowered  }
0xa1: {  	s22 =	simm.s32 $0x1BFF;
	s21 =	sshll.u32 s6, $0x1;
	s3 =	sadd.s32 s19, s18  }
0xa2: {  	s7 =	simm.s32 $0x0;
	s20 =	sshll.u32 s5, $0x1;
	s5 =	sadd.s32 s21, s3  }
0xa3: {  	[timem:s7], [sflag:s22] =	dma.local [hbm:s5], s20  }
0xa4: {  	_ =	swait.ge [sflag:s22], s20  }
0xa5: {  	s4 =	ssub.s32 $0x0, s20;
	[sflag:s22] =	ssyncset.done $0x0  }
0xa6: {  	[sflag:s22] =	ssyncadd.s32 s4;
	_ =	sdelay $0x1  }
0xa7: {  	s23 =	simm.s32 $0x1B8B  }
0xa8: {  	_ =	swait.ge [sflag:s23], $0x1  }
0xa9: {  	[sflag:s23] =	ssyncset.done $0x0  }
0xaa: {  	s25 =	simm.s32 $0x1B8E;
	s24 =	sld [smem:$0x3FFE];
	[sflag:s23] =	ssyncadd.s32 $0xFFFFFFFF  }
0xab: {  	s26 =	simm.s32 $execute0_lowered;
	[smem:$0x3FD2] =	sst s25  }
0xac: {  	s5 =	sshll.u32 s26, $0x1;
	_ =	strace $0x80000052;
	[dreg:$0x1] =	wrdreg $0xFFFFFFFF  }
0xad: {  	s28 =	simm.s32 $_size_execute0_lowered;
	s3 =	sadd.s32 s3, s5;
	[dreg:$0x0] =	wrdreg $0x0  }
0xae: {  	s5 =	sshll.u32 s28, $0x1;
	[dreg:$0x2] =	wrdreg s3  }
0xaf: {  	[dreg:$0x3] =	wrdreg s5  }
0xb0: {  	[dreg:$0x4] =	wrdreg $0xC0  }
0xb1: {  	_ =	task [dreg:s7], $0x5FFFF  }
0xb2: {  	[dreg:$0x1] =	wrdreg $0xFFFFFFFF  }
0xb3: {  	[dreg:$0x0] =	wrdreg $0x60  }
0xb4: {  	[dreg:$0x2] =	wrdreg s16  }
0xb5: {  	[dreg:$0x3] =	wrdreg s24  }
0xb6: {  	[dreg:$0x4] =	wrdreg $0x9  }
0xb7: {  	_ =	task.clear_ibuf [dreg:s7], $0x5FFFF;
	_ =	strace $0x90000052  }
0xb8: {  	s29 =	simm.s32 $0x9;
	_ =	strace $0x80000054  }
0xb9: {  	_ =	swait.ge [sflag:s29], $0x1  }
0xba: {  	[sflag:s29] =	ssyncadd.s32 $0xFFFFFFFF  }
0xbb: {  	_ =	strace $0x90000054  }
0xbc: {  	_ =	sfence  }
0xbd: {  	s30 =	sld [smem:$0x0];
	_ =	sdelay $0x2  }
0xbe: {  	s31 =	sshll.u32 s1, $0xD;
	s1 =	sshrl.u32 s1, $0x2  }
0xbf: {  	s3 =	sand.u32 $0x4000, s31;
	s1 =	sadd.s32 s1, s30  }
0xc0: {  	s0 =	sor.u32 s3, s0;
	s1 =	sshll.u32 s1, $0x11  }
0xc1: {  	s0 =	sor.u32 s1, s0  }
0xc2: {  	s0 =	sadd.s32 $0x8F2B, s0  }
0xc3: {  	[sflag:s0] =	ssyncadd.remote.s32 $0x1  }
0xc4: {  	_ =	sfence.sel $0xFFFF  }
0xc5: {  	[dreg:$0x0] =	wrdreg $0xFFFFFFFF;
	(pc) =	sbr.abs _section_cstart, $3  }
0xc6: {  	[dreg:$0x1] =	wrdreg $0xFFFFFFFF  }
0xc7: {  	_ =	task.clear_ibuf [dreg:s7], $0x2FFFF;
	_ =	strace $0x9FFFFFFF  }
0xc8: {  	(tm) =	ssettm $0x7FFFFFFF  }
0xc9: {  	_ =	shalt  }
tec
execute0_lowered:
.L_overlay_start_1:
0x0: {  	(tag) =	ssettag $0x1  }
0x1: {  	s2 =	rddreg [dreg:$0x0]  }
0x2: {  	s8 =	rddreg [dreg:$0x1]  }
0x3: {  	s0 =	rddreg [dreg:$0x2];
	s1 =	stileid.u32  }
0x4: {  	s3 =	srdreg.scid;
	_ =	strace $0x80000053;
	s4 =	simm.s32 $0x1  }
0x5: {  	s7 =	simm.s32 $0x1;
	s9 =	simm.s32 $0x1;
	s10 =	simm.s32 $0x3  }
0x6: {  	s13 =	simm.s32 $0x0;
	s5 =	sand.u32 $0x1, s3;
	s6 =	sshll.u32 s1, $0x1  }
0x7: {  	s12 =	simm.s32 $0x0;
	s3 =	sadd.s32 $0x54200, s8;
	s5 =	sor.u32 s6, s5  }
.Ltmp0:
0x8: {  	[sflag:s4] =	ssyncpa.u1 $0x0;
	p0 =	slt.u32 s5, $0x9;
	(pc) =	sbr.rel .LBB2_1-.Ltmp0, $4  }
0x9: {  	s6 =	simm.s32 $0x2;
	s7 =	simm.s32 @!p0 $0x0;
	p0 =	sne.s32 s5, $0x8  }
0xa: {  	[sflag:s6] =	ssyncpa.u1 $0x0;
	s5 =	smul.u32 $0x1F40, s5;
	s9 =	simm.s32 @!p0 $0x0  }
0xb: {  	s8 =	sadd.s32 $0x5E000, s8;
	[sflag:s10] =	ssyncpa.u1 $0x0;
	s7 =	sadd.s32 s9, s7  }
0xc: {  	vm0 =	vmmov $0xffff;
	s10 =	simm.s32 $0x0;
	s11 =	smov.u32 s5;
	s9 =	sadd.s32 $0x1, s7  }
.LBB2_4:
0xd: {  	v2 =	vnsel vm1, $0x0, v2  }
0xe: {  	vm1 =	vgt.s32 v0, $0x0;
	v2 =	vmin.u32 v2, $0x4E1FF  }
0xf: {  	v0 =	vnsel vm1, $0x0, v0  }
0x10: {  	v0 =	vmin.u32 v0, $0x4E1FF  }
0x11: {  	[tilespmem:s18], [sflag:$0x1] =	stream.indirect_vreg.gather [hbm4b:s2+s10], $0x1, v1, vm0, $0x4038;
	[tilespmem:$0x7D00] =	vst v63  }
0x12: {  	(ifvalue) =	ssetifvalue $0x7FFFFFFF  }
0x13: {  	[tilespmem:s15], [sflag:$0x1] =	stream.indirect_vreg.gather [hbm4b:s2+s10], $0x1, v2, vm0, $0x4038;
	[tilespmem:$0x7D00] =	vst v63  }
0x14: {  	s29 =	sadd.s32 $0x10, s15;
	(ifvalue) =	ssetifvalue $0x7FFFFFFF  }
0x15: {  	[tilespmem:s29], [sflag:$0x1] =	stream.indirect_vreg.gather [hbm4b:s2+s10], $0x1, v0, vm0, $0x4038;
	[tilespmem:$0x7D00] =	vst v63  }
0x16: {  	_ =	swait.ge [sflag:s4], $0x1F40  }
0x17: {  	s30 =	sshrl.u32 s13, $0x3;
	[sflag:s4] =	ssyncset.done $0x0  }
0x18: {  	s31 =	sand.u32 $0x7, s13;
	s15 =	sadd.s32 s8, s30;
	[sflag:s4] =	ssyncadd.s32 $0xFFFFE0C0  }
0x19: {  	[hbm4b:s15+s31] =	stream.linear.scatter [tilespmem:s14], [sflag:$0x3], $0x1F40, $0x38;
	[tilespmem:$0x7D00] =	vst v63  }
.LBB2_5:
0x1a: {  	s15 =	sadd.s32 $0x3E800, s11  }
0x1b: {  	p1 =	sgt.s32 s15, $0x4E1FF  }
0x1c: {  	s15 =	smov.u32 @p1 s5;
	p1 =	sne.s32 s12, s9  }
.Ltmp1:
0x1d: {  	p0 =	slt.u32 s12, $0x2;
	(pc) =	sbr.rel @!p1 .LBB2_6-.Ltmp1, $4  }
0x1e: {  	s14 =	simm.s32 @!p0 $0x3  }
0x1f: {  	_ =	swait.ge @!p0 [sflag:s14], $0x1F40  }
0x20: {  	s16 =	sadd.s32 $0x1, s12;
	s13 =	smov.u32 s11;
	[sflag:s14] =	ssyncset.done @!p0 $0x0  }
0x21: {  	s12 =	smov.u32 s16;
	s11 =	smov.u32 s15;
	[sflag:s14] =	ssyncadd.s32 @!p0 $0xFFFFE0C0  }
.LBB2_1:
0x22: {  	p0 =	sge.u32 s12, s7  }
0x23: {  	s14 =	sxor.u32 @!p0 $0x1, s12  }
0x24: {  	s14 =	smul.u32 @!p0 $0x7D00, s14  }
0x25: {  	s31 =	sadd.s32 $0xFFFFFFFF, s12;
	s15 =	sshrl.u32 @!p0 s11, $0x3  }
0x26: {  	s16 =	sand.u32 @!p0 $0x7, s11;
	s15 =	sadd.s32 @!p0 s3, s15;
	s14 =	sshra.s32 @!p0 s14, $0x2  }
0x27: {  	[tilespmem:s14], [sflag:$0x2] =	stream.linear.gather @!p0 [hbm4b:s15+s16], $0x1F40, $0x38;
	[tilespmem:$0x7D00] =	vst v63  }
0x28: {  	p0 =	sge.u32 s31, s7  }
.Ltmp2:
0x29: {  	_ = 	snop;
	(pc) =	sbr.rel @p0 .LBB2_5-.Ltmp2, $1  }
0x2a: {  	_ =	sdelay $0x3  }
0x2b: {  	s14 =	sand.u32 $0x1, s12  }
0x2c: {  	_ =	swait.ge [sflag:s6], $0x1F40;
	p0 =	seq.s32 s14, $0x1;
	s14 =	simm.s32 $0x1F40  }
0x2d: {  	[sflag:s6] =	ssyncset.done $0x0;
	s14 =	simm.s32 @!p0 $0x0  }
0x2e: {  	[sflag:s6] =	ssyncadd.s32 $0xFFFFE0C0;
	(ifvalue) =	ssetifvalue $0x7FFFFFFF;
	v0 =	vld.msk [tilespmem:s14+$0x0 ss:$0x1], $0xffff;
	_ =	sdelay $0x4  }
0x2f: {  	s15 =	sadd.s32 $0x10, s14;
	vm1 =	vgt.s32 v0, $0x0  }
0x30: {  	v2 =	vld.msk [tilespmem:s15+$0x0 ss:$0x1], $0xffff;
	v1 =	vnsel vm1, $0x0, v0  }
0x31: {  	v1 =	vmin.u32 v1, $0x4E1FF;
	_ =	sdelay $0x2  }
0x32: {  	s17 =	simm.s32 $0x20;
	s14 =	sadd.s32 $0x3E80, s14;
	s16 =	sadd.s32 $0x10, s15  }
0x33: {  	s15 =	sadd.s32 $0x10, s14;
	s18 =	smov.u32 s14;
	v0 =	vld.msk [tilespmem:s16+$0x0 ss:$0x1], $0xffff;
	vm1 =	vgt.s32 v2, $0x0;
	(ifvalue) =	ssetifvalue $0x7FFFFFFF  }
.LBB2_3:
0x34: {  	[tilespmem:s18], [sflag:$0x1] =	stream.indirect_vreg.gather [hbm4b:s2+s10], $0x1, v1, vm0, $0x4038;
	[tilespmem:$0x7D00] =	vst v63  }
0x35: {  	s17 =	sadd.s32 $0x10, s17  }
0x36: {  	v2 =	vnsel vm1, $0x0, v2;
	p0 =	slt.u32 s17, $0x1F30  }
.Ltmp3:
0x37: {  	s18 =	smov.u32 s15;
	v1 =	vmin.u32 v2, $0x4E1FF;
	(pc) =	sbr.rel @p0 .LBB2_3-.Ltmp3, $3  }
0x38: {  	_ =	sdelay $0x1  }
0x39: {  	s16 =	sadd.s32 $0x10, s16  }
0x3a: {  	vm1 =	vgt.s32 v0, $0x0;
	s15 =	sadd.s32 $0x10, s15;
	v2 =	vmov v0;
	(ifvalue) =	ssetifvalue $0x7FFFFFFF;
	v0 =	vld.msk [tilespmem:s16+$0x0 ss:$0x1], $0xffff  }
.Ltmp4:
0x3b: {  	_ = 	snop;
	(pc) =	sbr.rel .LBB2_4-.Ltmp4, $1  }
0x3c: {  	_ =	sdelay $0x3  }
.LBB2_6:
0x3d: {  	_ =	sfence.sel $0x180000  }
0x3e: {  	s2 =	simm.s32 $0x2;
	[bflag:$0x0] =	sbarrier.arrive $0xFFFF  }
0x3f: {  	s30 =	simm.s32 $0x3;
	[sflag:s2] =	ssyncpa.u1 $0x1  }
0x40: {  	s31 =	simm.s32 $0x1;
	[sflag:s30] =	ssyncpa.u1 $0x1  }
0x41: {  	[sflag:s31] =	ssyncpa.u1 $0x1  }
0x42: {  	p0 =	sne.s32 s1, $0x0;
	_ =	strace $0x90000053  }
0x43: {  	s0 =	sadd.s32 @!p0 $0x100000, s0;
	[bflag:$0x2] =	sbarrier.arrive $0xFFFF  }
0x44: {  	[sflag:s0] =	ssyncadd.tile.s32 @!p0 $0x1;
	_ =	shalt  }
.Lfunc_end2:
_tile_overlayer_lowered:
.L_overlay_start_2:
0x45: {  	(tag) =	ssettag $0x2  }
0x46: {  	s0 =	rddreg [dreg:$0x0];
	s2 =	stileid.u32  }
0x47: {  	s1 =	rddreg [dreg:$0x1];
	p0 =	sne.s32 s2, $0x0  }
0x48: {  	s3 =	rddreg [dreg:$0x2];
	[bflag:$0x3] =	sbarrier.arrive $0xFFFF;
	s2 =	simm.s32 @!p0 $0x1C01  }
0x49: {  	[timem:s3], [sflag:s2] =	dma.local @!p0 [hbm:s0], s1  }
0x4a: {  	s0 =	simm.s32 @!p0 $0x1  }
0x4b: {  	_ =	swait.ge @!p0 [sflag:s0], s1  }
0x4c: {  	s1 =	ssub.s32 @!p0 $0x0, s1;
	[sflag:s0] =	ssyncset.done @!p0 $0x0  }
0x4d: {  	[sflag:s0] =	ssyncadd.s32 @!p0 s1  }
0x4e: {  	[bflag:$0x3] =	sbarrier.arrive $0xFFFF  }
0x4f: {  	_ =	shalt  }

// kernel: kernel.11.cloned.1.call-start
scs
__scs_entry_jumppad:
0x0: {  	(pc) =	sbr.rel $0x88, $3  }
0x1: {  	(tag) =	ssettag $0x0;
	lr =	simm.s32 $0x1  }
0x2: {  	[smem:$0x3F94] =	sst lr;
	_ =	strace $0xD0000000  }
0x3: {  	_ = 	snop  }
0x4: {  	_ = 	snop  }
0x5: {  	_ = 	snop  }
0x6: {  	_ = 	snop  }
0x7: {  	_ = 	snop  }
__scs_overlays_trampoline_lowered:
0x8: {  	[smem:$0x3FA3] =	sst s0  }
0x9: {  	[smem:$0x3FA4] =	sst s1  }
0xa: {  	[smem:$0x3FA5] =	sst s2  }
0xb: {  	[smem:$0x3FA6] =	sst s3  }
0xc: {  	[smem:$0x3FA7] =	sst s4  }
0xd: {  	[smem:$0x3FA8] =	sst s5  }
0xe: {  	[smem:$0x3FA9] =	sst s6  }
0xf: {  	[smem:$0x3FAA] =	sst s7  }
0x10: {  	[smem:$0x3FAB] =	sst s8  }
0x11: {  	[smem:$0x3FAC] =	sst s9;
	s0 =	simm.s32 @!p0 $0x0  }
0x12: {  	s1 =	sld [smem:$0x3F92];
	s0 =	simm.s32 @p0 $0x1  }
0x13: {  	[smem:$0x3FAD] =	sst s0;
	s0 =	simm.s32 @!p1 $0x0  }
0x14: {  	s2 =	sld [smem:$0x3F91];
	s0 =	simm.s32 @p1 $0x1  }
0x15: {  	[smem:$0x3FAE] =	sst s0;
	s0 =	simm.s32 @!p2 $0x0  }
0x16: {  	s3 =	sld [smem:$0x3FDB];
	s0 =	simm.s32 @p2 $0x1  }
0x17: {  	s4 =	simm.s32 $0x1BF5;
	[smem:$0x3FB0] =	sst s0  }
0x18: {  	s0 =	sld [smem:$0x3F93];
	_ =	swait.ge [sflag:s4], $0x0  }
0x19: {  	s7 =	sld [smem:$0x3F94]  }
0x1a: {  	s8 =	sadd.s32 $0xFFFFE003, lr  }
0x1b: {  	s9 =	sadd.s32 $0xFFFFFEF7, lr;
	s5 =	simm.s32 $0xFFFFFFFF;
	p2 =	slt.u32 s8, $0xFFFFF086  }
0x1c: {  	p1 =	slt.u32 s9, $0xF7A;
	s5 =	simm.s32 @!p2 $0x0  }
0x1d: {  	s5 =	simm.s32 @p1 $0x1;
	p0 =	seq.s32 s7, s2  }
0x1e: {  	s7 =	smul.u32 @!p0 $0xF7A, s2;
	p2 =	seq.s32 @!p0 s5, $0x0  }
0x1f: {  	s9 =	smul.u32 $0xF7A, s1;
	s8 =	simm.s32 @!p0 $0x1BF5;
	p2 =	por !p2, p0  }
0x20: {  	[sflag:s8] =	ssyncset.s32 @!p0 $0xFFFFF086;
	s6 =	sadd.s32 @!p0 s3, s7;
	s7 =	simm.s32 @!p0 $0x108  }
0x21: {  	s3 =	sadd.s32 s3, s9;
	s6 =	sadd.s32 @!p0 $0x88, s6;
	s7 =	simm.s32 @p2 $0x1082  }
0x22: {  	[simem:s7], [sflag:s8] =	dma.local @!p0 [hbm:s6], $0xF7A  }
0x23: {  	s9 =	sor.u32 $0xD0000000, s2;
	s6 =	simm.s32 $0x108;
	_ =	swait.ge @!p0 [sflag:s8], $0x0  }
0x24: {  	s3 =	sadd.s32 $0x88, s3;
	s6 =	simm.s32 @!p1 $0x1082;
	[sflag:s4] =	ssyncset.s32 $0xFFFFF086  }
0x25: {  	[simem:s6], [sflag:s4] =	dma.local [hbm:s3], $0xF7A  }
0x26: {  	[smem:$0x3F94] =	sst s1;
	(tag) =	ssettag s2;
	_ =	strace s9  }
0x27: {  	s1 =	sld [smem:$0x3FA4]  }
0x28: {  	s2 =	sld [smem:$0x3FA5]  }
0x29: {  	s4 =	sld [smem:$0x3FA7]  }
0x2a: {  	p0 =	seq.s32 s5, $0x0;
	s5 =	sld [smem:$0x3FA8]  }
0x2b: {  	s6 =	sld [smem:$0x3FA9]  }
0x2c: {  	s7 =	sld [smem:$0x3FAA]  }
0x2d: {  	s3 =	simm.s32 $0x108;
	s8 =	sld [smem:$0x3FAB]  }
0x2e: {  	s3 =	simm.s32 @!p0 $0x1082;
	s9 =	sld [smem:$0x3FAC]  }
0x2f: {  	lr =	sadd.s32 s0, s3;
	s0 =	sld [smem:$0x3FA3]  }
0x30: {  	s3 =	sld [smem:$0x3FA6]  }
0x31: {  	[smem:$0x3FAF] =	sst s10  }
0x32: {  	s10 =	sld [smem:$0x3FAD];
	_ =	sdelay $0x3  }
0x33: {  	p0 =	seq.s32 s10, $0x1;
	s10 =	sld [smem:$0x3FAF];
	_ =	sdelay $0x3  }
0x34: {  	[smem:$0x3FAF] =	sst s10  }
0x35: {  	s10 =	sld [smem:$0x3FAE];
	_ =	sdelay $0x3  }
0x36: {  	p1 =	seq.s32 s10, $0x1;
	s10 =	sld [smem:$0x3FAF];
	_ =	sdelay $0x3  }
0x37: {  	[smem:$0x3FAF] =	sst s10  }
0x38: {  	s10 =	sld [smem:$0x3FB0]  }
0x39: {  	_ = 	snop;
	(pc) =	sbr.ind lr, $3  }
0x3a: {  	_ = 	snop  }
0x3b: {  	_ = 	snop  }
0x3c: {  	p2 =	seq.s32 s10, $0x1;
	s10 =	sld [smem:$0x3FAF]  }
0x3d: {  	_ =	shalt  }
0x3e: {  	_ =	shalt  }
0x3f: {  	_ =	shalt  }
0x40: {  	_ =	shalt  }
0x41: {  	_ =	shalt  }
0x42: {  	_ =	shalt  }
0x43: {  	_ =	shalt  }
0x44: {  	_ =	shalt  }
0x45: {  	_ =	shalt  }
0x46: {  	_ =	shalt  }
0x47: {  	_ =	shalt  }
0x48: {  	_ =	shalt  }
0x49: {  	_ =	shalt  }
0x4a: {  	_ =	shalt  }
0x4b: {  	_ =	shalt  }
0x4c: {  	_ =	shalt  }
0x4d: {  	_ =	shalt  }
0x4e: {  	_ =	shalt  }
0x4f: {  	_ =	shalt  }
0x50: {  	_ =	shalt  }
0x51: {  	_ =	shalt  }
0x52: {  	_ =	shalt  }
0x53: {  	_ =	shalt  }
0x54: {  	_ =	shalt  }
0x55: {  	_ =	shalt  }
0x56: {  	_ =	shalt  }
0x57: {  	_ =	shalt  }
0x58: {  	_ =	shalt  }
0x59: {  	_ =	shalt  }
0x5a: {  	_ =	shalt  }
0x5b: {  	_ =	shalt  }
0x5c: {  	_ =	shalt  }
0x5d: {  	_ =	shalt  }
0x5e: {  	_ =	shalt  }
0x5f: {  	_ =	shalt  }
0x60: {  	_ =	shalt  }
0x61: {  	_ =	shalt  }
0x62: {  	_ =	shalt  }
0x63: {  	_ =	shalt  }
0x64: {  	_ =	shalt  }
0x65: {  	_ =	shalt  }
0x66: {  	_ =	shalt  }
0x67: {  	_ =	shalt  }
0x68: {  	_ =	shalt  }
0x69: {  	_ =	shalt  }
0x6a: {  	_ =	shalt  }
0x6b: {  	_ =	shalt  }
0x6c: {  	_ =	shalt  }
0x6d: {  	_ =	shalt  }
0x6e: {  	_ =	shalt  }
0x6f: {  	_ =	shalt  }
0x70: {  	_ =	shalt  }
0x71: {  	_ =	shalt  }
0x72: {  	_ =	shalt  }
0x73: {  	_ =	shalt  }
0x74: {  	_ =	shalt  }
0x75: {  	_ =	shalt  }
0x76: {  	_ =	shalt  }
0x77: {  	_ =	shalt  }
0x78: {  	_ =	shalt  }
0x79: {  	_ =	shalt  }
0x7a: {  	_ =	shalt  }
0x7b: {  	_ =	shalt  }
0x7c: {  	_ =	shalt  }
0x7d: {  	_ =	shalt  }
0x7e: {  	_ =	shalt  }
0x7f: {  	_ =	shalt  }
0x80: {  	_ =	shalt  }
0x81: {  	_ =	shalt  }
0x82: {  	_ =	shalt  }
0x83: {  	_ =	shalt  }
0x84: {  	_ =	shalt  }
0x85: {  	_ =	shalt  }
0x86: {  	_ =	shalt  }
0x87: {  	_ =	shalt  }
.Lfunc_end0:
.L_simem_size_0:
called_computation.4_lowered:
.L_overlay_start_0:
0x88: {  	s2 =	sld [smem:$0x3FD9]  }
0x89: {  	s3 =	sld [smem:$0x3FFE];
	_ =	sdelay $0x1  }
0x8a: {  	s1 =	srdreg.scid  }
0x8b: {  	s0 =	sand.u32 $0x1, s1  }
0x8c: {  	s15 =	sshll.u32 s0, $0xA;
	s2 =	sadd.s32 s3, s2  }
0x8d: {  	s2 =	sadd.s32 s2, s15  }
0x8e: {  	[smem:$0x3FBB] =	sst s2  }
0x8f: {  	_ = 	snop  }
0x90: {  	s2 =	sld [smem:$0x3FD0];
	_ =	sdelay $0x2  }
0x91: {  	s16 =	simm.s32 $0xC;
	s4 =	simm.s32 $0x10  }
0x92: {  	[smem:s4], [sflag:s16] =	dma.local [hbm:s2], $0x1  }
0x93: {  	_ =	swait.eq [sflag:s16], $0x1  }
0x94: {  	[sflag:s16] =	ssyncset.done $0x0  }
0x95: {  	[sflag:s16] =	ssyncadd.s32 $0xFFFFFFFF  }
0x96: {  	s17 =	sld [smem:$0x11];
	(tm) =	ssettm $0x1  }
0x97: {  	s18 =	sld [smem:$0x3FFB];
	_ =	sdelay $0x3  }
0x98: {  	_ =	strace s18  }
0x99: {  	s2 =	sld [smem:$0x3FFC];
	_ =	sdelay $0x3  }
0x9a: {  	_ =	strace s2  }
0x9b: {  	s2 =	sld [smem:$0x3FFD];
	_ =	sdelay $0x3  }
0x9c: {  	_ =	strace s2  }
0x9d: {  	_ =	strace $0x8FFFFFFF  }
0x9e: {  	s19 =	sld [smem:$0x3FDB];
	_ =	sdelay $0x1  }
0x9f: {  	s20 =	simm.s32 $_scs_section_size  }
0xa0: {  	s5 =	simm.s32 $_size__tile_overlayer_lowered;
	s6 =	simm.s32 $_tile_overlayer_lowered  }
0xa1: {  	s7 =	simm.s32 $0x1BFF;
	s21 =	sshll.u32 s6, $0x1;
	s4 =	sadd.s32 s20, s19  }
0xa2: {  	s22 =	simm.s32 $0x0;
	s5 =	sshll.u32 s5, $0x1;
	s6 =	sadd.s32 s21, s4  }
0xa3: {  	[timem:s22], [sflag:s7] =	dma.local [hbm:s6], s5  }
0xa4: {  	_ =	swait.ge [sflag:s7], s5  }
0xa5: {  	s5 =	ssub.s32 $0x0, s5;
	[sflag:s7] =	ssyncset.done $0x0  }
0xa6: {  	[sflag:s7] =	ssyncadd.s32 s5;
	_ =	sdelay $0x1  }
0xa7: {  	s23 =	simm.s32 $0x1B8B  }
0xa8: {  	_ =	swait.ge [sflag:s23], $0x1  }
0xa9: {  	[sflag:s23] =	ssyncset.done $0x0  }
0xaa: {  	[sflag:s23] =	ssyncadd.s32 $0xFFFFFFFF  }
0xab: {  	s5 =	sld [smem:$0x0]  }
0xac: {  	s6 =	sand.u32 $0xFFFFFFFE, s1  }
0xad: {  	p0 =	sne.s32 s1, s6  }
0xae: {  	s6 =	sshll.u32 @p0 s6, $0xE  }
0xaf: {  	s6 =	sadd.s32 @p0 $0x11B8D, s6;
	s7 =	sshll.u32 @p0 s5, $0x11  }
0xb0: {  	s6 =	sor.u32 @p0 s7, s6  }
0xb1: {  	[sflag:s6] =	ssyncadd.remote.s32 @p0 $0x1;
	_ =	sdelay $0x1  }
0xb2: {  	s6 =	simm.s32 @p0 $0x1B8D  }
0xb3: {  	_ =	swait.eq @p0 [sflag:s6], $0x1  }
0xb4: {  	[sflag:s6] =	ssyncadd.s32 @p0 $0xFFFFFFFF  }
0xb5: {  	s7 =	sshll.u32 @!p0 s1, $0xE  }
0xb6: {  	s7 =	sor.u32 @!p0 $0x4000, s7;
	s6 =	simm.s32 @!p0 $0x1B8D  }
0xb7: {  	s5 =	sshll.u32 @!p0 s5, $0x11;
	s7 =	sadd.s32 @!p0 $0x11B8D, s7;
	_ =	swait.eq @!p0 [sflag:s6], $0x1  }
0xb8: {  	s5 =	sor.u32 @!p0 s5, s7;
	[sflag:s6] =	ssyncadd.s32 @!p0 $0xFFFFFFFF  }
0xb9: {  	s25 =	simm.s32 $0x1B8E;
	s24 =	sld [smem:$0x3FFE];
	[sflag:s5] =	ssyncadd.remote.s32 @!p0 $0x1  }
0xba: {  	s26 =	simm.s32 $execute0_lowered;
	[smem:$0x3FD2] =	sst s25  }
0xbb: {  	s6 =	sshll.u32 s26, $0x1;
	_ =	strace $0x8000004C;
	[dreg:$0x1] =	wrdreg $0xFFFFFFFF  }
0xbc: {  	s28 =	simm.s32 $_size_execute0_lowered;
	s4 =	sadd.s32 s4, s6;
	[dreg:$0x0] =	wrdreg $0x0  }
0xbd: {  	s6 =	sshll.u32 s28, $0x1;
	[dreg:$0x2] =	wrdreg s4  }
0xbe: {  	[dreg:$0x3] =	wrdreg s6  }
0xbf: {  	[dreg:$0x4] =	wrdreg $0xC0  }
0xc0: {  	_ =	task [dreg:s22], $0x5FFFF  }
0xc1: {  	[dreg:$0x1] =	wrdreg $0xFFFFFFFF  }
0xc2: {  	[dreg:$0x0] =	wrdreg $0x60  }
0xc3: {  	[dreg:$0x2] =	wrdreg s17  }
0xc4: {  	[dreg:$0x3] =	wrdreg s24  }
0xc5: {  	[dreg:$0x4] =	wrdreg $0x9  }
0xc6: {  	_ =	task.clear_ibuf [dreg:s22], $0x5FFFF;
	_ =	strace $0x9000004C  }
0xc7: {  	s29 =	simm.s32 $0x9;
	_ =	strace $0x8000004E  }
0xc8: {  	_ =	swait.ge [sflag:s29], $0x1  }
0xc9: {  	[sflag:s29] =	ssyncadd.s32 $0xFFFFFFFF  }
0xca: {  	_ =	strace $0x9000004E  }
0xcb: {  	_ =	sfence  }
0xcc: {  	s30 =	sld [smem:$0x0];
	_ =	sdelay $0x2  }
0xcd: {  	s31 =	sshll.u32 s1, $0xD;
	s1 =	sshrl.u32 s1, $0x2  }
0xce: {  	s4 =	sand.u32 $0x4000, s31;
	s1 =	sadd.s32 s1, s30  }
0xcf: {  	s0 =	sor.u32 s4, s0;
	s1 =	sshll.u32 s1, $0x11  }
0xd0: {  	s0 =	sor.u32 s1, s0  }
0xd1: {  	s0 =	sadd.s32 $0x8F2B, s0  }
0xd2: {  	[sflag:s0] =	ssyncadd.remote.s32 $0x1  }
0xd3: {  	_ =	sfence.sel $0xFFFF  }
0xd4: {  	[dreg:$0x0] =	wrdreg $0xFFFFFFFF;
	(pc) =	sbr.abs _section_cstart, $3  }
0xd5: {  	[dreg:$0x1] =	wrdreg $0xFFFFFFFF  }
0xd6: {  	_ =	task.clear_ibuf [dreg:s22], $0x2FFFF;
	_ =	strace $0x9FFFFFFF  }
0xd7: {  	(tm) =	ssettm $0x7FFFFFFF  }
tec
execute0_lowered:
.L_overlay_start_1:
0x0: {  	(tag) =	ssettag $0x1  }
0x1: {  	s1 =	rddreg [dreg:$0x0]  }
0x2: {  	s0 =	rddreg [dreg:$0x1];
	s3 =	simm.s32 $0x0;
	s4 =	srdreg.scid  }
0x3: {  	s2 =	stileid.u32;
	s14 =	simm.s32 $0x2;
	s15 =	simm.s32 $0x1  }
0x4: {  	s16 =	simm.s32 $0x2800;
	s17 =	simm.s32 $0x200;
	s18 =	simm.s32 $0x2A00  }
0x5: {  	s19 =	simm.s32 $0x4A00;
	s21 =	simm.s32 $0x0;
	[smem:$0x7FF] =	sst s3  }
0x6: {  	s7 =	sand.u32 $0x1, s4;
	s5 =	sshll.u32 s2, $0x1;
	s4 =	sadd.s32 $0x54200, s0  }
0x7: {  	s6 =	sadd.s32 $0x36800, s0;
	s8 =	sadd.s32 $0x4A400, s0;
	s5 =	sor.u32 s7, s5  }
0x8: {  	s31 =	sadd.s32 $0x4200, s0;
	s11 =	ssub.s32 $0x2, s7;
	s10 =	smul.u32 $0x280, s5  }
0x9: {  	_ =	strace $0x8000004D;
	s7 =	sadd.s32 $0x2CA00, s0;
	s12 =	sshrl.u32 s11, $0x1  }
0xa: {  	[dreg:$0x3] =	wrdreg s31;
	s12 =	ssub.s32 s11, s12;
	s0 =	sadd.s32 s10, s0  }
0xb: {  	v0 =	vimm.f32 $0.0e+00;
	s10 =	smul.u32 $0xFFFFFEC0, s5;
	s12 =	smax.u32 s12, $0x1;
	s11 =	sadd.s32 $0x71C00, s0  }
.LBB2_1:
0xc: {  	s0 =	rddreg [dreg:$0x3];
	s2 =	simm.s32 $0x4C10  }
0xd: {  	[tilespmem:s2], [sflag:$0x2] =	stream.linear.gather [hbm4b:s0+s3], $0x58, $0x38;
	[tilespmem:$0x6068] =	vst v63  }
0xe: {  	_ =	swait.ge [sflag:s14], $0x58  }
0xf: {  	[sflag:s14] =	ssyncset.done $0x0  }
0x10: {  	[sflag:s14] =	ssyncadd.s32 $0xFFFFFFA8  }
0x11: {  	s22 =	simm.s32 $0x40;
	s0 =	simm.s32 $0x0;
	v1 =	vld [tilespmem:s5+$0x4C10]  }
.LBB2_2:
0x12: {  	p0 =	sne.s32 s22, $0x4FC0;
	[tilespmem:s0+$0x0] =	vst v0;
	s0 =	smov.u32 s22;
	s22 =	sadd.s32 $0x40, s22  }
.Ltmp0:
0x13: {  	(pc) =	sbr.rel @p0 .LBB2_2-.Ltmp0, $2  }
0x14: {  	_ =	sdelay $0x2  }
0x15: {  	s0 =	sshra.s32 s0, $0x2  }
0x16: {  	(v2sf) =	vpush v1, $0x0;
	_ =	sdelay $0x6  }
0x17: {  	(v2sf) =	vpush v1, $0x1;
	_ =	sdelay $0x7  }
0x18: {  	s22 =	spop (v2sf)  }
0x19: {  	s23 =	sand.u32 $0x7, s22  }
0x1a: {  	s24 =	sshra.s32 s22, $0x1F;
	p0 =	slt.s32 s22, $0x1;
	p1 =	sne.s32 s23, $0x0  }
0x1b: {  	s30 =	sshrl.u32 s24, $0x1D;
	p0 =	por !p0, !p1  }
0x1c: {  	s24 =	simm.s32 $0x1;
	s23 =	sadd.s32 s30, s22;
	p0 =	por !p0, !p0  }
0x1d: {  	s23 =	sshrl.u32 s23, $0x3;
	s24 =	simm.s32 @!p0 $0x0  }
0x1e: {  	s24 =	ssub.s32 s23, s24  }
0x1f: {  	s23 =	spop (v2sf);
	s24 =	sshll.u32 s24, $0x3  }
0x20: {  	s25 =	ssub.s32 s23, s24  }
0x21: {  	s25 =	sadd.s32 $0x1FF, s25  }
0x22: {  	s26 =	sand.u32 $0x1FF, s25  }
0x23: {  	s31 =	sshra.s32 s25, $0x1F;
	p6 =	slt.s32 s25, $0x1;
	p5 =	sne.s32 s26, $0x0  }
0x24: {  	s26 =	sshrl.u32 s31, $0x17;
	p0 =	por !p6, !p5  }
0x25: {  	s25 =	sadd.s32 s26, s25;
	s26 =	simm.s32 $0x1;
	p0 =	por !p0, !p0  }
0x26: {  	s25 =	sshra.s32 s25, $0x9;
	s26 =	simm.s32 @!p0 $0x0  }
0x27: {  	s25 =	ssub.s32 s25, s26  }
0x28: {  	p0 =	slt.s32 s25, $0x1  }
.Ltmp1:
0x29: {  	_ = 	snop;
	(pc) =	sbr.rel @p0 .LBB2_9-.Ltmp1, $2  }
0x2a: {  	_ =	sdelay $0x2  }
0x2b: {  	[tilespmem:s0+$0x0] =	vst v0  }
.Ltmp2:
0x2c: {  	(pc) =	sbr.rel .LBB2_5-.Ltmp2, $2  }
0x2d: {  	_ =	sdelay $0x2  }
0x2e: {  	s26 =	ssub.s32 s22, s24;
	s28 =	simm.s32 $0x0  }
.LBB2_8:
0x2f: {  	s28 =	sadd.s32 $0x1, s28  }
0x30: {  	p0 =	sne.s32 s28, s25  }
.Ltmp3:
0x31: {  	_ = 	snop;
	(pc) =	sbr.rel @!p0 .LBB2_9-.Ltmp3, $2  }
0x32: {  	_ =	sdelay $0x2  }
0x33: {  	s26 =	sadd.s32 $0xFFFFFE00, s26  }
.LBB2_5:
0x34: {  	s0 =	sshll.u32 s28, $0x9  }
0x35: {  	s29 =	sadd.s32 s24, s0  }
0x36: {  	s0 =	sshrl.u32 s29, $0x3  }
0x37: {  	s30 =	sadd.s32 s4, s0  }
0x38: {  	[tilespmem:s16], [sflag:$0x2] =	stream.linear.gather [hbm4b:s30+s3], $0x200, $0x38;
	[tilespmem:$0x6068] =	vst v63  }
0x39: {  	_ =	swait.ge [sflag:s14], $0x200  }
0x3a: {  	[sflag:s14] =	ssyncset.done $0x0  }
0x3b: {  	[sflag:s14] =	ssyncadd.s32 $0xFFFFFE00  }
0x3c: {  	[tilespmem:s18], [sflag:$0x1] =	stream.indirect.gather [hbm4b:s1+s17], $0x10, s16, s17, $0xb8;
	[tilespmem:$0x6068] =	vst v63  }
0x3d: {  	_ =	swait.ge [sflag:s15], $0x2000  }
0x3e: {  	[sflag:s15] =	ssyncset.done $0x0  }
0x3f: {  	s0 =	sadd.s32 s6, s0;
	[sflag:s15] =	ssyncadd.s32 $0xFFFFE000  }
0x40: {  	[tilespmem:s19], [sflag:$0x2] =	stream.linear.gather [hbm4b:s0+s3], $0x200, $0x38;
	[tilespmem:$0x6068] =	vst v63  }
0x41: {  	s0 =	ssub.s32 s22, s29;
	s29 =	ssub.s32 s23, s29  }
0x42: {  	p0 =	sgt.s32 s0, $0x0;
	p1 =	slt.s32 s29, $0x200  }
0x43: {  	s0 =	simm.s32 @!p0 $0x0;
	s29 =	simm.s32 @!p1 $0x200  }
0x44: {  	p0 =	sge.s32 s0, s29  }
.Ltmp4:
0x45: {  	_ = 	snop;
	(pc) =	sbr.rel @p0 .LBB2_8-.Ltmp4, $4  }
0x46: {  	_ = 	snop  }
0x47: {  	_ =	swait.ge [sflag:s14], $0x200  }
0x48: {  	[sflag:s14] =	ssyncset.done $0x0  }
0x49: {  	[sflag:s14] =	ssyncadd.s32 $0xFFFFFE00  }
0x4a: {  	p0 =	sgt.s32 s26, $0x0;
	s30 =	smov.u32 s26  }
0x4b: {  	s30 =	simm.s32 @!p0 $0x0  }
0x4c: {  	s31 =	sshll.u32 s30, $0x2  }
0x4d: {  	s31 =	sshra.s32 s31, $0x2  }
0x4e: {  	s2 =	sadd.s32 $0x4A00, s31  }
0x4f: {  	v1 =	vld [tilespmem:s2+$0x0];
	_ =	sdelay $0x4  }
0x50: {  	(v2sf) =	vpush v1, $0x0;
	_ =	sdelay $0xe  }
0x51: {  	s31 =	spop (v2sf)  }
0x52: {  	s13 =	smulhi.u32 $0x68DB8BAD, s31;
	s20 =	sshra.s32 s31, $0x1F  }
0x53: {  	s20 =	smul.u32 $0x68DB8BAD, s20;
	_ =	sdelay $0x1  }
0x54: {  	s13 =	sadd.s32 s20, s13  }
0x55: {  	s20 =	sshrl.u32 s13, $0x1F;
	s13 =	sshra.s32 s13, $0xC  }
0x56: {  	s13 =	sadd.s32 s20, s13  }
0x57: {  	s20 =	smul.u32 $0xFFFFD8F0, s13  }
0x58: {  	s9 =	ssub.s32 $0x0, s31  }
0x59: {  	p6 =	slt.s32 s31, $0x1;
	p1 =	sne.s32 s20, s9  }
0x5a: {  	p0 =	por !p6, !p1  }
0x5b: {  	s9 =	simm.s32 $0x1;
	p0 =	por !p0, !p0  }
0x5c: {  	s13 =	sadd.s32 s10, s13;
	s20 =	sshll.u32 s30, $0x6;
	s9 =	simm.s32 @!p0 $0x0  }
0x5d: {  	s20 =	sshra.s32 s20, $0x2;
	s9 =	ssub.s32 s13, s9  }
0x5e: {  	s30 =	sadd.s32 $0x2A00, s20;
	s9 =	sshll.u32 s9, $0x6  }
0x5f: {  	v1 =	vld [tilespmem:s30+$0x0];
	s9 =	sshra.s32 s9, $0x2  }
0x60: {  	s31 =	sadd.s32 $0x1, s0;
	v2 =	vld [tilespmem:s9+$0x0]  }
0x61: {  	p0 =	slt.s32 s31, s29  }
.Ltmp5:
0x62: {  	_ = 	snop;
	(pc) =	sbr.rel @!p0 .LBB2_8-.Ltmp5, $3  }
0x63: {  	_ =	sdelay $0x1  }
0x64: {  	v1 =	vmax.f32 v2, v1  }
0x65: {  	s0 =	sadd.s32 $0x1, s2;
	[tilespmem:s9+$0x0] =	vst v1  }
.LBB2_7:
0x66: {  	v1 =	vld [tilespmem:s0+$0x0];
	s31 =	sadd.s32 $0x1, s31  }
0x67: {  	p0 =	slt.s32 s31, s29;
	_ =	sdelay $0x3  }
0x68: {  	(v2sf) =	vpush v1, $0x0;
	_ =	sdelay $0xe  }
0x69: {  	s2 =	spop (v2sf)  }
0x6a: {  	s9 =	smulhi.u32 $0x68DB8BAD, s2;
	s13 =	sshra.s32 s2, $0x1F  }
0x6b: {  	s13 =	smul.u32 $0x68DB8BAD, s13;
	_ =	sdelay $0x1  }
0x6c: {  	s9 =	sadd.s32 s13, s9  }
0x6d: {  	s13 =	sshrl.u32 s9, $0x1F;
	s9 =	sshra.s32 s9, $0xC  }
0x6e: {  	s9 =	sadd.s32 s13, s9  }
0x6f: {  	s13 =	smul.u32 $0xFFFFD8F0, s9  }
0x70: {  	s20 =	ssub.s32 $0x0, s2  }
0x71: {  	p1 =	slt.s32 s2, $0x1;
	p2 =	sne.s32 s13, s20  }
0x72: {  	p1 =	por !p1, !p2  }
0x73: {  	s2 =	sadd.s32 s10, s9;
	s9 =	simm.s32 $0x1;
	p1 =	por !p1, !p1  }
0x74: {  	s9 =	simm.s32 @!p1 $0x0  }
0x75: {  	s2 =	ssub.s32 s2, s9  }
0x76: {  	s30 =	sadd.s32 $0x10, s30;
	s2 =	sshll.u32 s2, $0x6  }
0x77: {  	s2 =	sshra.s32 s2, $0x2;
	v1 =	vld [tilespmem:s30+$0x0]  }
0x78: {  	v2 =	vld [tilespmem:s2+$0x0];
	_ =	sdelay $0x1  }
.Ltmp6:
0x79: {  	(pc) =	sbr.rel @p0 .LBB2_7-.Ltmp6, $3  }
0x7a: {  	_ =	sdelay $0x1  }
0x7b: {  	v1 =	vmax.f32 v2, v1  }
0x7c: {  	s0 =	sadd.s32 $0x1, s0;
	[tilespmem:s2+$0x0] =	vst v1  }
.Ltmp7:
0x7d: {  	_ = 	snop;
	(pc) =	sbr.rel .LBB2_8-.Ltmp7, $1  }
0x7e: {  	_ =	sdelay $0x3  }
.LBB2_9:
0x7f: {  	v1 =	vld [tilespmem:s5+$0x4C34];
	s22 =	simm.s32 $0x40;
	s0 =	simm.s32 $0x0  }
.LBB2_10:
0x80: {  	p0 =	sne.s32 s22, $0x4FC0;
	[tilespmem:s0+$0x1400] =	vst v0;
	s0 =	smov.u32 s22;
	s22 =	sadd.s32 $0x40, s22  }
.Ltmp8:
0x81: {  	(pc) =	sbr.rel @p0 .LBB2_10-.Ltmp8, $2  }
0x82: {  	_ =	sdelay $0x2  }
0x83: {  	s0 =	sshra.s32 s0, $0x2  }
0x84: {  	(v2sf) =	vpush v1, $0x0;
	_ =	sdelay $0x6  }
0x85: {  	(v2sf) =	vpush v1, $0x1;
	_ =	sdelay $0x7  }
0x86: {  	s22 =	spop (v2sf)  }
0x87: {  	s2 =	sand.u32 $0x7, s22  }
0x88: {  	s9 =	sshra.s32 s22, $0x1F;
	p0 =	slt.s32 s22, $0x1;
	p1 =	sne.s32 s2, $0x0  }
0x89: {  	s29 =	sshrl.u32 s9, $0x1D;
	p0 =	por !p0, !p1  }
0x8a: {  	s9 =	simm.s32 $0x1;
	s2 =	sadd.s32 s29, s22;
	p0 =	por !p0, !p0  }
0x8b: {  	s2 =	sshrl.u32 s2, $0x3;
	s9 =	simm.s32 @!p0 $0x0  }
0x8c: {  	s2 =	ssub.s32 s2, s9  }
0x8d: {  	s23 =	spop (v2sf);
	s24 =	sshll.u32 s2, $0x3  }
0x8e: {  	s2 =	ssub.s32 s23, s24  }
0x8f: {  	s2 =	sadd.s32 $0x1FF, s2  }
0x90: {  	s30 =	sand.u32 $0x1FF, s2  }
0x91: {  	s31 =	sshra.s32 s2, $0x1F;
	p6 =	slt.s32 s2, $0x1;
	p5 =	sne.s32 s30, $0x0  }
0x92: {  	s9 =	sshrl.u32 s31, $0x17;
	p0 =	por !p6, !p5  }
0x93: {  	s2 =	sadd.s32 s9, s2;
	s9 =	simm.s32 $0x1;
	p0 =	por !p0, !p0  }
0x94: {  	s2 =	sshra.s32 s2, $0x9;
	s9 =	simm.s32 @!p0 $0x0  }
0x95: {  	s25 =	ssub.s32 s2, s9  }
0x96: {  	p0 =	slt.s32 s25, $0x1  }
.Ltmp9:
0x97: {  	_ = 	snop;
	(pc) =	sbr.rel @p0 .LBB2_17-.Ltmp9, $2  }
0x98: {  	_ =	sdelay $0x2  }
0x99: {  	[tilespmem:s0+$0x1400] =	vst v0  }
.Ltmp10:
0x9a: {  	(pc) =	sbr.rel .LBB2_13-.Ltmp10, $2  }
0x9b: {  	_ =	sdelay $0x2  }
0x9c: {  	s26 =	ssub.s32 s22, s24;
	s28 =	simm.s32 $0x0  }
.LBB2_16:
0x9d: {  	s28 =	sadd.s32 $0x1, s28  }
0x9e: {  	p0 =	sne.s32 s28, s25  }
.Ltmp11:
0x9f: {  	_ = 	snop;
	(pc) =	sbr.rel @!p0 .LBB2_17-.Ltmp11, $2  }
0xa0: {  	_ =	sdelay $0x2  }
0xa1: {  	s26 =	sadd.s32 $0xFFFFFE00, s26  }
.LBB2_13:
0xa2: {  	s0 =	sshll.u32 s28, $0x9  }
0xa3: {  	s2 =	sadd.s32 s24, s0  }
0xa4: {  	s0 =	sshrl.u32 s2, $0x3  }
0xa5: {  	s9 =	sadd.s32 s7, s0  }
0xa6: {  	[tilespmem:s16], [sflag:$0x2] =	stream.linear.gather [hbm4b:s9+s3], $0x200, $0x38;
	[tilespmem:$0x6068] =	vst v63  }
0xa7: {  	_ =	swait.ge [sflag:s14], $0x200  }
0xa8: {  	[sflag:s14] =	ssyncset.done $0x0  }
0xa9: {  	[sflag:s14] =	ssyncadd.s32 $0xFFFFFE00  }
0xaa: {  	[tilespmem:s18], [sflag:$0x1] =	stream.indirect.gather [hbm4b:s1+s17], $0x10, s16, s17, $0xb8;
	[tilespmem:$0x6068] =	vst v63  }
0xab: {  	_ =	swait.ge [sflag:s15], $0x2000  }
0xac: {  	[sflag:s15] =	ssyncset.done $0x0  }
0xad: {  	s0 =	sadd.s32 s8, s0;
	[sflag:s15] =	ssyncadd.s32 $0xFFFFE000  }
0xae: {  	[tilespmem:s19], [sflag:$0x2] =	stream.linear.gather [hbm4b:s0+s3], $0x200, $0x38;
	[tilespmem:$0x6068] =	vst v63  }
0xaf: {  	s29 =	ssub.s32 s23, s2;
	s0 =	ssub.s32 s22, s2  }
0xb0: {  	p1 =	slt.s32 s29, $0x200;
	p0 =	sgt.s32 s0, $0x0  }
0xb1: {  	s29 =	simm.s32 @!p1 $0x200;
	s0 =	simm.s32 @!p0 $0x0  }
0xb2: {  	p0 =	sge.s32 s0, s29  }
.Ltmp12:
0xb3: {  	_ = 	snop;
	(pc) =	sbr.rel @p0 .LBB2_16-.Ltmp12, $4  }
0xb4: {  	_ = 	snop  }
0xb5: {  	_ =	swait.ge [sflag:s14], $0x200  }
0xb6: {  	[sflag:s14] =	ssyncset.done $0x0  }
0xb7: {  	[sflag:s14] =	ssyncadd.s32 $0xFFFFFE00  }
0xb8: {  	p0 =	sgt.s32 s26, $0x0;
	s2 =	smov.u32 s26  }
0xb9: {  	s2 =	simm.s32 @!p0 $0x0  }
0xba: {  	s9 =	sshll.u32 s2, $0x2  }
0xbb: {  	s9 =	sshra.s32 s9, $0x2  }
0xbc: {  	s9 =	sadd.s32 $0x4A00, s9  }
0xbd: {  	v1 =	vld [tilespmem:s9+$0x0];
	_ =	sdelay $0x4  }
0xbe: {  	(v2sf) =	vpush v1, $0x0;
	_ =	sdelay $0xe  }
0xbf: {  	s13 =	spop (v2sf)  }
0xc0: {  	s20 =	smulhi.u32 $0x68DB8BAD, s13;
	s30 =	sshra.s32 s13, $0x1F  }
0xc1: {  	s30 =	smul.u32 $0x68DB8BAD, s30;
	_ =	sdelay $0x1  }
0xc2: {  	s20 =	sadd.s32 s30, s20  }
0xc3: {  	s30 =	sshrl.u32 s20, $0x1F;
	s20 =	sshra.s32 s20, $0xC  }
0xc4: {  	s20 =	sadd.s32 s30, s20  }
0xc5: {  	s30 =	smul.u32 $0xFFFFD8F0, s20  }
0xc6: {  	s31 =	ssub.s32 $0x0, s13  }
0xc7: {  	p6 =	slt.s32 s13, $0x1;
	p1 =	sne.s32 s30, s31  }
0xc8: {  	p0 =	por !p6, !p1  }
0xc9: {  	s13 =	simm.s32 $0x1;
	p0 =	por !p0, !p0  }
0xca: {  	s2 =	sshll.u32 s2, $0x6;
	s20 =	sadd.s32 s10, s20;
	s13 =	simm.s32 @!p0 $0x0  }
0xcb: {  	s2 =	sshra.s32 s2, $0x2;
	s13 =	ssub.s32 s20, s13  }
0xcc: {  	s30 =	sadd.s32 $0x2A00, s2;
	s20 =	sshll.u32 s13, $0x6  }
0xcd: {  	v1 =	vld [tilespmem:s30+$0x0];
	s2 =	sshra.s32 s20, $0x2  }
0xce: {  	s31 =	sadd.s32 $0x1, s0;
	v2 =	vld [tilespmem:s2+$0x1400]  }
0xcf: {  	p0 =	slt.s32 s31, s29  }
.Ltmp13:
0xd0: {  	_ = 	snop;
	(pc) =	sbr.rel @!p0 .LBB2_16-.Ltmp13, $3  }
0xd1: {  	_ =	sdelay $0x1  }
0xd2: {  	v1 =	vmax.f32 v2, v1  }
0xd3: {  	s0 =	sadd.s32 $0x1, s9;
	[tilespmem:s2+$0x1400] =	vst v1  }
.LBB2_15:
0xd4: {  	v1 =	vld [tilespmem:s0+$0x0];
	s31 =	sadd.s32 $0x1, s31  }
0xd5: {  	p0 =	slt.s32 s31, s29;
	_ =	sdelay $0x3  }
0xd6: {  	(v2sf) =	vpush v1, $0x0;
	_ =	sdelay $0xe  }
0xd7: {  	s2 =	spop (v2sf)  }
0xd8: {  	s9 =	smulhi.u32 $0x68DB8BAD, s2;
	s13 =	sshra.s32 s2, $0x1F  }
0xd9: {  	s13 =	smul.u32 $0x68DB8BAD, s13;
	_ =	sdelay $0x1  }
0xda: {  	s9 =	sadd.s32 s13, s9  }
0xdb: {  	s13 =	sshrl.u32 s9, $0x1F;
	s9 =	sshra.s32 s9, $0xC  }
0xdc: {  	s9 =	sadd.s32 s13, s9  }
0xdd: {  	s13 =	smul.u32 $0xFFFFD8F0, s9  }
0xde: {  	s20 =	ssub.s32 $0x0, s2  }
0xdf: {  	p1 =	slt.s32 s2, $0x1;
	p2 =	sne.s32 s13, s20  }
0xe0: {  	p1 =	por !p1, !p2  }
0xe1: {  	s2 =	sadd.s32 s10, s9;
	s9 =	simm.s32 $0x1;
	p1 =	por !p1, !p1  }
0xe2: {  	s9 =	simm.s32 @!p1 $0x0  }
0xe3: {  	s2 =	ssub.s32 s2, s9  }
0xe4: {  	s30 =	sadd.s32 $0x10, s30;
	s2 =	sshll.u32 s2, $0x6  }
0xe5: {  	s2 =	sshra.s32 s2, $0x2;
	v1 =	vld [tilespmem:s30+$0x0]  }
0xe6: {  	v2 =	vld [tilespmem:s2+$0x1400];
	_ =	sdelay $0x1  }
.Ltmp14:
0xe7: {  	(pc) =	sbr.rel @p0 .LBB2_15-.Ltmp14, $3  }
0xe8: {  	_ =	sdelay $0x1  }
0xe9: {  	v1 =	vmax.f32 v2, v1  }
0xea: {  	s0 =	sadd.s32 $0x1, s0;
	[tilespmem:s2+$0x1400] =	vst v1  }
.Ltmp15:
0xeb: {  	_ = 	snop;
	(pc) =	sbr.rel .LBB2_16-.Ltmp15, $1  }
0xec: {  	_ =	sdelay $0x3  }
.LBB2_17:
0xed: {  	s0 =	simm.s32 $0x0  }
0xee: {  	v1 =	vld [tilespmem:s0+$0x0]  }
0xef: {  	s22 =	simm.s32 $0x40;
	v2 =	vld [tilespmem:s0+$0x1400]  }
.LBB2_18:
0xf0: {  	_ = 	snop  }
0xf1: {  	p0 =	sne.s32 s22, $0x4FC0  }
.Ltmp16:
0xf2: {  	_ = 	snop;
	(pc) =	sbr.rel @p0 .LBB2_18-.Ltmp16, $4  }
0xf3: {  	_ = 	snop  }
0xf4: {  	s2 =	sshra.s32 s22, $0x2;
	v3 =	vadd.f32 v2, v1  }
0xf5: {  	v1 =	vld [tilespmem:s2+$0x0]  }
0xf6: {  	s22 =	sadd.s32 $0x40, s22;
	v2 =	vld [tilespmem:s2+$0x1400];
	[tilespmem:s0+$0x4C68] =	vst v3;
	s0 =	smov.u32 s2  }
0xf7: {  	_ =	sdelay $0x3  }
0xf8: {  	s21 =	sadd.s32 $0x1, s21;
	v1 =	vadd.f32 v2, v1  }
0xf9: {  	p0 =	sne.s32 s21, s12  }
.Ltmp17:
0xfa: {  	s31 =	simm.s32 $0x4C68;
	[tilespmem:s0+$0x4C68] =	vst v1;
	(pc) =	sbr.rel @p0 .LBB2_1-.Ltmp17, $4  }
0xfb: {  	[hbm4b:s11+s3] =	stream.linear.scatter [tilespmem:s31], [sflag:$0x2], $0x1400, $0x38;
	[tilespmem:$0x6068] =	vst v63  }
0xfc: {  	_ =	swait.ge [sflag:s14], $0x1400  }
0xfd: {  	[sflag:s14] =	ssyncset.done $0x0  }
0xfe: {  	[sflag:s14] =	ssyncadd.s32 $0xFFFFEC00  }
0xff: {  	_ =	sfence.sel $0x180000  }
0x100: {  	[bflag:$0x0] =	sbarrier.arrive $0xFFFF  }
0x101: {  	_ =	strace $0x9000004D  }
0x102: {  	s0 =	stileid.u32;
	[bflag:$0x2] =	sbarrier.arrive $0xFFFF  }
0x103: {  	p0 =	sne.s32 s0, $0x0;
	s0 =	rddreg [dreg:$0x2]  }
0x104: {  	s0 =	sadd.s32 @!p0 $0x100000, s0  }
0x105: {  	[sflag:s0] =	ssyncadd.tile.s32 @!p0 $0x1;
	_ =	shalt  }
.Lfunc_end2:
_tile_overlayer_lowered:
.L_overlay_start_2:
0x106: {  	(tag) =	ssettag $0x2  }
0x107: {  	s0 =	rddreg [dreg:$0x0];
	s2 =	stileid.u32  }
0x108: {  	s1 =	rddreg [dreg:$0x1];
	p0 =	sne.s32 s2, $0x0  }
0x109: {  	s3 =	rddreg [dreg:$0x2];
	[bflag:$0x3] =	sbarrier.arrive $0xFFFF;
	s2 =	simm.s32 @!p0 $0x1C02  }
0x10a: {  	[timem:s3], [sflag:s2] =	dma.local @!p0 [hbm:s0], s1  }
0x10b: {  	s0 =	simm.s32 @!p0 $0x2  }
0x10c: {  	_ =	swait.ge @!p0 [sflag:s0], s1  }
0x10d: {  	s1 =	ssub.s32 @!p0 $0x0, s1;
	[sflag:s0] =	ssyncset.done @!p0 $0x0  }
0x10e: {  	[sflag:s0] =	ssyncadd.s32 @!p0 s1  }
0x10f: {  	[bflag:$0x3] =	sbarrier.arrive $0xFFFF  }
0x110: {  	_ =	shalt  }

// kernel: kernel.8.cloned.1.call-start
scs
__scs_entry_jumppad:
0x0: {  	(pc) =	sbr.rel $0x88, $3  }
0x1: {  	(tag) =	ssettag $0x0;
	lr =	simm.s32 $0x1  }
0x2: {  	[smem:$0x3F94] =	sst lr;
	_ =	strace $0xD0000000  }
0x3: {  	_ = 	snop  }
0x4: {  	_ = 	snop  }
0x5: {  	_ = 	snop  }
0x6: {  	_ = 	snop  }
0x7: {  	_ = 	snop  }
__scs_overlays_trampoline_lowered:
0x8: {  	[smem:$0x3FA3] =	sst s0  }
0x9: {  	[smem:$0x3FA4] =	sst s1  }
0xa: {  	[smem:$0x3FA5] =	sst s2  }
0xb: {  	[smem:$0x3FA6] =	sst s3  }
0xc: {  	[smem:$0x3FA7] =	sst s4  }
0xd: {  	[smem:$0x3FA8] =	sst s5  }
0xe: {  	[smem:$0x3FA9] =	sst s6  }
0xf: {  	[smem:$0x3FAA] =	sst s7  }
0x10: {  	[smem:$0x3FAB] =	sst s8  }
0x11: {  	[smem:$0x3FAC] =	sst s9;
	s0 =	simm.s32 @!p0 $0x0  }
0x12: {  	s1 =	sld [smem:$0x3F92];
	s0 =	simm.s32 @p0 $0x1  }
0x13: {  	[smem:$0x3FAD] =	sst s0;
	s0 =	simm.s32 @!p1 $0x0  }
0x14: {  	s2 =	sld [smem:$0x3F91];
	s0 =	simm.s32 @p1 $0x1  }
0x15: {  	[smem:$0x3FAE] =	sst s0;
	s0 =	simm.s32 @!p2 $0x0  }
0x16: {  	s3 =	sld [smem:$0x3FDB];
	s0 =	simm.s32 @p2 $0x1  }
0x17: {  	s4 =	simm.s32 $0x1BF5;
	[smem:$0x3FB0] =	sst s0  }
0x18: {  	s0 =	sld [smem:$0x3F93];
	_ =	swait.ge [sflag:s4], $0x0  }
0x19: {  	s7 =	sld [smem:$0x3F94]  }
0x1a: {  	s8 =	sadd.s32 $0xFFFFE003, lr  }
0x1b: {  	s9 =	sadd.s32 $0xFFFFFEF7, lr;
	s5 =	simm.s32 $0xFFFFFFFF;
	p2 =	slt.u32 s8, $0xFFFFF086  }
0x1c: {  	p1 =	slt.u32 s9, $0xF7A;
	s5 =	simm.s32 @!p2 $0x0  }
0x1d: {  	s5 =	simm.s32 @p1 $0x1;
	p0 =	seq.s32 s7, s2  }
0x1e: {  	s7 =	smul.u32 @!p0 $0xF7A, s2;
	p2 =	seq.s32 @!p0 s5, $0x0  }
0x1f: {  	s9 =	smul.u32 $0xF7A, s1;
	s8 =	simm.s32 @!p0 $0x1BF5;
	p2 =	por !p2, p0  }
0x20: {  	[sflag:s8] =	ssyncset.s32 @!p0 $0xFFFFF086;
	s6 =	sadd.s32 @!p0 s3, s7;
	s7 =	simm.s32 @!p0 $0x108  }
0x21: {  	s3 =	sadd.s32 s3, s9;
	s6 =	sadd.s32 @!p0 $0x88, s6;
	s7 =	simm.s32 @p2 $0x1082  }
0x22: {  	[simem:s7], [sflag:s8] =	dma.local @!p0 [hbm:s6], $0xF7A  }
0x23: {  	s9 =	sor.u32 $0xD0000000, s2;
	s6 =	simm.s32 $0x108;
	_ =	swait.ge @!p0 [sflag:s8], $0x0  }
0x24: {  	s3 =	sadd.s32 $0x88, s3;
	s6 =	simm.s32 @!p1 $0x1082;
	[sflag:s4] =	ssyncset.s32 $0xFFFFF086  }
0x25: {  	[simem:s6], [sflag:s4] =	dma.local [hbm:s3], $0xF7A  }
0x26: {  	[smem:$0x3F94] =	sst s1;
	(tag) =	ssettag s2;
	_ =	strace s9  }
0x27: {  	s1 =	sld [smem:$0x3FA4]  }
0x28: {  	s2 =	sld [smem:$0x3FA5]  }
0x29: {  	s4 =	sld [smem:$0x3FA7]  }
0x2a: {  	p0 =	seq.s32 s5, $0x0;
	s5 =	sld [smem:$0x3FA8]  }
0x2b: {  	s6 =	sld [smem:$0x3FA9]  }
0x2c: {  	s7 =	sld [smem:$0x3FAA]  }
0x2d: {  	s3 =	simm.s32 $0x108;
	s8 =	sld [smem:$0x3FAB]  }
0x2e: {  	s3 =	simm.s32 @!p0 $0x1082;
	s9 =	sld [smem:$0x3FAC]  }
0x2f: {  	lr =	sadd.s32 s0, s3;
	s0 =	sld [smem:$0x3FA3]  }
0x30: {  	s3 =	sld [smem:$0x3FA6]  }
0x31: {  	[smem:$0x3FAF] =	sst s10  }
0x32: {  	s10 =	sld [smem:$0x3FAD];
	_ =	sdelay $0x3  }
0x33: {  	p0 =	seq.s32 s10, $0x1;
	s10 =	sld [smem:$0x3FAF];
	_ =	sdelay $0x3  }
0x34: {  	[smem:$0x3FAF] =	sst s10  }
0x35: {  	s10 =	sld [smem:$0x3FAE];
	_ =	sdelay $0x3  }
0x36: {  	p1 =	seq.s32 s10, $0x1;
	s10 =	sld [smem:$0x3FAF];
	_ =	sdelay $0x3  }
0x37: {  	[smem:$0x3FAF] =	sst s10  }
0x38: {  	s10 =	sld [smem:$0x3FB0]  }
0x39: {  	_ = 	snop;
	(pc) =	sbr.ind lr, $3  }
0x3a: {  	_ = 	snop  }
0x3b: {  	_ = 	snop  }
0x3c: {  	p2 =	seq.s32 s10, $0x1;
	s10 =	sld [smem:$0x3FAF]  }
0x3d: {  	_ =	shalt  }
0x3e: {  	_ =	shalt  }
0x3f: {  	_ =	shalt  }
0x40: {  	_ =	shalt  }
0x41: {  	_ =	shalt  }
0x42: {  	_ =	shalt  }
0x43: {  	_ =	shalt  }
0x44: {  	_ =	shalt  }
0x45: {  	_ =	shalt  }
0x46: {  	_ =	shalt  }
0x47: {  	_ =	shalt  }
0x48: {  	_ =	shalt  }
0x49: {  	_ =	shalt  }
0x4a: {  	_ =	shalt  }
0x4b: {  	_ =	shalt  }
0x4c: {  	_ =	shalt  }
0x4d: {  	_ =	shalt  }
0x4e: {  	_ =	shalt  }
0x4f: {  	_ =	shalt  }
0x50: {  	_ =	shalt  }
0x51: {  	_ =	shalt  }
0x52: {  	_ =	shalt  }
0x53: {  	_ =	shalt  }
0x54: {  	_ =	shalt  }
0x55: {  	_ =	shalt  }
0x56: {  	_ =	shalt  }
0x57: {  	_ =	shalt  }
0x58: {  	_ =	shalt  }
0x59: {  	_ =	shalt  }
0x5a: {  	_ =	shalt  }
0x5b: {  	_ =	shalt  }
0x5c: {  	_ =	shalt  }
0x5d: {  	_ =	shalt  }
0x5e: {  	_ =	shalt  }
0x5f: {  	_ =	shalt  }
0x60: {  	_ =	shalt  }
0x61: {  	_ =	shalt  }
0x62: {  	_ =	shalt  }
0x63: {  	_ =	shalt  }
0x64: {  	_ =	shalt  }
0x65: {  	_ =	shalt  }
0x66: {  	_ =	shalt  }
0x67: {  	_ =	shalt  }
0x68: {  	_ =	shalt  }
0x69: {  	_ =	shalt  }
0x6a: {  	_ =	shalt  }
0x6b: {  	_ =	shalt  }
0x6c: {  	_ =	shalt  }
0x6d: {  	_ =	shalt  }
0x6e: {  	_ =	shalt  }
0x6f: {  	_ =	shalt  }
0x70: {  	_ =	shalt  }
0x71: {  	_ =	shalt  }
0x72: {  	_ =	shalt  }
0x73: {  	_ =	shalt  }
0x74: {  	_ =	shalt  }
0x75: {  	_ =	shalt  }
0x76: {  	_ =	shalt  }
0x77: {  	_ =	shalt  }
0x78: {  	_ =	shalt  }
0x79: {  	_ =	shalt  }
0x7a: {  	_ =	shalt  }
0x7b: {  	_ =	shalt  }
0x7c: {  	_ =	shalt  }
0x7d: {  	_ =	shalt  }
0x7e: {  	_ =	shalt  }
0x7f: {  	_ =	shalt  }
0x80: {  	_ =	shalt  }
0x81: {  	_ =	shalt  }
0x82: {  	_ =	shalt  }
0x83: {  	_ =	shalt  }
0x84: {  	_ =	shalt  }
0x85: {  	_ =	shalt  }
0x86: {  	_ =	shalt  }
0x87: {  	_ =	shalt  }
.Lfunc_end0:
.L_simem_size_0:
called_computation.3_lowered:
.L_overlay_start_0:
0x88: {  	s2 =	sld [smem:$0x3FD9]  }
0x89: {  	s3 =	sld [smem:$0x3FFE];
	_ =	sdelay $0x1  }
0x8a: {  	s1 =	srdreg.scid  }
0x8b: {  	s0 =	sand.u32 $0x1, s1  }
0x8c: {  	s17 =	sshll.u32 s0, $0xA;
	s2 =	sadd.s32 s3, s2  }
0x8d: {  	s2 =	sadd.s32 s2, s17  }
0x8e: {  	[smem:$0x3FBB] =	sst s2  }
0x8f: {  	_ = 	snop  }
0x90: {  	s18 =	sld [smem:$0x3FBD];
	(tm) =	ssettm $0x1  }
0x91: {  	s19 =	sld [smem:$0x3FFB];
	_ =	sdelay $0x3  }
0x92: {  	_ =	strace s19  }
0x93: {  	s2 =	sld [smem:$0x3FFC];
	_ =	sdelay $0x3  }
0x94: {  	_ =	strace s2  }
0x95: {  	s2 =	sld [smem:$0x3FFD];
	_ =	sdelay $0x3  }
0x96: {  	_ =	strace s2  }
0x97: {  	_ =	strace $0x8FFFFFFF  }
0x98: {  	s20 =	sld [smem:$0x3FDB];
	_ =	sdelay $0x1  }
0x99: {  	s4 =	simm.s32 $_scs_section_size  }
0x9a: {  	s5 =	simm.s32 $_size__tile_overlayer_lowered;
	s6 =	simm.s32 $_tile_overlayer_lowered  }
0x9b: {  	s7 =	simm.s32 $0x1BFF;
	s21 =	sshll.u32 s6, $0x1;
	s4 =	sadd.s32 s4, s20  }
0x9c: {  	s22 =	simm.s32 $0x0;
	s5 =	sshll.u32 s5, $0x1;
	s6 =	sadd.s32 s21, s4  }
0x9d: {  	[timem:s22], [sflag:s7] =	dma.local [hbm:s6], s5  }
0x9e: {  	_ =	swait.ge [sflag:s7], s5  }
0x9f: {  	s5 =	ssub.s32 $0x0, s5;
	[sflag:s7] =	ssyncset.done $0x0  }
0xa0: {  	[sflag:s7] =	ssyncadd.s32 s5;
	_ =	sdelay $0x1  }
0xa1: {  	s23 =	simm.s32 $0x1B8B  }
0xa2: {  	_ =	swait.ge [sflag:s23], $0x1  }
0xa3: {  	[sflag:s23] =	ssyncset.done $0x0  }
0xa4: {  	[sflag:s23] =	ssyncadd.s32 $0xFFFFFFFF  }
0xa5: {  	s5 =	sld [smem:$0x0]  }
0xa6: {  	s6 =	sand.u32 $0xFFFFFFFE, s1  }
0xa7: {  	p0 =	sne.s32 s1, s6  }
0xa8: {  	s6 =	sshll.u32 @p0 s6, $0xE  }
0xa9: {  	s6 =	sadd.s32 @p0 $0x11B8D, s6;
	s7 =	sshll.u32 @p0 s5, $0x11  }
0xaa: {  	s6 =	sor.u32 @p0 s7, s6  }
0xab: {  	[sflag:s6] =	ssyncadd.remote.s32 @p0 $0x1;
	_ =	sdelay $0x1  }
0xac: {  	s6 =	simm.s32 @p0 $0x1B8D  }
0xad: {  	_ =	swait.eq @p0 [sflag:s6], $0x1  }
0xae: {  	[sflag:s6] =	ssyncadd.s32 @p0 $0xFFFFFFFF  }
0xaf: {  	s7 =	sshll.u32 @!p0 s1, $0xE  }
0xb0: {  	s7 =	sor.u32 @!p0 $0x4000, s7;
	s6 =	simm.s32 @!p0 $0x1B8D  }
0xb1: {  	s5 =	sshll.u32 @!p0 s5, $0x11;
	s7 =	sadd.s32 @!p0 $0x11B8D, s7;
	_ =	swait.eq @!p0 [sflag:s6], $0x1  }
0xb2: {  	s5 =	sor.u32 @!p0 s5, s7;
	[sflag:s6] =	ssyncadd.s32 @!p0 $0xFFFFFFFF  }
0xb3: {  	s25 =	simm.s32 $0x1B8E;
	s24 =	sld [smem:$0x3FFE];
	[sflag:s5] =	ssyncadd.remote.s32 @!p0 $0x1  }
0xb4: {  	s26 =	simm.s32 $execute0_lowered;
	[smem:$0x3FD2] =	sst s25  }
0xb5: {  	s6 =	sshll.u32 s26, $0x1;
	_ =	strace $0x8000004F;
	[dreg:$0x1] =	wrdreg $0xFFFFFFFF  }
0xb6: {  	s28 =	simm.s32 $_size_execute0_lowered;
	s4 =	sadd.s32 s4, s6;
	[dreg:$0x0] =	wrdreg $0x0  }
0xb7: {  	s6 =	sshll.u32 s28, $0x1;
	[dreg:$0x2] =	wrdreg s4  }
0xb8: {  	[dreg:$0x3] =	wrdreg s6  }
0xb9: {  	[dreg:$0x4] =	wrdreg $0xC0  }
0xba: {  	_ =	task [dreg:s22], $0x5FFFF  }
0xbb: {  	[dreg:$0x1] =	wrdreg $0xFFFFFFFF  }
0xbc: {  	[dreg:$0x0] =	wrdreg $0x60  }
0xbd: {  	[dreg:$0x2] =	wrdreg s24  }
0xbe: {  	[dreg:$0x3] =	wrdreg s18  }
0xbf: {  	[dreg:$0x4] =	wrdreg $0xA  }
0xc0: {  	_ =	task.clear_ibuf [dreg:s22], $0x5FFFF;
	_ =	strace $0x9000004F  }
0xc1: {  	s29 =	simm.s32 $0xA;
	_ =	strace $0x80000051  }
0xc2: {  	_ =	swait.ge [sflag:s29], $0x1  }
0xc3: {  	[sflag:s29] =	ssyncadd.s32 $0xFFFFFFFF  }
0xc4: {  	_ =	strace $0x90000051  }
0xc5: {  	_ =	sfence  }
0xc6: {  	s30 =	sld [smem:$0x0];
	_ =	sdelay $0x2  }
0xc7: {  	s31 =	sshll.u32 s1, $0xD;
	s1 =	sshrl.u32 s1, $0x2  }
0xc8: {  	s4 =	sand.u32 $0x4000, s31;
	s1 =	sadd.s32 s1, s30  }
0xc9: {  	s0 =	sor.u32 s4, s0;
	s1 =	sshll.u32 s1, $0x11  }
0xca: {  	s0 =	sor.u32 s1, s0  }
0xcb: {  	s0 =	sadd.s32 $0x8F2B, s0  }
0xcc: {  	[sflag:s0] =	ssyncadd.remote.s32 $0x1  }
0xcd: {  	_ =	sfence.sel $0xFFFF  }
0xce: {  	[dreg:$0x0] =	wrdreg $0xFFFFFFFF;
	(pc) =	sbr.abs _section_cstart, $3  }
0xcf: {  	[dreg:$0x1] =	wrdreg $0xFFFFFFFF  }
0xd0: {  	_ =	task.clear_ibuf [dreg:s22], $0x2FFFF;
	_ =	strace $0x9FFFFFFF  }
0xd1: {  	(tm) =	ssettm $0x7FFFFFFF  }
tec
execute0_lowered:
.L_overlay_start_1:
0x0: {  	(tag) =	ssettag $0x1  }
0x1: {  	s0 =	rddreg [dreg:$0x0];
	s2 =	simm.s32 $0x0;
	s5 =	srdreg.scid  }
0x2: {  	s1 =	stileid.u32;
	s14 =	simm.s32 $0x81B0;
	s15 =	simm.s32 $0x5  }
0x3: {  	s16 =	simm.s32 $0x190;
	s17 =	simm.s32 $0x320;
	s18 =	simm.s32 $0x4B0  }
0x4: {  	s19 =	simm.s32 $0x1DB0;
	s20 =	simm.s32 $0x36B0;
	s21 =	simm.s32 $0x4FB0  }
0x5: {  	s22 =	simm.s32 $0x1;
	s23 =	simm.s32 $0x2;
	s24 =	simm.s32 $0x3  }
0x6: {  	s25 =	simm.s32 $0x4;
	s26 =	simm.s32 $0x68B0;
	s28 =	simm.s32 $0x0  }
0x7: {  	[smem:$0x7FF] =	sst s2;
	s3 =	sadd.s32 $0x5200, s0;
	s4 =	sadd.s32 $0xF000, s0  }
0x8: {  	s6 =	sadd.s32 $0x40600, s0;
	s7 =	sadd.s32 $0x1B8000, s0;
	s5 =	sand.u32 $0x1, s5  }
0x9: {  	s8 =	sadd.s32 $0x1B3000, s0;
	s9 =	sadd.s32 $0x76C00, s0;
	s12 =	ssub.s32 $0x2, s5  }
0xa: {  	s11 =	sshll.u32 s1, $0x1;
	s10 =	sadd.s32 $0x558E00, s0;
	s13 =	sshrl.u32 s12, $0x1  }
0xb: {  	_ =	strace $0x80000050;
	s5 =	sor.u32 s5, s11;
	s31 =	ssub.s32 s12, s13  }
0xc: {  	s11 =	sadd.s32 $0x1BD000, s0;
	s12 =	smul.u32 $0x2710, s5;
	s13 =	smax.u32 s31, $0x1  }
.LBB2_1:
0xd: {  	s0 =	rddreg [dreg:$0x1]  }
0xe: {  	[tilespmem:s14], [sflag:$0x5] =	stream.linear.gather [hbm4b:s0+s2], $0x10, $0x38;
	[tilespmem:$0x81C0] =	vst v63  }
0xf: {  	_ =	swait.ge [sflag:s15], $0x10  }
0x10: {  	[sflag:s15] =	ssyncset.done $0x0  }
0x11: {  	[sflag:s15] =	ssyncadd.s32 $0xFFFFFFF0  }
0x12: {  	v0 =	vld [tilespmem:$0x81B0];
	_ =	sdelay $0x2  }
0x13: {  	s29 =	simm.s32 $0x0  }
.LBB2_2:
0x14: {  	s0 =	smul.u32 $0x190, s29;
	_ =	sdelay $0x1  }
0x15: {  	s0 =	sadd.s32 s12, s0  }
0x16: {  	s5 =	sshrl.u32 s0, $0x3  }
0x17: {  	s31 =	simm.s32 $0x0;
	s30 =	sadd.s32 s3, s5  }
0x18: {  	[tilespmem:s31], [sflag:$0x5] =	stream.linear.gather [hbm4b:s30+s31], $0x190, $0x38;
	[tilespmem:$0x81C0] =	vst v63  }
0x19: {  	_ =	swait.ge [sflag:s15], $0x190  }
0x1a: {  	[sflag:s15] =	ssyncset.done $0x0  }
0x1b: {  	s30 =	sadd.s32 s4, s5;
	[sflag:s15] =	ssyncadd.s32 $0xFFFFFE70  }
0x1c: {  	[tilespmem:s16], [sflag:$0x5] =	stream.linear.gather [hbm4b:s30+s31], $0x190, $0x38;
	[tilespmem:$0x81C0] =	vst v63  }
0x1d: {  	_ =	swait.ge [sflag:s15], $0x190  }
0x1e: {  	[sflag:s15] =	ssyncset.done $0x0  }
0x1f: {  	s5 =	sadd.s32 s6, s5;
	[sflag:s15] =	ssyncadd.s32 $0xFFFFFE70  }
0x20: {  	[tilespmem:s17], [sflag:$0x5] =	stream.linear.gather [hbm4b:s5+s31], $0x190, $0x38;
	[tilespmem:$0x81C0] =	vst v63  }
0x21: {  	_ =	swait.ge [sflag:s15], $0x190  }
0x22: {  	[sflag:s15] =	ssyncset.done $0x0  }
0x23: {  	[sflag:s15] =	ssyncadd.s32 $0xFFFFFE70  }
0x24: {  	[tilespmem:s18], [sflag:$0x1] =	stream.indirect.gather [hbm4b:s7+s16], $0x10, s31, s16, $0xb8;
	[tilespmem:$0x81C0] =	vst v63  }
0x25: {  	_ = 	snop  }
0x26: {  	[tilespmem:s19], [sflag:$0x2] =	stream.indirect.gather [hbm4b:s8+s16], $0x10, s16, s16, $0xb8;
	[tilespmem:$0x81C0] =	vst v63  }
0x27: {  	s30 =	sshll.u32 s0, $0x1  }
0x28: {  	[tilespmem:s20], [sflag:$0x3] =	stream.indirect.gather [hbm4b:s10+s16], $0x10, s17, s16, $0xb8;
	[tilespmem:$0x81C0] =	vst v63  }
0x29: {  	s0 =	sadd.s32 s9, s30  }
0x2a: {  	[tilespmem:s21], [sflag:$0x4] =	stream.linear.gather [hbm4b:s0+s31], $0x1900, $0x38;
	[tilespmem:$0x81C0] =	vst v63  }
0x2b: {  	_ =	swait.ge [sflag:s22], $0x1900  }
0x2c: {  	[sflag:s22] =	ssyncset.done $0x0  }
0x2d: {  	[sflag:s22] =	ssyncadd.s32 $0xFFFFE700  }
0x2e: {  	_ =	swait.ge [sflag:s23], $0x1900  }
0x2f: {  	[sflag:s23] =	ssyncset.done $0x0  }
0x30: {  	[sflag:s23] =	ssyncadd.s32 $0xFFFFE700  }
0x31: {  	_ =	swait.ge [sflag:s24], $0x1900  }
0x32: {  	[sflag:s24] =	ssyncset.done $0x0  }
0x33: {  	[sflag:s24] =	ssyncadd.s32 $0xFFFFE700  }
0x34: {  	_ =	swait.ge [sflag:s25], $0x1900  }
0x35: {  	[sflag:s25] =	ssyncset.done $0x0  }
0x36: {  	s31 =	simm.s32 $0x0;
	[sflag:s25] =	ssyncadd.s32 $0xFFFFE700  }
0x37: {  	v1 =	vld [tilespmem:s31+$0x4B0]  }
0x38: {  	v2 =	vld [tilespmem:s31+$0x4FB0];
	_ =	sdelay $0x1  }
0x39: {  	v3 =	vld [tilespmem:s31+$0x36B0];
	_ =	sdelay $0x2  }
0x3a: {  	s0 =	simm.s32 $0x10;
	v4 =	vld [tilespmem:s31+$0x1DB0];
	v2 =	vadd.f32 v2, v1  }
0x3b: {  	v1 =	vld [tilespmem:s0+$0x4B0]  }
0x3c: {  	v5 =	vadd.f32 v3, v2;
	v2 =	vld [tilespmem:s0+$0x4FB0];
	_ =	sdelay $0x1  }
0x3d: {  	v3 =	vld [tilespmem:s0+$0x36B0]  }
0x3e: {  	s5 =	simm.s32 $0x80;
	v4 =	vadd.f32 v4, v5  }
.LBB2_3:
0x3f: {  	s1 =	sshra.s32 s5, $0x2;
	v5 =	vld [tilespmem:s0+$0x1DB0];
	p0 =	sne.s32 s5, $0x63C0  }
.Ltmp0:
0x40: {  	s5 =	sadd.s32 $0x40, s5;
	v6 =	vadd.f32 v2, v1;
	v1 =	vld [tilespmem:s1+$0x4B0];
	v4 =	vadd.f32 v4, v0;
	(pc) =	sbr.rel @p0 .LBB2_3-.Ltmp0, $4  }
0x41: {  	v2 =	vld [tilespmem:s1+$0x4FB0]  }
0x42: {  	v6 =	vadd.f32 v3, v6;
	v4 =	vmax.f32 v4, $0.0e+00  }
0x43: {  	v3 =	vld [tilespmem:s1+$0x36B0];
	[tilespmem:s31+$0x68B0] =	vst v4;
	s31 =	smov.u32 s0;
	s0 =	smov.u32 s1  }
0x44: {  	v4 =	vadd.f32 v5, v6  }
0x45: {  	v5 =	vld [tilespmem:s0+$0x1DB0]  }
0x46: {  	v1 =	vadd.f32 v2, v1;
	_ =	sdelay $0x1  }
0x47: {  	v1 =	vadd.f32 v3, v1;
	_ =	sdelay $0x1  }
0x48: {  	v1 =	vadd.f32 v5, v1  }
0x49: {  	v2 =	vadd.f32 v4, v0  }
0x4a: {  	v1 =	vadd.f32 v1, v0  }
0x4b: {  	s29 =	sadd.s32 $0x1, s29;
	v2 =	vmax.f32 v2, $0.0e+00  }
0x4c: {  	p0 =	sne.s32 s29, $0x19;
	[tilespmem:s31+$0x68B0] =	vst v2;
	v1 =	vmax.f32 v1, $0.0e+00  }
.Ltmp1:
0x4d: {  	s31 =	sadd.s32 s11, s30;
	[tilespmem:s0+$0x68B0] =	vst v1;
	(pc) =	sbr.rel @p0 .LBB2_2-.Ltmp1, $4  }
0x4e: {  	[hbm4b:s31+s2] =	stream.linear.scatter [tilespmem:s26], [sflag:$0x5], $0x1900, $0x38;
	[tilespmem:$0x81C0] =	vst v63  }
0x4f: {  	_ =	swait.ge [sflag:s15], $0x1900  }
0x50: {  	[sflag:s15] =	ssyncset.done $0x0  }
0x51: {  	[sflag:s15] =	ssyncadd.s32 $0xFFFFE700  }
0x52: {  	s28 =	sadd.s32 $0x1, s28  }
0x53: {  	p0 =	sne.s32 s28, s13  }
.Ltmp2:
0x54: {  	_ = 	snop;
	(pc) =	sbr.rel @p0 .LBB2_1-.Ltmp2, $1  }
0x55: {  	_ =	sdelay $0x3  }
0x56: {  	_ =	sfence.sel $0x180000  }
0x57: {  	[bflag:$0x0] =	sbarrier.arrive $0xFFFF  }
0x58: {  	_ =	strace $0x90000050  }
0x59: {  	s0 =	stileid.u32;
	[bflag:$0x2] =	sbarrier.arrive $0xFFFF  }
0x5a: {  	p0 =	sne.s32 s0, $0x0;
	s0 =	rddreg [dreg:$0x2]  }
0x5b: {  	s0 =	sadd.s32 @!p0 $0x100000, s0  }
0x5c: {  	[sflag:s0] =	ssyncadd.tile.s32 @!p0 $0x1;
	_ =	shalt  }
.Lfunc_end2:
_tile_overlayer_lowered:
.L_overlay_start_2:
0x5d: {  	(tag) =	ssettag $0x2  }
0x5e: {  	s0 =	rddreg [dreg:$0x0];
	s2 =	stileid.u32  }
0x5f: {  	s1 =	rddreg [dreg:$0x1];
	p0 =	sne.s32 s2, $0x0  }
0x60: {  	s3 =	rddreg [dreg:$0x2];
	[bflag:$0x3] =	sbarrier.arrive $0xFFFF;
	s2 =	simm.s32 @!p0 $0x1C05  }
0x61: {  	[timem:s3], [sflag:s2] =	dma.local @!p0 [hbm:s0], s1  }
0x62: {  	s0 =	simm.s32 @!p0 $0x5  }
0x63: {  	_ =	swait.ge @!p0 [sflag:s0], s1  }
0x64: {  	s1 =	ssub.s32 @!p0 $0x0, s1;
	[sflag:s0] =	ssyncset.done @!p0 $0x0  }
0x65: {  	[sflag:s0] =	ssyncadd.s32 @!p0 s1  }
0x66: {  	[bflag:$0x3] =	sbarrier.arrive $0xFFFF  }
0x67: {  	_ =	shalt  }

</sc_bundles>
